<compile_context>
chip_gen: v7x
topology: tpu7x:2x2x1
jax: 0.10.2.dev20260603
libtpu: 0.0.44.dev20260713+nightly
codegen_flags: <defaults>
</compile_context>

<pallas_src>
import functools

import jax
import jax.numpy as jnp
from jax import lax
from jax.experimental import pallas as pl
from jax.experimental.pallas import tpu as pltpu
from jax.experimental.pallas import tpu_sc as plsc

VOCAB = 1000000
EMBED_DIM = 64
INPUT_SIZE = 20
TARGET_DIM = 10
BATCH = 16384

N_ROWS = BATCH * INPUT_SIZE


def _make_sc_gather(n_rows):
    info = plsc.get_sparse_core_info()
    NC, NS = info.num_cores, info.num_subcores
    NW = NC * NS
    rows_per_w = n_rows // NW
    CH = 128
    NCH = rows_per_w // CH
    UNROLL = 16

    mesh = plsc.VectorSubcoreMesh(core_axis_name="c", subcore_axis_name="s")

    @functools.partial(
        pl.kernel,
        mesh=mesh,
        out_type=jax.ShapeDtypeStruct((n_rows, EMBED_DIM), jnp.float32),
        scratch_types=[
            pltpu.VMEM((rows_per_w,), jnp.int32),
            pltpu.VMEM((CH, EMBED_DIM), jnp.float32),
            pltpu.VMEM((CH, EMBED_DIM), jnp.float32),
            pltpu.SemaphoreType.DMA,
            pltpu.SemaphoreType.DMA,
            pltpu.SemaphoreType.DMA,
            pltpu.SemaphoreType.DMA,
        ],
    )
    def gather_k(table_hbm, idx_hbm, out_hbm, idx_v, rows0, rows1,
                 sg0, sg1, sw0, sw1):
        wid = lax.axis_index("s") * NC + lax.axis_index("c")
        base = wid * rows_per_w
        pltpu.sync_copy(idx_hbm.at[pl.ds(base, rows_per_w)], idx_v)

        rows = (rows0, rows1)
        sg = (sg0, sg1)
        sw = (sw0, sw1)

        def fire_chunk(i, s):
            def body(g, carry):
                j = g * UNROLL
                vec = idx_v[pl.ds(i * CH + j, UNROLL)]
                for k in range(UNROLL):
                    pltpu.async_copy(
                        table_hbm.at[pl.ds(vec[k], 1)],
                        rows[s].at[pl.ds(j + k, 1)],
                        sg[s])
                return carry

            lax.fori_loop(0, CH // UNROLL, body, 0)

        def drain_gather(s):
            pltpu.make_async_copy(
                table_hbm.at[pl.ds(0, CH)], rows[s], sg[s]).wait()

        def wait_writeback(s):
            pltpu.make_async_copy(
                rows[s], out_hbm.at[pl.ds(base, CH)], sw[s]).wait()

        def outer(p, carry):
            i0 = p * 2
            for b in range(2):
                @pl.when((i0 + b) >= 2)
                def _():
                    wait_writeback(b)
                fire_chunk(i0 + b, b)
            for b in range(2):
                drain_gather(b)
                pltpu.async_copy(
                    rows[b],
                    out_hbm.at[pl.ds(base + (i0 + b) * CH, CH)],
                    sw[b])
            return carry

        lax.fori_loop(0, NCH // 2, outer, 0)
        wait_writeback(0)
        wait_writeback(1)

    return gather_k


_HALF_ROWS = N_ROWS // 2
_sc_gather = _make_sc_gather(_HALF_ROWS)

_TC_BLK = 256


def _tc_body(f_ref, w_ref, b_ref, o_ref):
    pieces = [
        jnp.maximum(f_ref[pl.ds(i * _TC_BLK, _TC_BLK), :], 0.0)
        for i in range(INPUT_SIZE)
    ]
    f = jnp.concatenate(pieces, axis=1)
    acc = lax.dot_general(
        f, w_ref[...], (((1,), (1,)), ((), ())),
        preferred_element_type=jnp.float32)
    o_ref[...] = acc + b_ref[...]


def _tc_linear(features, W, b2, batch):
    grid = (batch // _TC_BLK,)
    return pl.pallas_call(
        _tc_body,
        grid=grid,
        in_specs=[
            pl.BlockSpec((_TC_BLK * INPUT_SIZE, EMBED_DIM), lambda i: (i, 0)),
            pl.BlockSpec((TARGET_DIM, INPUT_SIZE * EMBED_DIM), lambda i: (0, 0)),
            pl.BlockSpec((1, TARGET_DIM), lambda i: (0, 0)),
        ],
        out_specs=pl.BlockSpec((_TC_BLK, TARGET_DIM), lambda i: (i, 0)),
        out_shape=jax.ShapeDtypeStruct((batch, TARGET_DIM), jnp.float32),
    )(features, W, b2)


def kernel(x, embedding, W, b):
    nblk = BATCH // _TC_BLK
    idx = (x.astype(jnp.int32)
           .reshape(nblk, _TC_BLK, INPUT_SIZE)
           .transpose(0, 2, 1)
           .reshape(-1))
    b2 = b.reshape(1, TARGET_DIM)
    outs = []
    for h in range(2):
        idx_h = lax.dynamic_slice_in_dim(idx, h * _HALF_ROWS, _HALF_ROWS)
        feats = _sc_gather(embedding, idx_h)
        outs.append(_tc_linear(feats, W, b2, BATCH // 2))
    return jnp.concatenate(outs, axis=0)

# --- scband reference (transcript-rebuilt; emitter-appended) ---
"""Pipeline reference for scband-my-model-with-pretrained-embedding-58411555225701 (READ-ONLY COPY).

The authoritative reference and input builder live on the scoring server;
editing this copy changes nothing except your own understanding.
"""

import jax, jax.numpy as jnp
import numpy as np

VOCAB = 1000000
EMBED_DIM = 64
INPUT_SIZE = 20
TARGET_DIM = 10
BATCH = 16384


def setup_inputs(seed: int = 0) -> dict:
    key = jax.random.key(seed)
    k1, k2, k3, k4 = jax.random.split(key, 4)
    x = jax.random.randint(k1, (BATCH, INPUT_SIZE), 0, VOCAB, dtype=jnp.int64 if jax.config.jax_enable_x64 else jnp.int32)
    embedding = jax.random.normal(k2, (VOCAB, EMBED_DIM), dtype=jnp.float32)
    # Linear layer params (torch nn.Linear: out = x @ W.T + b)
    fan_in = INPUT_SIZE * EMBED_DIM
    bound = 1.0 / np.sqrt(fan_in)
    W = jax.random.uniform(k3, (TARGET_DIM, fan_in), minval=-bound, maxval=bound, dtype=jnp.float32)
    b = jax.random.uniform(k4, (TARGET_DIM,), minval=-bound, maxval=bound, dtype=jnp.float32)
    return {"x": x, "embedding": embedding, "W": W, "b": b}


def reference(x, embedding, W, b):
    # features = self.embedding[x].reshape(x.size()[0], -1)
    features = jnp.take(embedding, x, axis=0)  # [B, input_size, embed_dim]
    features = features.reshape(x.shape[0], -1)  # [B, input_size*embed_dim]
    # features = F.relu(features)
    features = jax.nn.relu(features)
    # features = self.lin(features)
    out = features @ W.T + b
    return out

if __name__ == "__main__":
    import jax
    _d = setup_inputs()
    print(jax.jit(kernel)(*tuple(_d.values())))

</pallas_src>

<mosaic_0001>
#map = affine_map<(d0, d1) -> (0, 0)>
#map1 = affine_map<(d0, d1) -> (0)>
module attributes {stable_mosaic.version = 14 : i64} {
  func.func @gather_k(%arg0: i32, %arg1: i32, %arg2: memref<1000000x64xf32, #tpu.memory_space<hbm>>, %arg3: memref<163840xi32, #tpu.memory_space<hbm>>, %arg4: memref<163840x64xf32, #tpu.memory_space<hbm>>, %arg5: memref<5120xi32, #tpu.memory_space<vmem>>, %arg6: memref<128x64xf32, #tpu.memory_space<vmem>>, %arg7: memref<128x64xf32, #tpu.memory_space<vmem>>, %arg8: memref<!tpu.dma_semaphore, #tpu.memory_space<semaphore_mem>>, %arg9: memref<!tpu.dma_semaphore, #tpu.memory_space<semaphore_mem>>, %arg10: memref<!tpu.dma_semaphore, #tpu.memory_space<semaphore_mem>>, %arg11: memref<!tpu.dma_semaphore, #tpu.memory_space<semaphore_mem>>) attributes {dimension_semantics = [#tpu.dimension_semantics<core_parallel>, #tpu.dimension_semantics<subcore_parallel>], iteration_bounds = array<i64: 2, 16>, scalar_prefetch = 0 : i64, scratch_operands = 7 : i64, tpu.core_type = #tpu.core_type<sc_vector_subcore>, window_params = [{transform_indices = #map}, {transform_indices = #map1}, {transform_indices = #map}]} {
    %mul3A = arith.constant 2 : i32
    %mul3A_0 = arith.muli %arg1, %mul3A : i32
    %add3A = arith.addi %mul3A_0, %arg0 : i32
    %mul3A_1 = arith.constant 5120 : i32
    %mul3A_2 = arith.muli %add3A, %mul3A_1 : i32
    "tpu.region"() ({
      %run_scoped3A = tpu.sem_alloc : memref<!tpu.dma_semaphore, #tpu.memory_space<semaphore_mem>>
      %dma_start3A = tpu.memref_slice %arg3[%mul3A_2] : memref<163840xi32, #tpu.memory_space<hbm>> -> memref<5120xi32, #tpu.memory_space<hbm>>
      %dma_start3A_15 = tpu.memref_slice %arg3[%mul3A_2] : memref<163840xi32, #tpu.memory_space<hbm>> -> memref<5120xi32, #tpu.memory_space<hbm>>
      tpu.enqueue_dma source(%dma_start3A_15 : memref<5120xi32, #tpu.memory_space<hbm>>) target(%arg5 : memref<5120xi32, #tpu.memory_space<vmem>>) target_semaphore(%run_scoped3A : memref<!tpu.dma_semaphore, #tpu.memory_space<semaphore_mem>>)
      %dma_wait3A_16 = tpu.memref_slice %arg3[%mul3A_2] : memref<163840xi32, #tpu.memory_space<hbm>> -> memref<5120xi32, #tpu.memory_space<hbm>>
      %dma_wait3A_17 = tpu.memref_slice %arg3[%mul3A_2] : memref<163840xi32, #tpu.memory_space<hbm>> -> memref<5120xi32, #tpu.memory_space<hbm>>
      tpu.wait_dma2 semaphore(%run_scoped3A : memref<!tpu.dma_semaphore, #tpu.memory_space<semaphore_mem>>) src(%dma_wait3A_17 : memref<5120xi32, #tpu.memory_space<hbm>>) dst(%arg5 : memref<5120xi32, #tpu.memory_space<vmem>>)
      tpu.yield
    }) : () -> ()
    %scan3A = arith.constant 0 : i32
    %scan3A_3 = arith.constant 0 : i32
    %scan3A_4 = arith.constant 20 : i32
    %scan3A_5 = arith.addi %scan3A_3, %scan3A_4 : i32
    %scan3A_6 = arith.constant 1 : i32
    scf.for %scan3A_15 = %scan3A_3 to %scan3A_5 step %scan3A_6  : i32 {
      %mul3A_16 = arith.constant 2 : i32
      %mul3A_17 = arith.muli %scan3A_15, %mul3A_16 : i32
      %add3A_18 = arith.constant 0 : i32
      %add3A_19 = arith.addi %mul3A_17, %add3A_18 : i32
      %ge3A = arith.constant 2 : i32
      %ge3A_20 = arith.cmpi sge, %add3A_19, %ge3A : i32
      %convert_element_type3A = arith.extui %ge3A_20 : i1 to i32
      %cond3A = arith.constant 0 : i32
      %cond3A_21 = arith.cmpi ne, %convert_element_type3A, %cond3A : i32
      scf.if %cond3A_21 {
        %dma_wait3A_74 = arith.constant 0 : i32
        %dma_wait3A_75 = tpu.memref_slice %arg4[%mul3A_2, %dma_wait3A_74] : memref<163840x64xf32, #tpu.memory_space<hbm>> -> memref<128x64xf32, #tpu.memory_space<hbm>>
        %dma_wait3A_76 = arith.constant 0 : i32
        %dma_wait3A_77 = tpu.memref_slice %arg4[%mul3A_2, %dma_wait3A_76] : memref<163840x64xf32, #tpu.memory_space<hbm>> -> memref<128x64xf32, #tpu.memory_space<hbm>>
        tpu.wait_dma2 semaphore(%arg10 : memref<!tpu.dma_semaphore, #tpu.memory_space<semaphore_mem>>) src(%arg6 : memref<128x64xf32, #tpu.memory_space<vmem>>) dst(%dma_wait3A_77 : memref<128x64xf32, #tpu.memory_space<hbm>>)
      } else {
      }
      %add3A_22 = arith.constant 0 : i32
      %add3A_23 = arith.addi %mul3A_17, %add3A_22 : i32
      %scan3A_24 = arith.constant 0 : i32
      %scan3A_25 = arith.constant 0 : i32
      %scan3A_26 = arith.constant 8 : i32
      %scan3A_27 = arith.addi %scan3A_25, %scan3A_26 : i32
      %scan3A_28 = arith.constant 1 : i32
      scf.for %scan3A_74 = %scan3A_25 to %scan3A_27 step %scan3A_28  : i32 {
        %mul3A_75 = arith.constant 16 : i32
        %mul3A_76 = arith.muli %scan3A_74, %mul3A_75 : i32
        %mul3A_77 = arith.constant 128 : i32
        %mul3A_78 = arith.muli %add3A_23, %mul3A_77 : i32
        %add3A_79 = arith.addi %mul3A_78, %mul3A_76 : i32
        %get3A = arith.index_cast %add3A_79 : i32 to index
        %get3A_80 = tpu.vector_load %arg5[%get3A] {strides = array<i32>} : memref<5120xi32, #tpu.memory_space<vmem>>, vector<16xi32>,
        %get3A_81 = vector.shape_cast %get3A_80 : vector<16xi32> to vector<16xi32>
        %slice3A = vector.extract_strided_slice %get3A_81 {offsets = [0], sizes = [1], strides = [1]} : vector<16xi32> to vector<1xi32>
        %squeeze3A = vector.extract %slice3A[0] : i32 from vector<1xi32>
        %add3A_82 = arith.constant 0 : i32
        %add3A_83 = arith.addi %mul3A_76, %add3A_82 : i32
        %dma_start3A_84 = arith.constant 0 : i32
        %dma_start3A_85 = tpu.memref_slice %arg6[%add3A_83, %dma_start3A_84] : memref<128x64xf32, #tpu.memory_space<vmem>> -> memref<1x64xf32, #tpu.memory_space<vmem>>
        %dma_start3A_86 = arith.constant 0 : i32
        %dma_start3A_87 = tpu.memref_slice %arg2[%squeeze3A, %dma_start3A_86] : memref<1000000x64xf32, #tpu.memory_space<hbm>> -> memref<1x64xf32, #tpu.memory_space<hbm>>
        %dma_start3A_88 = arith.constant 0 : i32
        %dma_start3A_89 = tpu.memref_slice %arg6[%add3A_83, %dma_start3A_88] : memref<128x64xf32, #tpu.memory_space<vmem>> -> memref<1x64xf32, #tpu.memory_space<vmem>>
        %dma_start3A_90 = arith.constant 0 : i32
        %dma_start3A_91 = tpu.memref_slice %arg2[%squeeze3A, %dma_start3A_90] : memref<1000000x64xf32, #tpu.memory_space<hbm>> -> memref<1x64xf32, #tpu.memory_space<hbm>>
        tpu.enqueue_dma source(%dma_start3A_91 : memref<1x64xf32, #tpu.memory_space<hbm>>) target(%dma_start3A_89 : memref<1x64xf32, #tpu.memory_space<vmem>>) target_semaphore(%arg8 : memref<!tpu.dma_semaphore, #tpu.memory_space<semaphore_mem>>)
        %slice3A_92 = vector.extract_strided_slice %get3A_81 {offsets = [1], sizes = [1], strides = [1]} : vector<16xi32> to vector<1xi32>
        %squeeze3A_93 = vector.extract %slice3A_92[0] : i32 from vector<1xi32>
        %add3A_94 = arith.constant 1 : i32
        %add3A_95 = arith.addi %mul3A_76, %add3A_94 : i32
        %dma_start3A_96 = arith.constant 0 : i32
        %dma_start3A_97 = tpu.memref_slice %arg6[%add3A_95, %dma_start3A_96] : memref<128x64xf32, #tpu.memory_space<vmem>> -> memref<1x64xf32, #tpu.memory_space<vmem>>
        %dma_start3A_98 = arith.constant 0 : i32
        %dma_start3A_99 = tpu.memref_slice %arg2[%squeeze3A_93, %dma_start3A_98] : memref<1000000x64xf32, #tpu.memory_space<hbm>> -> memref<1x64xf32, #tpu.memory_space<hbm>>
        %dma_start3A_100 = arith.constant 0 : i32
        %dma_start3A_101 = tpu.memref_slice %arg6[%add3A_95, %dma_start3A_100] : memref<128x64xf32, #tpu.memory_space<vmem>> -> memref<1x64xf32, #tpu.memory_space<vmem>>
        %dma_start3A_102 = arith.constant 0 : i32
        %dma_start3A_103 = tpu.memref_slice %arg2[%squeeze3A_93, %dma_start3A_102] : memref<1000000x64xf32, #tpu.memory_space<hbm>> -> memref<1x64xf32, #tpu.memory_space<hbm>>
        tpu.enqueue_dma source(%dma_start3A_103 : memref<1x64xf32, #tpu.memory_space<hbm>>) target(%dma_start3A_101 : memref<1x64xf32, #tpu.memory_space<vmem>>) target_semaphore(%arg8 : memref<!tpu.dma_semaphore, #tpu.memory_space<semaphore_mem>>)
        %slice3A_104 = vector.extract_strided_slice %get3A_81 {offsets = [2], sizes = [1], strides = [1]} : vector<16xi32> to vector<1xi32>
        %squeeze3A_105 = vector.extract %slice3A_104[0] : i32 from vector<1xi32>
        %add3A_106 = arith.constant 2 : i32
        %add3A_107 = arith.addi %mul3A_76, %add3A_106 : i32
        %dma_start3A_108 = arith.constant 0 : i32
        %dma_start3A_109 = tpu.memref_slice %arg6[%add3A_107, %dma_start3A_108] : memref<128x64xf32, #tpu.memory_space<vmem>> -> memref<1x64xf32, #tpu.memory_space<vmem>>
        %dma_start3A_110 = arith.constant 0 : i32
        %dma_start3A_111 = tpu.memref_slice %arg2[%squeeze3A_105, %dma_start3A_110] : memref<1000000x64xf32, #tpu.memory_space<hbm>> -> memref<1x64xf32, #tpu.memory_space<hbm>>
        %dma_start3A_112 = arith.constant 0 : i32
        %dma_start3A_113 = tpu.memref_slice %arg6[%add3A_107, %dma_start3A_112] : memref<128x64xf32, #tpu.memory_space<vmem>> -> memref<1x64xf32, #tpu.memory_space<vmem>>
        %dma_start3A_114 = arith.constant 0 : i32
        %dma_start3A_115 = tpu.memref_slice %arg2[%squeeze3A_105, %dma_start3A_114] : memref<1000000x64xf32, #tpu.memory_space<hbm>> -> memref<1x64xf32, #tpu.memory_space<hbm>>
        tpu.enqueue_dma source(%dma_start3A_115 : memref<1x64xf32, #tpu.memory_space<hbm>>) target(%dma_start3A_113 : memref<1x64xf32, #tpu.memory_space<vmem>>) target_semaphore(%arg8 : memref<!tpu.dma_semaphore, #tpu.memory_space<semaphore_mem>>)
        %slice3A_116 = vector.extract_strided_slice %get3A_81 {offsets = [3], sizes = [1], strides = [1]} : vector<16xi32> to vector<1xi32>
        %squeeze3A_117 = vector.extract %slice3A_116[0] : i32 from vector<1xi32>
        %add3A_118 = arith.constant 3 : i32
        %add3A_119 = arith.addi %mul3A_76, %add3A_118 : i32
        %dma_start3A_120 = arith.constant 0 : i32
        %dma_start3A_121 = tpu.memref_slice %arg6[%add3A_119, %dma_start3A_120] : memref<128x64xf32, #tpu.memory_space<vmem>> -> memref<1x64xf32, #tpu.memory_space<vmem>>
        %dma_start3A_122 = arith.constant 0 : i32
        %dma_start3A_123 = tpu.memref_slice %arg2[%squeeze3A_117, %dma_start3A_122] : memref<1000000x64xf32, #tpu.memory_space<hbm>> -> memref<1x64xf32, #tpu.memory_space<hbm>>
        %dma_start3A_124 = arith.constant 0 : i32
        %dma_start3A_125 = tpu.memref_slice %arg6[%add3A_119, %dma_start3A_124] : memref<128x64xf32, #tpu.memory_space<vmem>> -> memref<1x64xf32, #tpu.memory_space<vmem>>
        %dma_start3A_126 = arith.constant 0 : i32
        %dma_start3A_127 = tpu.memref_slice %arg2[%squeeze3A_117, %dma_start3A_126] : memref<1000000x64xf32, #tpu.memory_space<hbm>> -> memref<1x64xf32, #tpu.memory_space<hbm>>
        tpu.enqueue_dma source(%dma_start3A_127 : memref<1x64xf32, #tpu.memory_space<hbm>>) target(%dma_start3A_125 : memref<1x64xf32, #tpu.memory_space<vmem>>) target_semaphore(%arg8 : memref<!tpu.dma_semaphore, #tpu.memory_space<semaphore_mem>>)
        %slice3A_128 = vector.extract_strided_slice %get3A_81 {offsets = [4], sizes = [1], strides = [1]} : vector<16xi32> to vector<1xi32>
        %squeeze3A_129 = vector.extract %slice3A_128[0] : i32 from vector<1xi32>
        %add3A_130 = arith.constant 4 : i32
        %add3A_131 = arith.addi %mul3A_76, %add3A_130 : i32
        %dma_start3A_132 = arith.constant 0 : i32
        %dma_start3A_133 = tpu.memref_slice %arg6[%add3A_131, %dma_start3A_132] : memref<128x64xf32, #tpu.memory_space<vmem>> -> memref<1x64xf32, #tpu.memory_space<vmem>>
        %dma_start3A_134 = arith.constant 0 : i32
        %dma_start3A_135 = tpu.memref_slice %arg2[%squeeze3A_129, %dma_start3A_134] : memref<1000000x64xf32, #tpu.memory_space<hbm>> -> memref<1x64xf32, #tpu.memory_space<hbm>>
        %dma_start3A_136 = arith.constant 0 : i32
        %dma_start3A_137 = tpu.memref_slice %arg6[%add3A_131, %dma_start3A_136] : memref<128x64xf32, #tpu.memory_space<vmem>> -> memref<1x64xf32, #tpu.memory_space<vmem>>
        %dma_start3A_138 = arith.constant 0 : i32
        %dma_start3A_139 = tpu.memref_slice %arg2[%squeeze3A_129, %dma_start3A_138] : memref<1000000x64xf32, #tpu.memory_space<hbm>> -> memref<1x64xf32, #tpu.memory_space<hbm>>
        tpu.enqueue_dma source(%dma_start3A_139 : memref<1x64xf32, #tpu.memory_space<hbm>>) target(%dma_start3A_137 : memref<1x64xf32, #tpu.memory_space<vmem>>) target_semaphore(%arg8 : memref<!tpu.dma_semaphore, #tpu.memory_space<semaphore_mem>>)
        %slice3A_140 = vector.extract_strided_slice %get3A_81 {offsets = [5], sizes = [1], strides = [1]} : vector<16xi32> to vector<1xi32>
        %squeeze3A_141 = vector.extract %slice3A_140[0] : i32 from vector<1xi32>
        %add3A_142 = arith.constant 5 : i32
        %add3A_143 = arith.addi %mul3A_76, %add3A_142 : i32
        %dma_start3A_144 = arith.constant 0 : i32
        %dma_start3A_145 = tpu.memref_slice %arg6[%add3A_143, %dma_start3A_144] : memref<128x64xf32, #tpu.memory_space<vmem>> -> memref<1x64xf32, #tpu.memory_space<vmem>>
        %dma_start3A_146 = arith.constant 0 : i32
        %dma_start3A_147 = tpu.memref_slice %arg2[%squeeze3A_141, %dma_start3A_146] : memref<1000000x64xf32, #tpu.memory_space<hbm>> -> memref<1x64xf32, #tpu.memory_space<hbm>>
        %dma_start3A_148 = arith.constant 0 : i32
        %dma_start3A_149 = tpu.memref_slice %arg6[%add3A_143, %dma_start3A_148] : memref<128x64xf32, #tpu.memory_space<vmem>> -> memref<1x64xf32, #tpu.memory_space<vmem>>
        %dma_start3A_150 = arith.constant 0 : i32
        %dma_start3A_151 = tpu.memref_slice %arg2[%squeeze3A_141, %dma_start3A_150] : memref<1000000x64xf32, #tpu.memory_space<hbm>> -> memref<1x64xf32, #tpu.memory_space<hbm>>
        tpu.enqueue_dma source(%dma_start3A_151 : memref<1x64xf32, #tpu.memory_space<hbm>>) target(%dma_start3A_149 : memref<1x64xf32, #tpu.memory_space<vmem>>) target_semaphore(%arg8 : memref<!tpu.dma_semaphore, #tpu.memory_space<semaphore_mem>>)
        %slice3A_152 = vector.extract_strided_slice %get3A_81 {offsets = [6], sizes = [1], strides = [1]} : vector<16xi32> to vector<1xi32>
        %squeeze3A_153 = vector.extract %slice3A_152[0] : i32 from vector<1xi32>
        %add3A_154 = arith.constant 6 : i32
        %add3A_155 = arith.addi %mul3A_76, %add3A_154 : i32
        %dma_start3A_156 = arith.constant 0 : i32
        %dma_start3A_157 = tpu.memref_slice %arg6[%add3A_155, %dma_start3A_156] : memref<128x64xf32, #tpu.memory_space<vmem>> -> memref<1x64xf32, #tpu.memory_space<vmem>>
        %dma_start3A_158 = arith.constant 0 : i32
        %dma_start3A_159 = tpu.memref_slice %arg2[%squeeze3A_153, %dma_start3A_158] : memref<1000000x64xf32, #tpu.memory_space<hbm>> -> memref<1x64xf32, #tpu.memory_space<hbm>>
        %dma_start3A_160 = arith.constant 0 : i32
        %dma_start3A_161 = tpu.memref_slice %arg6[%add3A_155, %dma_start3A_160] : memref<128x64xf32, #tpu.memory_space<vmem>> -> memref<1x64xf32, #tpu.memory_space<vmem>>
        %dma_start3A_162 = arith.constant 0 : i32
        %dma_start3A_163 = tpu.memref_slice %arg2[%squeeze3A_153, %dma_start3A_162] : memref<1000000x64xf32, #tpu.memory_space<hbm>> -> memref<1x64xf32, #tpu.memory_space<hbm>>
        tpu.enqueue_dma source(%dma_start3A_163 : memref<1x64xf32, #tpu.memory_space<hbm>>) target(%dma_start3A_161 : memref<1x64xf32, #tpu.memory_space<vmem>>) target_semaphore(%arg8 : memref<!tpu.dma_semaphore, #tpu.memory_space<semaphore_mem>>)
        %slice3A_164 = vector.extract_strided_slice %get3A_81 {offsets = [7], sizes = [1], strides = [1]} : vector<16xi32> to vector<1xi32>
        %squeeze3A_165 = vector.extract %slice3A_164[0] : i32 from vector<1xi32>
        %add3A_166 = arith.constant 7 : i32
        %add3A_167 = arith.addi %mul3A_76, %add3A_166 : i32
        %dma_start3A_168 = arith.constant 0 : i32
        %dma_start3A_169 = tpu.memref_slice %arg6[%add3A_167, %dma_start3A_168] : memref<128x64xf32, #tpu.memory_space<vmem>> -> memref<1x64xf32, #tpu.memory_space<vmem>>
        %dma_start3A_170 = arith.constant 0 : i32
        %dma_start3A_171 = tpu.memref_slice %arg2[%squeeze3A_165, %dma_start3A_170] : memref<1000000x64xf32, #tpu.memory_space<hbm>> -> memref<1x64xf32, #tpu.memory_space<hbm>>
        %dma_start3A_172 = arith.constant 0 : i32
        %dma_start3A_173 = tpu.memref_slice %arg6[%add3A_167, %dma_start3A_172] : memref<128x64xf32, #tpu.memory_space<vmem>> -> memref<1x64xf32, #tpu.memory_space<vmem>>
        %dma_start3A_174 = arith.constant 0 : i32
        %dma_start3A_175 = tpu.memref_slice %arg2[%squeeze3A_165, %dma_start3A_174] : memref<1000000x64xf32, #tpu.memory_space<hbm>> -> memref<1x64xf32, #tpu.memory_space<hbm>>
        tpu.enqueue_dma source(%dma_start3A_175 : memref<1x64xf32, #tpu.memory_space<hbm>>) target(%dma_start3A_173 : memref<1x64xf32, #tpu.memory_space<vmem>>) target_semaphore(%arg8 : memref<!tpu.dma_semaphore, #tpu.memory_space<semaphore_mem>>)
        %slice3A_176 = vector.extract_strided_slice %get3A_81 {offsets = [8], sizes = [1], strides = [1]} : vector<16xi32> to vector<1xi32>
        %squeeze3A_177 = vector.extract %slice3A_176[0] : i32 from vector<1xi32>
        %add3A_178 = arith.constant 8 : i32
        %add3A_179 = arith.addi %mul3A_76, %add3A_178 : i32
        %dma_start3A_180 = arith.constant 0 : i32
        %dma_start3A_181 = tpu.memref_slice %arg6[%add3A_179, %dma_start3A_180] : memref<128x64xf32, #tpu.memory_space<vmem>> -> memref<1x64xf32, #tpu.memory_space<vmem>>
        %dma_start3A_182 = arith.constant 0 : i32
        %dma_start3A_183 = tpu.memref_slice %arg2[%squeeze3A_177, %dma_start3A_182] : memref<1000000x64xf32, #tpu.memory_space<hbm>> -> memref<1x64xf32, #tpu.memory_space<hbm>>
        %dma_start3A_184 = arith.constant 0 : i32
        %dma_start3A_185 = tpu.memref_slice %arg6[%add3A_179, %dma_start3A_184] : memref<128x64xf32, #tpu.memory_space<vmem>> -> memref<1x64xf32, #tpu.memory_space<vmem>>
        %dma_start3A_186 = arith.constant 0 : i32
        %dma_start3A_187 = tpu.memref_slice %arg2[%squeeze3A_177, %dma_start3A_186] : memref<1000000x64xf32, #tpu.memory_space<hbm>> -> memref<1x64xf32, #tpu.memory_space<hbm>>
        tpu.enqueue_dma source(%dma_start3A_187 : memref<1x64xf32, #tpu.memory_space<hbm>>) target(%dma_start3A_185 : memref<1x64xf32, #tpu.memory_space<vmem>>) target_semaphore(%arg8 : memref<!tpu.dma_semaphore, #tpu.memory_space<semaphore_mem>>)
        %slice3A_188 = vector.extract_strided_slice %get3A_81 {offsets = [9], sizes = [1], strides = [1]} : vector<16xi32> to vector<1xi32>
        %squeeze3A_189 = vector.extract %slice3A_188[0] : i32 from vector<1xi32>
        %add3A_190 = arith.constant 9 : i32
        %add3A_191 = arith.addi %mul3A_76, %add3A_190 : i32
        %dma_start3A_192 = arith.constant 0 : i32
        %dma_start3A_193 = tpu.memref_slice %arg6[%add3A_191, %dma_start3A_192] : memref<128x64xf32, #tpu.memory_space<vmem>> -> memref<1x64xf32, #tpu.memory_space<vmem>>
        %dma_start3A_194 = arith.constant 0 : i32
        %dma_start3A_195 = tpu.memref_slice %arg2[%squeeze3A_189, %dma_start3A_194] : memref<1000000x64xf32, #tpu.memory_space<hbm>> -> memref<1x64xf32, #tpu.memory_space<hbm>>
        %dma_start3A_196 = arith.constant 0 : i32
        %dma_start3A_197 = tpu.memref_slice %arg6[%add3A_191, %dma_start3A_196] : memref<128x64xf32, #tpu.memory_space<vmem>> -> memref<1x64xf32, #tpu.memory_space<vmem>>
        %dma_start3A_198 = arith.constant 0 : i32
        %dma_start3A_199 = tpu.memref_slice %arg2[%squeeze3A_189, %dma_start3A_198] : memref<1000000x64xf32, #tpu.memory_space<hbm>> -> memref<1x64xf32, #tpu.memory_space<hbm>>
        tpu.enqueue_dma source(%dma_start3A_199 : memref<1x64xf32, #tpu.memory_space<hbm>>) target(%dma_start3A_197 : memref<1x64xf32, #tpu.memory_space<vmem>>) target_semaphore(%arg8 : memref<!tpu.dma_semaphore, #tpu.memory_space<semaphore_mem>>)
        %slice3A_200 = vector.extract_strided_slice %get3A_81 {offsets = [10], sizes = [1], strides = [1]} : vector<16xi32> to vector<1xi32>
        %squeeze3A_201 = vector.extract %slice3A_200[0] : i32 from vector<1xi32>
        %add3A_202 = arith.constant 10 : i32
        %add3A_203 = arith.addi %mul3A_76, %add3A_202 : i32
        %dma_start3A_204 = arith.constant 0 : i32
        %dma_start3A_205 = tpu.memref_slice %arg6[%add3A_203, %dma_start3A_204] : memref<128x64xf32, #tpu.memory_space<vmem>> -> memref<1x64xf32, #tpu.memory_space<vmem>>
        %dma_start3A_206 = arith.constant 0 : i32
        %dma_start3A_207 = tpu.memref_slice %arg2[%squeeze3A_201, %dma_start3A_206] : memref<1000000x64xf32, #tpu.memory_space<hbm>> -> memref<1x64xf32, #tpu.memory_space<hbm>>
        %dma_start3A_208 = arith.constant 0 : i32
        %dma_start3A_209 = tpu.memref_slice %arg6[%add3A_203, %dma_start3A_208] : memref<128x64xf32, #tpu.memory_space<vmem>> -> memref<1x64xf32, #tpu.memory_space<vmem>>
        %dma_start3A_210 = arith.constant 0 : i32
        %dma_start3A_211 = tpu.memref_slice %arg2[%squeeze3A_201, %dma_start3A_210] : memref<1000000x64xf32, #tpu.memory_space<hbm>> -> memref<1x64xf32, #tpu.memory_space<hbm>>
        tpu.enqueue_dma source(%dma_start3A_211 : memref<1x64xf32, #tpu.memory_space<hbm>>) target(%dma_start3A_209 : memref<1x64xf32, #tpu.memory_space<vmem>>) target_semaphore(%arg8 : memref<!tpu.dma_semaphore, #tpu.memory_space<semaphore_mem>>)
        %slice3A_212 = vector.extract_strided_slice %get3A_81 {offsets = [11], sizes = [1], strides = [1]} : vector<16xi32> to vector<1xi32>
        %squeeze3A_213 = vector.extract %slice3A_212[0] : i32 from vector<1xi32>
        %add3A_214 = arith.constant 11 : i32
        %add3A_215 = arith.addi %mul3A_76, %add3A_214 : i32
        %dma_start3A_216 = arith.constant 0 : i32
        %dma_start3A_217 = tpu.memref_slice %arg6[%add3A_215, %dma_start3A_216] : memref<128x64xf32, #tpu.memory_space<vmem>> -> memref<1x64xf32, #tpu.memory_space<vmem>>
        %dma_start3A_218 = arith.constant 0 : i32
        %dma_start3A_219 = tpu.memref_slice %arg2[%squeeze3A_213, %dma_start3A_218] : memref<1000000x64xf32, #tpu.memory_space<hbm>> -> memref<1x64xf32, #tpu.memory_space<hbm>>
        %dma_start3A_220 = arith.constant 0 : i32
        %dma_start3A_221 = tpu.memref_slice %arg6[%add3A_215, %dma_start3A_220] : memref<128x64xf32, #tpu.memory_space<vmem>> -> memref<1x64xf32, #tpu.memory_space<vmem>>
        %dma_start3A_222 = arith.constant 0 : i32
        %dma_start3A_223 = tpu.memref_slice %arg2[%squeeze3A_213, %dma_start3A_222] : memref<1000000x64xf32, #tpu.memory_space<hbm>> -> memref<1x64xf32, #tpu.memory_space<hbm>>
        tpu.enqueue_dma source(%dma_start3A_223 : memref<1x64xf32, #tpu.memory_space<hbm>>) target(%dma_start3A_221 : memref<1x64xf32, #tpu.memory_space<vmem>>) target_semaphore(%arg8 : memref<!tpu.dma_semaphore, #tpu.memory_space<semaphore_mem>>)
        %slice3A_224 = vector.extract_strided_slice %get3A_81 {offsets = [12], sizes = [1], strides = [1]} : vector<16xi32> to vector<1xi32>
        %squeeze3A_225 = vector.extract %slice3A_224[0] : i32 from vector<1xi32>
        %add3A_226 = arith.constant 12 : i32
        %add3A_227 = arith.addi %mul3A_76, %add3A_226 : i32
        %dma_start3A_228 = arith.constant 0 : i32
        %dma_start3A_229 = tpu.memref_slice %arg6[%add3A_227, %dma_start3A_228] : memref<128x64xf32, #tpu.memory_space<vmem>> -> memref<1x64xf32, #tpu.memory_space<vmem>>
        %dma_start3A_230 = arith.constant 0 : i32
        %dma_start3A_231 = tpu.memref_slice %arg2[%squeeze3A_225, %dma_start3A_230] : memref<1000000x64xf32, #tpu.memory_space<hbm>> -> memref<1x64xf32, #tpu.memory_space<hbm>>
        %dma_start3A_232 = arith.constant 0 : i32
        %dma_start3A_233 = tpu.memref_slice %arg6[%add3A_227, %dma_start3A_232] : memref<128x64xf32, #tpu.memory_space<vmem>> -> memref<1x64xf32, #tpu.memory_space<vmem>>
        %dma_start3A_234 = arith.constant 0 : i32
        %dma_start3A_235 = tpu.memref_slice %arg2[%squeeze3A_225, %dma_start3A_234] : memref<1000000x64xf32, #tpu.memory_space<hbm>> -> memref<1x64xf32, #tpu.memory_space<hbm>>
        tpu.enqueue_dma source(%dma_start3A_235 : memref<1x64xf32, #tpu.memory_space<hbm>>) target(%dma_start3A_233 : memref<1x64xf32, #tpu.memory_space<vmem>>) target_semaphore(%arg8 : memref<!tpu.dma_semaphore, #tpu.memory_space<semaphore_mem>>)
        %slice3A_236 = vector.extract_strided_slice %get3A_81 {offsets = [13], sizes = [1], strides = [1]} : vector<16xi32> to vector<1xi32>
        %squeeze3A_237 = vector.extract %slice3A_236[0] : i32 from vector<1xi32>
        %add3A_238 = arith.constant 13 : i32
        %add3A_239 = arith.addi %mul3A_76, %add3A_238 : i32
        %dma_start3A_240 = arith.constant 0 : i32
        %dma_start3A_241 = tpu.memref_slice %arg6[%add3A_239, %dma_start3A_240] : memref<128x64xf32, #tpu.memory_space<vmem>> -> memref<1x64xf32, #tpu.memory_space<vmem>>
        %dma_start3A_242 = arith.constant 0 : i32
        %dma_start3A_243 = tpu.memref_slice %arg2[%squeeze3A_237, %dma_start3A_242] : memref<1000000x64xf32, #tpu.memory_space<hbm>> -> memref<1x64xf32, #tpu.memory_space<hbm>>
        %dma_start3A_244 = arith.constant 0 : i32
        %dma_start3A_245 = tpu.memref_slice %arg6[%add3A_239, %dma_start3A_244] : memref<128x64xf32, #tpu.memory_space<vmem>> -> memref<1x64xf32, #tpu.memory_space<vmem>>
        %dma_start3A_246 = arith.constant 0 : i32
        %dma_start3A_247 = tpu.memref_slice %arg2[%squeeze3A_237, %dma_start3A_246] : memref<1000000x64xf32, #tpu.memory_space<hbm>> -> memref<1x64xf32, #tpu.memory_space<hbm>>
        tpu.enqueue_dma source(%dma_start3A_247 : memref<1x64xf32, #tpu.memory_space<hbm>>) target(%dma_start3A_245 : memref<1x64xf32, #tpu.memory_space<vmem>>) target_semaphore(%arg8 : memref<!tpu.dma_semaphore, #tpu.memory_space<semaphore_mem>>)
        %slice3A_248 = vector.extract_strided_slice %get3A_81 {offsets = [14], sizes = [1], strides = [1]} : vector<16xi32> to vector<1xi32>
        %squeeze3A_249 = vector.extract %slice3A_248[0] : i32 from vector<1xi32>
        %add3A_250 = arith.constant 14 : i32
        %add3A_251 = arith.addi %mul3A_76, %add3A_250 : i32
        %dma_start3A_252 = arith.constant 0 : i32
        %dma_start3A_253 = tpu.memref_slice %arg6[%add3A_251, %dma_start3A_252] : memref<128x64xf32, #tpu.memory_space<vmem>> -> memref<1x64xf32, #tpu.memory_space<vmem>>
        %dma_start3A_254 = arith.constant 0 : i32
        %dma_start3A_255 = tpu.memref_slice %arg2[%squeeze3A_249, %dma_start3A_254] : memref<1000000x64xf32, #tpu.memory_space<hbm>> -> memref<1x64xf32, #tpu.memory_space<hbm>>
        %dma_start3A_256 = arith.constant 0 : i32
        %dma_start3A_257 = tpu.memref_slice %arg6[%add3A_251, %dma_start3A_256] : memref<128x64xf32, #tpu.memory_space<vmem>> -> memref<1x64xf32, #tpu.memory_space<vmem>>
        %dma_start3A_258 = arith.constant 0 : i32
        %dma_start3A_259 = tpu.memref_slice %arg2[%squeeze3A_249, %dma_start3A_258] : memref<1000000x64xf32, #tpu.memory_space<hbm>> -> memref<1x64xf32, #tpu.memory_space<hbm>>
        tpu.enqueue_dma source(%dma_start3A_259 : memref<1x64xf32, #tpu.memory_space<hbm>>) target(%dma_start3A_257 : memref<1x64xf32, #tpu.memory_space<vmem>>) target_semaphore(%arg8 : memref<!tpu.dma_semaphore, #tpu.memory_space<semaphore_mem>>)
        %slice3A_260 = vector.extract_strided_slice %get3A_81 {offsets = [15], sizes = [1], strides = [1]} : vector<16xi32> to vector<1xi32>
        %squeeze3A_261 = vector.extract %slice3A_260[0] : i32 from vector<1xi32>
        %add3A_262 = arith.constant 15 : i32
        %add3A_263 = arith.addi %mul3A_76, %add3A_262 : i32
        %dma_start3A_264 = arith.constant 0 : i32
        %dma_start3A_265 = tpu.memref_slice %arg6[%add3A_263, %dma_start3A_264] : memref<128x64xf32, #tpu.memory_space<vmem>> -> memref<1x64xf32, #tpu.memory_space<vmem>>
        %dma_start3A_266 = arith.constant 0 : i32
        %dma_start3A_267 = tpu.memref_slice %arg2[%squeeze3A_261, %dma_start3A_266] : memref<1000000x64xf32, #tpu.memory_space<hbm>> -> memref<1x64xf32, #tpu.memory_space<hbm>>
        %dma_start3A_268 = arith.constant 0 : i32
        %dma_start3A_269 = tpu.memref_slice %arg6[%add3A_263, %dma_start3A_268] : memref<128x64xf32, #tpu.memory_space<vmem>> -> memref<1x64xf32, #tpu.memory_space<vmem>>
        %dma_start3A_270 = arith.constant 0 : i32
        %dma_start3A_271 = tpu.memref_slice %arg2[%squeeze3A_261, %dma_start3A_270] : memref<1000000x64xf32, #tpu.memory_space<hbm>> -> memref<1x64xf32, #tpu.memory_space<hbm>>
        tpu.enqueue_dma source(%dma_start3A_271 : memref<1x64xf32, #tpu.memory_space<hbm>>) target(%dma_start3A_269 : memref<1x64xf32, #tpu.memory_space<vmem>>) target_semaphore(%arg8 : memref<!tpu.dma_semaphore, #tpu.memory_space<semaphore_mem>>)
      }
      %scan3A_29 = arith.constant 8 : i32
      %add3A_30 = arith.constant 1 : i32
      %add3A_31 = arith.addi %mul3A_17, %add3A_30 : i32
      %ge3A_32 = arith.constant 2 : i32
      %ge3A_33 = arith.cmpi sge, %add3A_31, %ge3A_32 : i32
      %convert_element_type3A_34 = arith.extui %ge3A_33 : i1 to i32
      %cond3A_35 = arith.constant 0 : i32
      %cond3A_36 = arith.cmpi ne, %convert_element_type3A_34, %cond3A_35 : i32
      scf.if %cond3A_36 {
        %dma_wait3A_74 = arith.constant 0 : i32
        %dma_wait3A_75 = tpu.memref_slice %arg4[%mul3A_2, %dma_wait3A_74] : memref<163840x64xf32, #tpu.memory_space<hbm>> -> memref<128x64xf32, #tpu.memory_space<hbm>>
        %dma_wait3A_76 = arith.constant 0 : i32
        %dma_wait3A_77 = tpu.memref_slice %arg4[%mul3A_2, %dma_wait3A_76] : memref<163840x64xf32, #tpu.memory_space<hbm>> -> memref<128x64xf32, #tpu.memory_space<hbm>>
        tpu.wait_dma2 semaphore(%arg11 : memref<!tpu.dma_semaphore, #tpu.memory_space<semaphore_mem>>) src(%arg7 : memref<128x64xf32, #tpu.memory_space<vmem>>) dst(%dma_wait3A_77 : memref<128x64xf32, #tpu.memory_space<hbm>>)
      } else {
      }
      %add3A_37 = arith.constant 1 : i32
      %add3A_38 = arith.addi %mul3A_17, %add3A_37 : i32
      %scan3A_39 = arith.constant 0 : i32
      %scan3A_40 = arith.constant 0 : i32
      %scan3A_41 = arith.constant 8 : i32
      %scan3A_42 = arith.addi %scan3A_40, %scan3A_41 : i32
      %scan3A_43 = arith.constant 1 : i32
      scf.for %scan3A_74 = %scan3A_40 to %scan3A_42 step %scan3A_43  : i32 {
        %mul3A_75 = arith.constant 16 : i32
        %mul3A_76 = arith.muli %scan3A_74, %mul3A_75 : i32
        %mul3A_77 = arith.constant 128 : i32
        %mul3A_78 = arith.muli %add3A_38, %mul3A_77 : i32
        %add3A_79 = arith.addi %mul3A_78, %mul3A_76 : i32
        %get3A = arith.index_cast %add3A_79 : i32 to index
        %get3A_80 = tpu.vector_load %arg5[%get3A] {strides = array<i32>} : memref<5120xi32, #tpu.memory_space<vmem>>, vector<16xi32>,
        %get3A_81 = vector.shape_cast %get3A_80 : vector<16xi32> to vector<16xi32>
        %slice3A = vector.extract_strided_slice %get3A_81 {offsets = [0], sizes = [1], strides = [1]} : vector<16xi32> to vector<1xi32>
        %squeeze3A = vector.extract %slice3A[0] : i32 from vector<1xi32>
        %add3A_82 = arith.constant 0 : i32
        %add3A_83 = arith.addi %mul3A_76, %add3A_82 : i32
        %dma_start3A_84 = arith.constant 0 : i32
        %dma_start3A_85 = tpu.memref_slice %arg7[%add3A_83, %dma_start3A_84] : memref<128x64xf32, #tpu.memory_space<vmem>> -> memref<1x64xf32, #tpu.memory_space<vmem>>
        %dma_start3A_86 = arith.constant 0 : i32
        %dma_start3A_87 = tpu.memref_slice %arg2[%squeeze3A, %dma_start3A_86] : memref<1000000x64xf32, #tpu.memory_space<hbm>> -> memref<1x64xf32, #tpu.memory_space<hbm>>
        %dma_start3A_88 = arith.constant 0 : i32
        %dma_start3A_89 = tpu.memref_slice %arg7[%add3A_83, %dma_start3A_88] : memref<128x64xf32, #tpu.memory_space<vmem>> -> memref<1x64xf32, #tpu.memory_space<vmem>>
        %dma_start3A_90 = arith.constant 0 : i32
        %dma_start3A_91 = tpu.memref_slice %arg2[%squeeze3A, %dma_start3A_90] : memref<1000000x64xf32, #tpu.memory_space<hbm>> -> memref<1x64xf32, #tpu.memory_space<hbm>>
        tpu.enqueue_dma source(%dma_start3A_91 : memref<1x64xf32, #tpu.memory_space<hbm>>) target(%dma_start3A_89 : memref<1x64xf32, #tpu.memory_space<vmem>>) target_semaphore(%arg9 : memref<!tpu.dma_semaphore, #tpu.memory_space<semaphore_mem>>)
        %slice3A_92 = vector.extract_strided_slice %get3A_81 {offsets = [1], sizes = [1], strides = [1]} : vector<16xi32> to vector<1xi32>
        %squeeze3A_93 = vector.extract %slice3A_92[0] : i32 from vector<1xi32>
        %add3A_94 = arith.constant 1 : i32
        %add3A_95 = arith.addi %mul3A_76, %add3A_94 : i32
        %dma_start3A_96 = arith.constant 0 : i32
        %dma_start3A_97 = tpu.memref_slice %arg7[%add3A_95, %dma_start3A_96] : memref<128x64xf32, #tpu.memory_space<vmem>> -> memref<1x64xf32, #tpu.memory_space<vmem>>
        %dma_start3A_98 = arith.constant 0 : i32
        %dma_start3A_99 = tpu.memref_slice %arg2[%squeeze3A_93, %dma_start3A_98] : memref<1000000x64xf32, #tpu.memory_space<hbm>> -> memref<1x64xf32, #tpu.memory_space<hbm>>
        %dma_start3A_100 = arith.constant 0 : i32
        %dma_start3A_101 = tpu.memref_slice %arg7[%add3A_95, %dma_start3A_100] : memref<128x64xf32, #tpu.memory_space<vmem>> -> memref<1x64xf32, #tpu.memory_space<vmem>>
        %dma_start3A_102 = arith.constant 0 : i32
        %dma_start3A_103 = tpu.memref_slice %arg2[%squeeze3A_93, %dma_start3A_102] : memref<1000000x64xf32, #tpu.memory_space<hbm>> -> memref<1x64xf32, #tpu.memory_space<hbm>>
        tpu.enqueue_dma source(%dma_start3A_103 : memref<1x64xf32, #tpu.memory_space<hbm>>) target(%dma_start3A_101 : memref<1x64xf32, #tpu.memory_space<vmem>>) target_semaphore(%arg9 : memref<!tpu.dma_semaphore, #tpu.memory_space<semaphore_mem>>)
        %slice3A_104 = vector.extract_strided_slice %get3A_81 {offsets = [2], sizes = [1], strides = [1]} : vector<16xi32> to vector<1xi32>
        %squeeze3A_105 = vector.extract %slice3A_104[0] : i32 from vector<1xi32>
        %add3A_106 = arith.constant 2 : i32
        %add3A_107 = arith.addi %mul3A_76, %add3A_106 : i32
        %dma_start3A_108 = arith.constant 0 : i32
        %dma_start3A_109 = tpu.memref_slice %arg7[%add3A_107, %dma_start3A_108] : memref<128x64xf32, #tpu.memory_space<vmem>> -> memref<1x64xf32, #tpu.memory_space<vmem>>
        %dma_start3A_110 = arith.constant 0 : i32
        %dma_start3A_111 = tpu.memref_slice %arg2[%squeeze3A_105, %dma_start3A_110] : memref<1000000x64xf32, #tpu.memory_space<hbm>> -> memref<1x64xf32, #tpu.memory_space<hbm>>
        %dma_start3A_112 = arith.constant 0 : i32
        %dma_start3A_113 = tpu.memref_slice %arg7[%add3A_107, %dma_start3A_112] : memref<128x64xf32, #tpu.memory_space<vmem>> -> memref<1x64xf32, #tpu.memory_space<vmem>>
        %dma_start3A_114 = arith.constant 0 : i32
        %dma_start3A_115 = tpu.memref_slice %arg2[%squeeze3A_105, %dma_start3A_114] : memref<1000000x64xf32, #tpu.memory_space<hbm>> -> memref<1x64xf32, #tpu.memory_space<hbm>>
        tpu.enqueue_dma source(%dma_start3A_115 : memref<1x64xf32, #tpu.memory_space<hbm>>) target(%dma_start3A_113 : memref<1x64xf32, #tpu.memory_space<vmem>>) target_semaphore(%arg9 : memref<!tpu.dma_semaphore, #tpu.memory_space<semaphore_mem>>)
        %slice3A_116 = vector.extract_strided_slice %get3A_81 {offsets = [3], sizes = [1], strides = [1]} : vector<16xi32> to vector<1xi32>
        %squeeze3A_117 = vector.extract %slice3A_116[0] : i32 from vector<1xi32>
        %add3A_118 = arith.constant 3 : i32
        %add3A_119 = arith.addi %mul3A_76, %add3A_118 : i32
        %dma_start3A_120 = arith.constant 0 : i32
        %dma_start3A_121 = tpu.memref_slice %arg7[%add3A_119, %dma_start3A_120] : memref<128x64xf32, #tpu.memory_space<vmem>> -> memref<1x64xf32, #tpu.memory_space<vmem>>
        %dma_start3A_122 = arith.constant 0 : i32
        %dma_start3A_123 = tpu.memref_slice %arg2[%squeeze3A_117, %dma_start3A_122] : memref<1000000x64xf32, #tpu.memory_space<hbm>> -> memref<1x64xf32, #tpu.memory_space<hbm>>
        %dma_start3A_124 = arith.constant 0 : i32
        %dma_start3A_125 = tpu.memref_slice %arg7[%add3A_119, %dma_start3A_124] : memref<128x64xf32, #tpu.memory_space<vmem>> -> memref<1x64xf32, #tpu.memory_space<vmem>>
        %dma_start3A_126 = arith.constant 0 : i32
        %dma_start3A_127 = tpu.memref_slice %arg2[%squeeze3A_117, %dma_start3A_126] : memref<1000000x64xf32, #tpu.memory_space<hbm>> -> memref<1x64xf32, #tpu.memory_space<hbm>>
        tpu.enqueue_dma source(%dma_start3A_127 : memref<1x64xf32, #tpu.memory_space<hbm>>) target(%dma_start3A_125 : memref<1x64xf32, #tpu.memory_space<vmem>>) target_semaphore(%arg9 : memref<!tpu.dma_semaphore, #tpu.memory_space<semaphore_mem>>)
        %slice3A_128 = vector.extract_strided_slice %get3A_81 {offsets = [4], sizes = [1], strides = [1]} : vector<16xi32> to vector<1xi32>
        %squeeze3A_129 = vector.extract %slice3A_128[0] : i32 from vector<1xi32>
        %add3A_130 = arith.constant 4 : i32
        %add3A_131 = arith.addi %mul3A_76, %add3A_130 : i32
        %dma_start3A_132 = arith.constant 0 : i32
        %dma_start3A_133 = tpu.memref_slice %arg7[%add3A_131, %dma_start3A_132] : memref<128x64xf32, #tpu.memory_space<vmem>> -> memref<1x64xf32, #tpu.memory_space<vmem>>
        %dma_start3A_134 = arith.constant 0 : i32
        %dma_start3A_135 = tpu.memref_slice %arg2[%squeeze3A_129, %dma_start3A_134] : memref<1000000x64xf32, #tpu.memory_space<hbm>> -> memref<1x64xf32, #tpu.memory_space<hbm>>
        %dma_start3A_136 = arith.constant 0 : i32
        %dma_start3A_137 = tpu.memref_slice %arg7[%add3A_131, %dma_start3A_136] : memref<128x64xf32, #tpu.memory_space<vmem>> -> memref<1x64xf32, #tpu.memory_space<vmem>>
        %dma_start3A_138 = arith.constant 0 : i32
        %dma_start3A_139 = tpu.memref_slice %arg2[%squeeze3A_129, %dma_start3A_138] : memref<1000000x64xf32, #tpu.memory_space<hbm>> -> memref<1x64xf32, #tpu.memory_space<hbm>>
        tpu.enqueue_dma source(%dma_start3A_139 : memref<1x64xf32, #tpu.memory_space<hbm>>) target(%dma_start3A_137 : memref<1x64xf32, #tpu.memory_space<vmem>>) target_semaphore(%arg9 : memref<!tpu.dma_semaphore, #tpu.memory_space<semaphore_mem>>)
        %slice3A_140 = vector.extract_strided_slice %get3A_81 {offsets = [5], sizes = [1], strides = [1]} : vector<16xi32> to vector<1xi32>
        %squeeze3A_141 = vector.extract %slice3A_140[0] : i32 from vector<1xi32>
        %add3A_142 = arith.constant 5 : i32
        %add3A_143 = arith.addi %mul3A_76, %add3A_142 : i32
        %dma_start3A_144 = arith.constant 0 : i32
        %dma_start3A_145 = tpu.memref_slice %arg7[%add3A_143, %dma_start3A_144] : memref<128x64xf32, #tpu.memory_space<vmem>> -> memref<1x64xf32, #tpu.memory_space<vmem>>
        %dma_start3A_146 = arith.constant 0 : i32
        %dma_start3A_147 = tpu.memref_slice %arg2[%squeeze3A_141, %dma_start3A_146] : memref<1000000x64xf32, #tpu.memory_space<hbm>> -> memref<1x64xf32, #tpu.memory_space<hbm>>
        %dma_start3A_148 = arith.constant 0 : i32
        %dma_start3A_149 = tpu.memref_slice %arg7[%add3A_143, %dma_start3A_148] : memref<128x64xf32, #tpu.memory_space<vmem>> -> memref<1x64xf32, #tpu.memory_space<vmem>>
        %dma_start3A_150 = arith.constant 0 : i32
        %dma_start3A_151 = tpu.memref_slice %arg2[%squeeze3A_141, %dma_start3A_150] : memref<1000000x64xf32, #tpu.memory_space<hbm>> -> memref<1x64xf32, #tpu.memory_space<hbm>>
        tpu.enqueue_dma source(%dma_start3A_151 : memref<1x64xf32, #tpu.memory_space<hbm>>) target(%dma_start3A_149 : memref<1x64xf32, #tpu.memory_space<vmem>>) target_semaphore(%arg9 : memref<!tpu.dma_semaphore, #tpu.memory_space<semaphore_mem>>)
        %slice3A_152 = vector.extract_strided_slice %get3A_81 {offsets = [6], sizes = [1], strides = [1]} : vector<16xi32> to vector<1xi32>
        %squeeze3A_153 = vector.extract %slice3A_152[0] : i32 from vector<1xi32>
        %add3A_154 = arith.constant 6 : i32
        %add3A_155 = arith.addi %mul3A_76, %add3A_154 : i32
        %dma_start3A_156 = arith.constant 0 : i32
        %dma_start3A_157 = tpu.memref_slice %arg7[%add3A_155, %dma_start3A_156] : memref<128x64xf32, #tpu.memory_space<vmem>> -> memref<1x64xf32, #tpu.memory_space<vmem>>
        %dma_start3A_158 = arith.constant 0 : i32
        %dma_start3A_159 = tpu.memref_slice %arg2[%squeeze3A_153, %dma_start3A_158] : memref<1000000x64xf32, #tpu.memory_space<hbm>> -> memref<1x64xf32, #tpu.memory_space<hbm>>
        %dma_start3A_160 = arith.constant 0 : i32
        %dma_start3A_161 = tpu.memref_slice %arg7[%add3A_155, %dma_start3A_160] : memref<128x64xf32, #tpu.memory_space<vmem>> -> memref<1x64xf32, #tpu.memory_space<vmem>>
        %dma_start3A_162 = arith.constant 0 : i32
        %dma_start3A_163 = tpu.memref_slice %arg2[%squeeze3A_153, %dma_start3A_162] : memref<1000000x64xf32, #tpu.memory_space<hbm>> -> memref<1x64xf32, #tpu.memory_space<hbm>>
        tpu.enqueue_dma source(%dma_start3A_163 : memref<1x64xf32, #tpu.memory_space<hbm>>) target(%dma_start3A_161 : memref<1x64xf32, #tpu.memory_space<vmem>>) target_semaphore(%arg9 : memref<!tpu.dma_semaphore, #tpu.memory_space<semaphore_mem>>)
        %slice3A_164 = vector.extract_strided_slice %get3A_81 {offsets = [7], sizes = [1], strides = [1]} : vector<16xi32> to vector<1xi32>
        %squeeze3A_165 = vector.extract %slice3A_164[0] : i32 from vector<1xi32>
        %add3A_166 = arith.constant 7 : i32
        %add3A_167 = arith.addi %mul3A_76, %add3A_166 : i32
        %dma_start3A_168 = arith.constant 0 : i32
        %dma_start3A_169 = tpu.memref_slice %arg7[%add3A_167, %dma_start3A_168] : memref<128x64xf32, #tpu.memory_space<vmem>> -> memref<1x64xf32, #tpu.memory_space<vmem>>
        %dma_start3A_170 = arith.constant 0 : i32
        %dma_start3A_171 = tpu.memref_slice %arg2[%squeeze3A_165, %dma_start3A_170] : memref<1000000x64xf32, #tpu.memory_space<hbm>> -> memref<1x64xf32, #tpu.memory_space<hbm>>
        %dma_start3A_172 = arith.constant 0 : i32
        %dma_start3A_173 = tpu.memref_slice %arg7[%add3A_167, %dma_start3A_172] : memref<128x64xf32, #tpu.memory_space<vmem>> -> memref<1x64xf32, #tpu.memory_space<vmem>>
        %dma_start3A_174 = arith.constant 0 : i32
        %dma_start3A_175 = tpu.memref_slice %arg2[%squeeze3A_165, %dma_start3A_174] : memref<1000000x64xf32, #tpu.memory_space<hbm>> -> memref<1x64xf32, #tpu.memory_space<hbm>>
        tpu.enqueue_dma source(%dma_start3A_175 : memref<1x64xf32, #tpu.memory_space<hbm>>) target(%dma_start3A_173 : memref<1x64xf32, #tpu.memory_space<vmem>>) target_semaphore(%arg9 : memref<!tpu.dma_semaphore, #tpu.memory_space<semaphore_mem>>)
        %slice3A_176 = vector.extract_strided_slice %get3A_81 {offsets = [8], sizes = [1], strides = [1]} : vector<16xi32> to vector<1xi32>
        %squeeze3A_177 = vector.extract %slice3A_176[0] : i32 from vector<1xi32>
        %add3A_178 = arith.constant 8 : i32
        %add3A_179 = arith.addi %mul3A_76, %add3A_178 : i32
        %dma_start3A_180 = arith.constant 0 : i32
        %dma_start3A_181 = tpu.memref_slice %arg7[%add3A_179, %dma_start3A_180] : memref<128x64xf32, #tpu.memory_space<vmem>> -> memref<1x64xf32, #tpu.memory_space<vmem>>
        %dma_start3A_182 = arith.constant 0 : i32
        %dma_start3A_183 = tpu.memref_slice %arg2[%squeeze3A_177, %dma_start3A_182] : memref<1000000x64xf32, #tpu.memory_space<hbm>> -> memref<1x64xf32, #tpu.memory_space<hbm>>
        %dma_start3A_184 = arith.constant 0 : i32
        %dma_start3A_185 = tpu.memref_slice %arg7[%add3A_179, %dma_start3A_184] : memref<128x64xf32, #tpu.memory_space<vmem>> -> memref<1x64xf32, #tpu.memory_space<vmem>>
        %dma_start3A_186 = arith.constant 0 : i32
        %dma_start3A_187 = tpu.memref_slice %arg2[%squeeze3A_177, %dma_start3A_186] : memref<1000000x64xf32, #tpu.memory_space<hbm>> -> memref<1x64xf32, #tpu.memory_space<hbm>>
        tpu.enqueue_dma source(%dma_start3A_187 : memref<1x64xf32, #tpu.memory_space<hbm>>) target(%dma_start3A_185 : memref<1x64xf32, #tpu.memory_space<vmem>>) target_semaphore(%arg9 : memref<!tpu.dma_semaphore, #tpu.memory_space<semaphore_mem>>)
        %slice3A_188 = vector.extract_strided_slice %get3A_81 {offsets = [9], sizes = [1], strides = [1]} : vector<16xi32> to vector<1xi32>
        %squeeze3A_189 = vector.extract %slice3A_188[0] : i32 from vector<1xi32>
        %add3A_190 = arith.constant 9 : i32
        %add3A_191 = arith.addi %mul3A_76, %add3A_190 : i32
        %dma_start3A_192 = arith.constant 0 : i32
        %dma_start3A_193 = tpu.memref_slice %arg7[%add3A_191, %dma_start3A_192] : memref<128x64xf32, #tpu.memory_space<vmem>> -> memref<1x64xf32, #tpu.memory_space<vmem>>
        %dma_start3A_194 = arith.constant 0 : i32
        %dma_start3A_195 = tpu.memref_slice %arg2[%squeeze3A_189, %dma_start3A_194] : memref<1000000x64xf32, #tpu.memory_space<hbm>> -> memref<1x64xf32, #tpu.memory_space<hbm>>
        %dma_start3A_196 = arith.constant 0 : i32
        %dma_start3A_197 = tpu.memref_slice %arg7[%add3A_191, %dma_start3A_196] : memref<128x64xf32, #tpu.memory_space<vmem>> -> memref<1x64xf32, #tpu.memory_space<vmem>>
        %dma_start3A_198 = arith.constant 0 : i32
        %dma_start3A_199 = tpu.memref_slice %arg2[%squeeze3A_189, %dma_start3A_198] : memref<1000000x64xf32, #tpu.memory_space<hbm>> -> memref<1x64xf32, #tpu.memory_space<hbm>>
        tpu.enqueue_dma source(%dma_start3A_199 : memref<1x64xf32, #tpu.memory_space<hbm>>) target(%dma_start3A_197 : memref<1x64xf32, #tpu.memory_space<vmem>>) target_semaphore(%arg9 : memref<!tpu.dma_semaphore, #tpu.memory_space<semaphore_mem>>)
        %slice3A_200 = vector.extract_strided_slice %get3A_81 {offsets = [10], sizes = [1], strides = [1]} : vector<16xi32> to vector<1xi32>
        %squeeze3A_201 = vector.extract %slice3A_200[0] : i32 from vector<1xi32>
        %add3A_202 = arith.constant 10 : i32
        %add3A_203 = arith.addi %mul3A_76, %add3A_202 : i32
        %dma_start3A_204 = arith.constant 0 : i32
        %dma_start3A_205 = tpu.memref_slice %arg7[%add3A_203, %dma_start3A_204] : memref<128x64xf32, #tpu.memory_space<vmem>> -> memref<1x64xf32, #tpu.memory_space<vmem>>
        %dma_start3A_206 = arith.constant 0 : i32
        %dma_start3A_207 = tpu.memref_slice %arg2[%squeeze3A_201, %dma_start3A_206] : memref<1000000x64xf32, #tpu.memory_space<hbm>> -> memref<1x64xf32, #tpu.memory_space<hbm>>
        %dma_start3A_208 = arith.constant 0 : i32
        %dma_start3A_209 = tpu.memref_slice %arg7[%add3A_203, %dma_start3A_208] : memref<128x64xf32, #tpu.memory_space<vmem>> -> memref<1x64xf32, #tpu.memory_space<vmem>>
        %dma_start3A_210 = arith.constant 0 : i32
        %dma_start3A_211 = tpu.memref_slice %arg2[%squeeze3A_201, %dma_start3A_210] : memref<1000000x64xf32, #tpu.memory_space<hbm>> -> memref<1x64xf32, #tpu.memory_space<hbm>>
        tpu.enqueue_dma source(%dma_start3A_211 : memref<1x64xf32, #tpu.memory_space<hbm>>) target(%dma_start3A_209 : memref<1x64xf32, #tpu.memory_space<vmem>>) target_semaphore(%arg9 : memref<!tpu.dma_semaphore, #tpu.memory_space<semaphore_mem>>)
        %slice3A_212 = vector.extract_strided_slice %get3A_81 {offsets = [11], sizes = [1], strides = [1]} : vector<16xi32> to vector<1xi32>
        %squeeze3A_213 = vector.extract %slice3A_212[0] : i32 from vector<1xi32>
        %add3A_214 = arith.constant 11 : i32
        %add3A_215 = arith.addi %mul3A_76, %add3A_214 : i32
        %dma_start3A_216 = arith.constant 0 : i32
        %dma_start3A_217 = tpu.memref_slice %arg7[%add3A_215, %dma_start3A_216] : memref<128x64xf32, #tpu.memory_space<vmem>> -> memref<1x64xf32, #tpu.memory_space<vmem>>
        %dma_start3A_218 = arith.constant 0 : i32
        %dma_start3A_219 = tpu.memref_slice %arg2[%squeeze3A_213, %dma_start3A_218] : memref<1000000x64xf32, #tpu.memory_space<hbm>> -> memref<1x64xf32, #tpu.memory_space<hbm>>
        %dma_start3A_220 = arith.constant 0 : i32
        %dma_start3A_221 = tpu.memref_slice %arg7[%add3A_215, %dma_start3A_220] : memref<128x64xf32, #tpu.memory_space<vmem>> -> memref<1x64xf32, #tpu.memory_space<vmem>>
        %dma_start3A_222 = arith.constant 0 : i32
        %dma_start3A_223 = tpu.memref_slice %arg2[%squeeze3A_213, %dma_start3A_222] : memref<1000000x64xf32, #tpu.memory_space<hbm>> -> memref<1x64xf32, #tpu.memory_space<hbm>>
        tpu.enqueue_dma source(%dma_start3A_223 : memref<1x64xf32, #tpu.memory_space<hbm>>) target(%dma_start3A_221 : memref<1x64xf32, #tpu.memory_space<vmem>>) target_semaphore(%arg9 : memref<!tpu.dma_semaphore, #tpu.memory_space<semaphore_mem>>)
        %slice3A_224 = vector.extract_strided_slice %get3A_81 {offsets = [12], sizes = [1], strides = [1]} : vector<16xi32> to vector<1xi32>
        %squeeze3A_225 = vector.extract %slice3A_224[0] : i32 from vector<1xi32>
        %add3A_226 = arith.constant 12 : i32
        %add3A_227 = arith.addi %mul3A_76, %add3A_226 : i32
        %dma_start3A_228 = arith.constant 0 : i32
        %dma_start3A_229 = tpu.memref_slice %arg7[%add3A_227, %dma_start3A_228] : memref<128x64xf32, #tpu.memory_space<vmem>> -> memref<1x64xf32, #tpu.memory_space<vmem>>
        %dma_start3A_230 = arith.constant 0 : i32
        %dma_start3A_231 = tpu.memref_slice %arg2[%squeeze3A_225, %dma_start3A_230] : memref<1000000x64xf32, #tpu.memory_space<hbm>> -> memref<1x64xf32, #tpu.memory_space<hbm>>
        %dma_start3A_232 = arith.constant 0 : i32
        %dma_start3A_233 = tpu.memref_slice %arg7[%add3A_227, %dma_start3A_232] : memref<128x64xf32, #tpu.memory_space<vmem>> -> memref<1x64xf32, #tpu.memory_space<vmem>>
        %dma_start3A_234 = arith.constant 0 : i32
        %dma_start3A_235 = tpu.memref_slice %arg2[%squeeze3A_225, %dma_start3A_234] : memref<1000000x64xf32, #tpu.memory_space<hbm>> -> memref<1x64xf32, #tpu.memory_space<hbm>>
        tpu.enqueue_dma source(%dma_start3A_235 : memref<1x64xf32, #tpu.memory_space<hbm>>) target(%dma_start3A_233 : memref<1x64xf32, #tpu.memory_space<vmem>>) target_semaphore(%arg9 : memref<!tpu.dma_semaphore, #tpu.memory_space<semaphore_mem>>)
        %slice3A_236 = vector.extract_strided_slice %get3A_81 {offsets = [13], sizes = [1], strides = [1]} : vector<16xi32> to vector<1xi32>
        %squeeze3A_237 = vector.extract %slice3A_236[0] : i32 from vector<1xi32>
        %add3A_238 = arith.constant 13 : i32
        %add3A_239 = arith.addi %mul3A_76, %add3A_238 : i32
        %dma_start3A_240 = arith.constant 0 : i32
        %dma_start3A_241 = tpu.memref_slice %arg7[%add3A_239, %dma_start3A_240] : memref<128x64xf32, #tpu.memory_space<vmem>> -> memref<1x64xf32, #tpu.memory_space<vmem>>
        %dma_start3A_242 = arith.constant 0 : i32
        %dma_start3A_243 = tpu.memref_slice %arg2[%squeeze3A_237, %dma_start3A_242] : memref<1000000x64xf32, #tpu.memory_space<hbm>> -> memref<1x64xf32, #tpu.memory_space<hbm>>
        %dma_start3A_244 = arith.constant 0 : i32
        %dma_start3A_245 = tpu.memref_slice %arg7[%add3A_239, %dma_start3A_244] : memref<128x64xf32, #tpu.memory_space<vmem>> -> memref<1x64xf32, #tpu.memory_space<vmem>>
        %dma_start3A_246 = arith.constant 0 : i32
        %dma_start3A_247 = tpu.memref_slice %arg2[%squeeze3A_237, %dma_start3A_246] : memref<1000000x64xf32, #tpu.memory_space<hbm>> -> memref<1x64xf32, #tpu.memory_space<hbm>>
        tpu.enqueue_dma source(%dma_start3A_247 : memref<1x64xf32, #tpu.memory_space<hbm>>) target(%dma_start3A_245 : memref<1x64xf32, #tpu.memory_space<vmem>>) target_semaphore(%arg9 : memref<!tpu.dma_semaphore, #tpu.memory_space<semaphore_mem>>)
        %slice3A_248 = vector.extract_strided_slice %get3A_81 {offsets = [14], sizes = [1], strides = [1]} : vector<16xi32> to vector<1xi32>
        %squeeze3A_249 = vector.extract %slice3A_248[0] : i32 from vector<1xi32>
        %add3A_250 = arith.constant 14 : i32
        %add3A_251 = arith.addi %mul3A_76, %add3A_250 : i32
        %dma_start3A_252 = arith.constant 0 : i32
        %dma_start3A_253 = tpu.memref_slice %arg7[%add3A_251, %dma_start3A_252] : memref<128x64xf32, #tpu.memory_space<vmem>> -> memref<1x64xf32, #tpu.memory_space<vmem>>
        %dma_start3A_254 = arith.constant 0 : i32
        %dma_start3A_255 = tpu.memref_slice %arg2[%squeeze3A_249, %dma_start3A_254] : memref<1000000x64xf32, #tpu.memory_space<hbm>> -> memref<1x64xf32, #tpu.memory_space<hbm>>
        %dma_start3A_256 = arith.constant 0 : i32
        %dma_start3A_257 = tpu.memref_slice %arg7[%add3A_251, %dma_start3A_256] : memref<128x64xf32, #tpu.memory_space<vmem>> -> memref<1x64xf32, #tpu.memory_space<vmem>>
        %dma_start3A_258 = arith.constant 0 : i32
        %dma_start3A_259 = tpu.memref_slice %arg2[%squeeze3A_249, %dma_start3A_258] : memref<1000000x64xf32, #tpu.memory_space<hbm>> -> memref<1x64xf32, #tpu.memory_space<hbm>>
        tpu.enqueue_dma source(%dma_start3A_259 : memref<1x64xf32, #tpu.memory_space<hbm>>) target(%dma_start3A_257 : memref<1x64xf32, #tpu.memory_space<vmem>>) target_semaphore(%arg9 : memref<!tpu.dma_semaphore, #tpu.memory_space<semaphore_mem>>)
        %slice3A_260 = vector.extract_strided_slice %get3A_81 {offsets = [15], sizes = [1], strides = [1]} : vector<16xi32> to vector<1xi32>
        %squeeze3A_261 = vector.extract %slice3A_260[0] : i32 from vector<1xi32>
        %add3A_262 = arith.constant 15 : i32
        %add3A_263 = arith.addi %mul3A_76, %add3A_262 : i32
        %dma_start3A_264 = arith.constant 0 : i32
        %dma_start3A_265 = tpu.memref_slice %arg7[%add3A_263, %dma_start3A_264] : memref<128x64xf32, #tpu.memory_space<vmem>> -> memref<1x64xf32, #tpu.memory_space<vmem>>
        %dma_start3A_266 = arith.constant 0 : i32
        %dma_start3A_267 = tpu.memref_slice %arg2[%squeeze3A_261, %dma_start3A_266] : memref<1000000x64xf32, #tpu.memory_space<hbm>> -> memref<1x64xf32, #tpu.memory_space<hbm>>
        %dma_start3A_268 = arith.constant 0 : i32
        %dma_start3A_269 = tpu.memref_slice %arg7[%add3A_263, %dma_start3A_268] : memref<128x64xf32, #tpu.memory_space<vmem>> -> memref<1x64xf32, #tpu.memory_space<vmem>>
        %dma_start3A_270 = arith.constant 0 : i32
        %dma_start3A_271 = tpu.memref_slice %arg2[%squeeze3A_261, %dma_start3A_270] : memref<1000000x64xf32, #tpu.memory_space<hbm>> -> memref<1x64xf32, #tpu.memory_space<hbm>>
        tpu.enqueue_dma source(%dma_start3A_271 : memref<1x64xf32, #tpu.memory_space<hbm>>) target(%dma_start3A_269 : memref<1x64xf32, #tpu.memory_space<vmem>>) target_semaphore(%arg9 : memref<!tpu.dma_semaphore, #tpu.memory_space<semaphore_mem>>)
      }
      %scan3A_44 = arith.constant 8 : i32
      %dma_wait3A_45 = arith.constant 0 : i32
      %dma_wait3A_46 = arith.constant 0 : i32
      %dma_wait3A_47 = tpu.memref_slice %arg2[%dma_wait3A_45, %dma_wait3A_46] : memref<1000000x64xf32, #tpu.memory_space<hbm>> -> memref<128x64xf32, #tpu.memory_space<hbm>>
      %dma_wait3A_48 = arith.constant 0 : i32
      %dma_wait3A_49 = arith.constant 0 : i32
      %dma_wait3A_50 = tpu.memref_slice %arg2[%dma_wait3A_48, %dma_wait3A_49] : memref<1000000x64xf32, #tpu.memory_space<hbm>> -> memref<128x64xf32, #tpu.memory_space<hbm>>
      tpu.wait_dma2 semaphore(%arg8 : memref<!tpu.dma_semaphore, #tpu.memory_space<semaphore_mem>>) src(%dma_wait3A_50 : memref<128x64xf32, #tpu.memory_space<hbm>>) dst(%arg6 : memref<128x64xf32, #tpu.memory_space<vmem>>)
      %add3A_51 = arith.constant 0 : i32
      %add3A_52 = arith.addi %mul3A_17, %add3A_51 : i32
      %mul3A_53 = arith.constant 128 : i32
      %mul3A_54 = arith.muli %add3A_52, %mul3A_53 : i32
      %add3A_55 = arith.addi %mul3A_2, %mul3A_54 : i32
      %dma_start3A = arith.constant 0 : i32
      %dma_start3A_56 = tpu.memref_slice %arg4[%add3A_55, %dma_start3A] : memref<163840x64xf32, #tpu.memory_space<hbm>> -> memref<128x64xf32, #tpu.memory_space<hbm>>
      %dma_start3A_57 = arith.constant 0 : i32
      %dma_start3A_58 = tpu.memref_slice %arg4[%add3A_55, %dma_start3A_57] : memref<163840x64xf32, #tpu.memory_space<hbm>> -> memref<128x64xf32, #tpu.memory_space<hbm>>
      tpu.enqueue_dma source(%arg6 : memref<128x64xf32, #tpu.memory_space<vmem>>) target(%dma_start3A_58 : memref<128x64xf32, #tpu.memory_space<hbm>>) target_semaphore(%arg10 : memref<!tpu.dma_semaphore, #tpu.memory_space<semaphore_mem>>)
      %dma_wait3A_59 = arith.constant 0 : i32
      %dma_wait3A_60 = arith.constant 0 : i32
      %dma_wait3A_61 = tpu.memref_slice %arg2[%dma_wait3A_59, %dma_wait3A_60] : memref<1000000x64xf32, #tpu.memory_space<hbm>> -> memref<128x64xf32, #tpu.memory_space<hbm>>
      %dma_wait3A_62 = arith.constant 0 : i32
      %dma_wait3A_63 = arith.constant 0 : i32
      %dma_wait3A_64 = tpu.memref_slice %arg2[%dma_wait3A_62, %dma_wait3A_63] : memref<1000000x64xf32, #tpu.memory_space<hbm>> -> memref<128x64xf32, #tpu.memory_space<hbm>>
      tpu.wait_dma2 semaphore(%arg9 : memref<!tpu.dma_semaphore, #tpu.memory_space<semaphore_mem>>) src(%dma_wait3A_64 : memref<128x64xf32, #tpu.memory_space<hbm>>) dst(%arg7 : memref<128x64xf32, #tpu.memory_space<vmem>>)
      %add3A_65 = arith.constant 1 : i32
      %add3A_66 = arith.addi %mul3A_17, %add3A_65 : i32
      %mul3A_67 = arith.constant 128 : i32
      %mul3A_68 = arith.muli %add3A_66, %mul3A_67 : i32
      %add3A_69 = arith.addi %mul3A_2, %mul3A_68 : i32
      %dma_start3A_70 = arith.constant 0 : i32
      %dma_start3A_71 = tpu.memref_slice %arg4[%add3A_69, %dma_start3A_70] : memref<163840x64xf32, #tpu.memory_space<hbm>> -> memref<128x64xf32, #tpu.memory_space<hbm>>
      %dma_start3A_72 = arith.constant 0 : i32
      %dma_start3A_73 = tpu.memref_slice %arg4[%add3A_69, %dma_start3A_72] : memref<163840x64xf32, #tpu.memory_space<hbm>> -> memref<128x64xf32, #tpu.memory_space<hbm>>
      tpu.enqueue_dma source(%arg7 : memref<128x64xf32, #tpu.memory_space<vmem>>) target(%dma_start3A_73 : memref<128x64xf32, #tpu.memory_space<hbm>>) target_semaphore(%arg11 : memref<!tpu.dma_semaphore, #tpu.memory_space<semaphore_mem>>)
    }
    %scan3A_7 = arith.constant 20 : i32
    %dma_wait3A = arith.constant 0 : i32
    %dma_wait3A_8 = tpu.memref_slice %arg4[%mul3A_2, %dma_wait3A] : memref<163840x64xf32, #tpu.memory_space<hbm>> -> memref<128x64xf32, #tpu.memory_space<hbm>>
    %dma_wait3A_9 = arith.constant 0 : i32
    %dma_wait3A_10 = tpu.memref_slice %arg4[%mul3A_2, %dma_wait3A_9] : memref<163840x64xf32, #tpu.memory_space<hbm>> -> memref<128x64xf32, #tpu.memory_space<hbm>>
    tpu.wait_dma2 semaphore(%arg10 : memref<!tpu.dma_semaphore, #tpu.memory_space<semaphore_mem>>) src(%arg6 : memref<128x64xf32, #tpu.memory_space<vmem>>) dst(%dma_wait3A_10 : memref<128x64xf32, #tpu.memory_space<hbm>>)
    %dma_wait3A_11 = arith.constant 0 : i32
    %dma_wait3A_12 = tpu.memref_slice %arg4[%mul3A_2, %dma_wait3A_11] : memref<163840x64xf32, #tpu.memory_space<hbm>> -> memref<128x64xf32, #tpu.memory_space<hbm>>
    %dma_wait3A_13 = arith.constant 0 : i32
    %dma_wait3A_14 = tpu.memref_slice %arg4[%mul3A_2, %dma_wait3A_13] : memref<163840x64xf32, #tpu.memory_space<hbm>> -> memref<128x64xf32, #tpu.memory_space<hbm>>
    tpu.wait_dma2 semaphore(%arg11 : memref<!tpu.dma_semaphore, #tpu.memory_space<semaphore_mem>>) src(%arg7 : memref<128x64xf32, #tpu.memory_space<vmem>>) dst(%dma_wait3A_14 : memref<128x64xf32, #tpu.memory_space<hbm>>)
    return
  }
}

#map = affine_map<(d0, d1) -> (0, 0)>
#map1 = affine_map<(d0, d1) -> (0)>
module attributes {stable_mosaic.version = 14 : i64} {
  func.func @gather_k(%arg0: i32, %arg1: i32, %arg2: memref<1000000x64xf32, #tpu.memory_space<hbm>>, %arg3: memref<163840xi32, #tpu.memory_space<hbm>>, %arg4: memref<163840x64xf32, #tpu.memory_space<hbm>>, %arg5: memref<5120xi32, #tpu.memory_space<vmem>>, %arg6: memref<128x64xf32, #tpu.memory_space<vmem>>, %arg7: memref<128x64xf32, #tpu.memory_space<vmem>>, %arg8: memref<!tpu.dma_semaphore, #tpu.memory_space<semaphore_mem>>, %arg9: memref<!tpu.dma_semaphore, #tpu.memory_space<semaphore_mem>>, %arg10: memref<!tpu.dma_semaphore, #tpu.memory_space<semaphore_mem>>, %arg11: memref<!tpu.dma_semaphore, #tpu.memory_space<semaphore_mem>>) attributes {dimension_semantics = [#tpu.dimension_semantics<core_parallel>, #tpu.dimension_semantics<subcore_parallel>], iteration_bounds = array<i64: 2, 16>, scalar_prefetch = 0 : i64, scratch_operands = 7 : i64, tpu.core_type = #tpu.core_type<sc_vector_subcore>, window_params = [{transform_indices = #map}, {transform_indices = #map1}, {transform_indices = #map}]} {
    %mul3A = arith.constant 2 : i32
    %mul3A_0 = arith.muli %arg1, %mul3A : i32
    %add3A = arith.addi %mul3A_0, %arg0 : i32
    %mul3A_1 = arith.constant 5120 : i32
    %mul3A_2 = arith.muli %add3A, %mul3A_1 : i32
    "tpu.region"() ({
      %run_scoped3A = tpu.sem_alloc : memref<!tpu.dma_semaphore, #tpu.memory_space<semaphore_mem>>
      %dma_start3A = tpu.memref_slice %arg3[%mul3A_2] : memref<163840xi32, #tpu.memory_space<hbm>> -> memref<5120xi32, #tpu.memory_space<hbm>>
      %dma_start3A_15 = tpu.memref_slice %arg3[%mul3A_2] : memref<163840xi32, #tpu.memory_space<hbm>> -> memref<5120xi32, #tpu.memory_space<hbm>>
      tpu.enqueue_dma source(%dma_start3A_15 : memref<5120xi32, #tpu.memory_space<hbm>>) target(%arg5 : memref<5120xi32, #tpu.memory_space<vmem>>) target_semaphore(%run_scoped3A : memref<!tpu.dma_semaphore, #tpu.memory_space<semaphore_mem>>)
      %dma_wait3A_16 = tpu.memref_slice %arg3[%mul3A_2] : memref<163840xi32, #tpu.memory_space<hbm>> -> memref<5120xi32, #tpu.memory_space<hbm>>
      %dma_wait3A_17 = tpu.memref_slice %arg3[%mul3A_2] : memref<163840xi32, #tpu.memory_space<hbm>> -> memref<5120xi32, #tpu.memory_space<hbm>>
      tpu.wait_dma2 semaphore(%run_scoped3A : memref<!tpu.dma_semaphore, #tpu.memory_space<semaphore_mem>>) src(%dma_wait3A_17 : memref<5120xi32, #tpu.memory_space<hbm>>) dst(%arg5 : memref<5120xi32, #tpu.memory_space<vmem>>)
      tpu.yield
    }) : () -> ()
    %scan3A = arith.constant 0 : i32
    %scan3A_3 = arith.constant 0 : i32
    %scan3A_4 = arith.constant 20 : i32
    %scan3A_5 = arith.addi %scan3A_3, %scan3A_4 : i32
    %scan3A_6 = arith.constant 1 : i32
    scf.for %scan3A_15 = %scan3A_3 to %scan3A_5 step %scan3A_6  : i32 {
      %mul3A_16 = arith.constant 2 : i32
      %mul3A_17 = arith.muli %scan3A_15, %mul3A_16 : i32
      %add3A_18 = arith.constant 0 : i32
      %add3A_19 = arith.addi %mul3A_17, %add3A_18 : i32
      %ge3A = arith.constant 2 : i32
      %ge3A_20 = arith.cmpi sge, %add3A_19, %ge3A : i32
      %convert_element_type3A = arith.extui %ge3A_20 : i1 to i32
      %cond3A = arith.constant 0 : i32
      %cond3A_21 = arith.cmpi ne, %convert_element_type3A, %cond3A : i32
      scf.if %cond3A_21 {
        %dma_wait3A_74 = arith.constant 0 : i32
        %dma_wait3A_75 = tpu.memref_slice %arg4[%mul3A_2, %dma_wait3A_74] : memref<163840x64xf32, #tpu.memory_space<hbm>> -> memref<128x64xf32, #tpu.memory_space<hbm>>
        %dma_wait3A_76 = arith.constant 0 : i32
        %dma_wait3A_77 = tpu.memref_slice %arg4[%mul3A_2, %dma_wait3A_76] : memref<163840x64xf32, #tpu.memory_space<hbm>> -> memref<128x64xf32, #tpu.memory_space<hbm>>
        tpu.wait_dma2 semaphore(%arg10 : memref<!tpu.dma_semaphore, #tpu.memory_space<semaphore_mem>>) src(%arg6 : memref<128x64xf32, #tpu.memory_space<vmem>>) dst(%dma_wait3A_77 : memref<128x64xf32, #tpu.memory_space<hbm>>)
      } else {
      }
      %add3A_22 = arith.constant 0 : i32
      %add3A_23 = arith.addi %mul3A_17, %add3A_22 : i32
      %scan3A_24 = arith.constant 0 : i32
      %scan3A_25 = arith.constant 0 : i32
      %scan3A_26 = arith.constant 8 : i32
      %scan3A_27 = arith.addi %scan3A_25, %scan3A_26 : i32
      %scan3A_28 = arith.constant 1 : i32
      scf.for %scan3A_74 = %scan3A_25 to %scan3A_27 step %scan3A_28  : i32 {
        %mul3A_75 = arith.constant 16 : i32
        %mul3A_76 = arith.muli %scan3A_74, %mul3A_75 : i32
        %mul3A_77 = arith.constant 128 : i32
        %mul3A_78 = arith.muli %add3A_23, %mul3A_77 : i32
        %add3A_79 = arith.addi %mul3A_78, %mul3A_76 : i32
        %get3A = arith.index_cast %add3A_79 : i32 to index
        %get3A_80 = tpu.vector_load %arg5[%get3A] {strides = array<i32>} : memref<5120xi32, #tpu.memory_space<vmem>>, vector<16xi32>,
        %get3A_81 = vector.shape_cast %get3A_80 : vector<16xi32> to vector<16xi32>
        %slice3A = vector.extract_strided_slice %get3A_81 {offsets = [0], sizes = [1], strides = [1]} : vector<16xi32> to vector<1xi32>
        %squeeze3A = vector.extract %slice3A[0] : i32 from vector<1xi32>
        %add3A_82 = arith.constant 0 : i32
        %add3A_83 = arith.addi %mul3A_76, %add3A_82 : i32
        %dma_start3A_84 = arith.constant 0 : i32
        %dma_start3A_85 = tpu.memref_slice %arg6[%add3A_83, %dma_start3A_84] : memref<128x64xf32, #tpu.memory_space<vmem>> -> memref<1x64xf32, #tpu.memory_space<vmem>>
        %dma_start3A_86 = arith.constant 0 : i32
        %dma_start3A_87 = tpu.memref_slice %arg2[%squeeze3A, %dma_start3A_86] : memref<1000000x64xf32, #tpu.memory_space<hbm>> -> memref<1x64xf32, #tpu.memory_space<hbm>>
        %dma_start3A_88 = arith.constant 0 : i32
        %dma_start3A_89 = tpu.memref_slice %arg6[%add3A_83, %dma_start3A_88] : memref<128x64xf32, #tpu.memory_space<vmem>> -> memref<1x64xf32, #tpu.memory_space<vmem>>
        %dma_start3A_90 = arith.constant 0 : i32
        %dma_start3A_91 = tpu.memref_slice %arg2[%squeeze3A, %dma_start3A_90] : memref<1000000x64xf32, #tpu.memory_space<hbm>> -> memref<1x64xf32, #tpu.memory_space<hbm>>
        tpu.enqueue_dma source(%dma_start3A_91 : memref<1x64xf32, #tpu.memory_space<hbm>>) target(%dma_start3A_89 : memref<1x64xf32, #tpu.memory_space<vmem>>) target_semaphore(%arg8 : memref<!tpu.dma_semaphore, #tpu.memory_space<semaphore_mem>>)
        %slice3A_92 = vector.extract_strided_slice %get3A_81 {offsets = [1], sizes = [1], strides = [1]} : vector<16xi32> to vector<1xi32>
        %squeeze3A_93 = vector.extract %slice3A_92[0] : i32 from vector<1xi32>
        %add3A_94 = arith.constant 1 : i32
        %add3A_95 = arith.addi %mul3A_76, %add3A_94 : i32
        %dma_start3A_96 = arith.constant 0 : i32
        %dma_start3A_97 = tpu.memref_slice %arg6[%add3A_95, %dma_start3A_96] : memref<128x64xf32, #tpu.memory_space<vmem>> -> memref<1x64xf32, #tpu.memory_space<vmem>>
        %dma_start3A_98 = arith.constant 0 : i32
        %dma_start3A_99 = tpu.memref_slice %arg2[%squeeze3A_93, %dma_start3A_98] : memref<1000000x64xf32, #tpu.memory_space<hbm>> -> memref<1x64xf32, #tpu.memory_space<hbm>>
        %dma_start3A_100 = arith.constant 0 : i32
        %dma_start3A_101 = tpu.memref_slice %arg6[%add3A_95, %dma_start3A_100] : memref<128x64xf32, #tpu.memory_space<vmem>> -> memref<1x64xf32, #tpu.memory_space<vmem>>
        %dma_start3A_102 = arith.constant 0 : i32
        %dma_start3A_103 = tpu.memref_slice %arg2[%squeeze3A_93, %dma_start3A_102] : memref<1000000x64xf32, #tpu.memory_space<hbm>> -> memref<1x64xf32, #tpu.memory_space<hbm>>
        tpu.enqueue_dma source(%dma_start3A_103 : memref<1x64xf32, #tpu.memory_space<hbm>>) target(%dma_start3A_101 : memref<1x64xf32, #tpu.memory_space<vmem>>) target_semaphore(%arg8 : memref<!tpu.dma_semaphore, #tpu.memory_space<semaphore_mem>>)
        %slice3A_104 = vector.extract_strided_slice %get3A_81 {offsets = [2], sizes = [1], strides = [1]} : vector<16xi32> to vector<1xi32>
        %squeeze3A_105 = vector.extract %slice3A_104[0] : i32 from vector<1xi32>
        %add3A_106 = arith.constant 2 : i32
        %add3A_107 = arith.addi %mul3A_76, %add3A_106 : i32
        %dma_start3A_108 = arith.constant 0 : i32
        %dma_start3A_109 = tpu.memref_slice %arg6[%add3A_107, %dma_start3A_108] : memref<128x64xf32, #tpu.memory_space<vmem>> -> memref<1x64xf32, #tpu.memory_space<vmem>>
        %dma_start3A_110 = arith.constant 0 : i32
        %dma_start3A_111 = tpu.memref_slice %arg2[%squeeze3A_105, %dma_start3A_110] : memref<1000000x64xf32, #tpu.memory_space<hbm>> -> memref<1x64xf32, #tpu.memory_space<hbm>>
        %dma_start3A_112 = arith.constant 0 : i32
        %dma_start3A_113 = tpu.memref_slice %arg6[%add3A_107, %dma_start3A_112] : memref<128x64xf32, #tpu.memory_space<vmem>> -> memref<1x64xf32, #tpu.memory_space<vmem>>
        %dma_start3A_114 = arith.constant 0 : i32
        %dma_start3A_115 = tpu.memref_slice %arg2[%squeeze3A_105, %dma_start3A_114] : memref<1000000x64xf32, #tpu.memory_space<hbm>> -> memref<1x64xf32, #tpu.memory_space<hbm>>
        tpu.enqueue_dma source(%dma_start3A_115 : memref<1x64xf32, #tpu.memory_space<hbm>>) target(%dma_start3A_113 : memref<1x64xf32, #tpu.memory_space<vmem>>) target_semaphore(%arg8 : memref<!tpu.dma_semaphore, #tpu.memory_space<semaphore_mem>>)
        %slice3A_116 = vector.extract_strided_slice %get3A_81 {offsets = [3], sizes = [1], strides = [1]} : vector<16xi32> to vector<1xi32>
        %squeeze3A_117 = vector.extract %slice3A_116[0] : i32 from vector<1xi32>
        %add3A_118 = arith.constant 3 : i32
        %add3A_119 = arith.addi %mul3A_76, %add3A_118 : i32
        %dma_start3A_120 = arith.constant 0 : i32
        %dma_start3A_121 = tpu.memref_slice %arg6[%add3A_119, %dma_start3A_120] : memref<128x64xf32, #tpu.memory_space<vmem>> -> memref<1x64xf32, #tpu.memory_space<vmem>>
        %dma_start3A_122 = arith.constant 0 : i32
        %dma_start3A_123 = tpu.memref_slice %arg2[%squeeze3A_117, %dma_start3A_122] : memref<1000000x64xf32, #tpu.memory_space<hbm>> -> memref<1x64xf32, #tpu.memory_space<hbm>>
        %dma_start3A_124 = arith.constant 0 : i32
        %dma_start3A_125 = tpu.memref_slice %arg6[%add3A_119, %dma_start3A_124] : memref<128x64xf32, #tpu.memory_space<vmem>> -> memref<1x64xf32, #tpu.memory_space<vmem>>
        %dma_start3A_126 = arith.constant 0 : i32
        %dma_start3A_127 = tpu.memref_slice %arg2[%squeeze3A_117, %dma_start3A_126] : memref<1000000x64xf32, #tpu.memory_space<hbm>> -> memref<1x64xf32, #tpu.memory_space<hbm>>
        tpu.enqueue_dma source(%dma_start3A_127 : memref<1x64xf32, #tpu.memory_space<hbm>>) target(%dma_start3A_125 : memref<1x64xf32, #tpu.memory_space<vmem>>) target_semaphore(%arg8 : memref<!tpu.dma_semaphore, #tpu.memory_space<semaphore_mem>>)
        %slice3A_128 = vector.extract_strided_slice %get3A_81 {offsets = [4], sizes = [1], strides = [1]} : vector<16xi32> to vector<1xi32>
        %squeeze3A_129 = vector.extract %slice3A_128[0] : i32 from vector<1xi32>
        %add3A_130 = arith.constant 4 : i32
        %add3A_131 = arith.addi %mul3A_76, %add3A_130 : i32
        %dma_start3A_132 = arith.constant 0 : i32
        %dma_start3A_133 = tpu.memref_slice %arg6[%add3A_131, %dma_start3A_132] : memref<128x64xf32, #tpu.memory_space<vmem>> -> memref<1x64xf32, #tpu.memory_space<vmem>>
        %dma_start3A_134 = arith.constant 0 : i32
        %dma_start3A_135 = tpu.memref_slice %arg2[%squeeze3A_129, %dma_start3A_134] : memref<1000000x64xf32, #tpu.memory_space<hbm>> -> memref<1x64xf32, #tpu.memory_space<hbm>>
        %dma_start3A_136 = arith.constant 0 : i32
        %dma_start3A_137 = tpu.memref_slice %arg6[%add3A_131, %dma_start3A_136] : memref<128x64xf32, #tpu.memory_space<vmem>> -> memref<1x64xf32, #tpu.memory_space<vmem>>
        %dma_start3A_138 = arith.constant 0 : i32
        %dma_start3A_139 = tpu.memref_slice %arg2[%squeeze3A_129, %dma_start3A_138] : memref<1000000x64xf32, #tpu.memory_space<hbm>> -> memref<1x64xf32, #tpu.memory_space<hbm>>
        tpu.enqueue_dma source(%dma_start3A_139 : memref<1x64xf32, #tpu.memory_space<hbm>>) target(%dma_start3A_137 : memref<1x64xf32, #tpu.memory_space<vmem>>) target_semaphore(%arg8 : memref<!tpu.dma_semaphore, #tpu.memory_space<semaphore_mem>>)
        %slice3A_140 = vector.extract_strided_slice %get3A_81 {offsets = [5], sizes = [1], strides = [1]} : vector<16xi32> to vector<1xi32>
        %squeeze3A_141 = vector.extract %slice3A_140[0] : i32 from vector<1xi32>
        %add3A_142 = arith.constant 5 : i32
        %add3A_143 = arith.addi %mul3A_76, %add3A_142 : i32
        %dma_start3A_144 = arith.constant 0 : i32
        %dma_start3A_145 = tpu.memref_slice %arg6[%add3A_143, %dma_start3A_144] : memref<128x64xf32, #tpu.memory_space<vmem>> -> memref<1x64xf32, #tpu.memory_space<vmem>>
        %dma_start3A_146 = arith.constant 0 : i32
        %dma_start3A_147 = tpu.memref_slice %arg2[%squeeze3A_141, %dma_start3A_146] : memref<1000000x64xf32, #tpu.memory_space<hbm>> -> memref<1x64xf32, #tpu.memory_space<hbm>>
        %dma_start3A_148 = arith.constant 0 : i32
        %dma_start3A_149 = tpu.memref_slice %arg6[%add3A_143, %dma_start3A_148] : memref<128x64xf32, #tpu.memory_space<vmem>> -> memref<1x64xf32, #tpu.memory_space<vmem>>
        %dma_start3A_150 = arith.constant 0 : i32
        %dma_start3A_151 = tpu.memref_slice %arg2[%squeeze3A_141, %dma_start3A_150] : memref<1000000x64xf32, #tpu.memory_space<hbm>> -> memref<1x64xf32, #tpu.memory_space<hbm>>
        tpu.enqueue_dma source(%dma_start3A_151 : memref<1x64xf32, #tpu.memory_space<hbm>>) target(%dma_start3A_149 : memref<1x64xf32, #tpu.memory_space<vmem>>) target_semaphore(%arg8 : memref<!tpu.dma_semaphore, #tpu.memory_space<semaphore_mem>>)
        %slice3A_152 = vector.extract_strided_slice %get3A_81 {offsets = [6], sizes = [1], strides = [1]} : vector<16xi32> to vector<1xi32>
        %squeeze3A_153 = vector.extract %slice3A_152[0] : i32 from vector<1xi32>
        %add3A_154 = arith.constant 6 : i32
        %add3A_155 = arith.addi %mul3A_76, %add3A_154 : i32
        %dma_start3A_156 = arith.constant 0 : i32
        %dma_start3A_157 = tpu.memref_slice %arg6[%add3A_155, %dma_start3A_156] : memref<128x64xf32, #tpu.memory_space<vmem>> -> memref<1x64xf32, #tpu.memory_space<vmem>>
        %dma_start3A_158 = arith.constant 0 : i32
        %dma_start3A_159 = tpu.memref_slice %arg2[%squeeze3A_153, %dma_start3A_158] : memref<1000000x64xf32, #tpu.memory_space<hbm>> -> memref<1x64xf32, #tpu.memory_space<hbm>>
        %dma_start3A_160 = arith.constant 0 : i32
        %dma_start3A_161 = tpu.memref_slice %arg6[%add3A_155, %dma_start3A_160] : memref<128x64xf32, #tpu.memory_space<vmem>> -> memref<1x64xf32, #tpu.memory_space<vmem>>
        %dma_start3A_162 = arith.constant 0 : i32
        %dma_start3A_163 = tpu.memref_slice %arg2[%squeeze3A_153, %dma_start3A_162] : memref<1000000x64xf32, #tpu.memory_space<hbm>> -> memref<1x64xf32, #tpu.memory_space<hbm>>
        tpu.enqueue_dma source(%dma_start3A_163 : memref<1x64xf32, #tpu.memory_space<hbm>>) target(%dma_start3A_161 : memref<1x64xf32, #tpu.memory_space<vmem>>) target_semaphore(%arg8 : memref<!tpu.dma_semaphore, #tpu.memory_space<semaphore_mem>>)
        %slice3A_164 = vector.extract_strided_slice %get3A_81 {offsets = [7], sizes = [1], strides = [1]} : vector<16xi32> to vector<1xi32>
        %squeeze3A_165 = vector.extract %slice3A_164[0] : i32 from vector<1xi32>
        %add3A_166 = arith.constant 7 : i32
        %add3A_167 = arith.addi %mul3A_76, %add3A_166 : i32
        %dma_start3A_168 = arith.constant 0 : i32
        %dma_start3A_169 = tpu.memref_slice %arg6[%add3A_167, %dma_start3A_168] : memref<128x64xf32, #tpu.memory_space<vmem>> -> memref<1x64xf32, #tpu.memory_space<vmem>>
        %dma_start3A_170 = arith.constant 0 : i32
        %dma_start3A_171 = tpu.memref_slice %arg2[%squeeze3A_165, %dma_start3A_170] : memref<1000000x64xf32, #tpu.memory_space<hbm>> -> memref<1x64xf32, #tpu.memory_space<hbm>>
        %dma_start3A_172 = arith.constant 0 : i32
        %dma_start3A_173 = tpu.memref_slice %arg6[%add3A_167, %dma_start3A_172] : memref<128x64xf32, #tpu.memory_space<vmem>> -> memref<1x64xf32, #tpu.memory_space<vmem>>
        %dma_start3A_174 = arith.constant 0 : i32
        %dma_start3A_175 = tpu.memref_slice %arg2[%squeeze3A_165, %dma_start3A_174] : memref<1000000x64xf32, #tpu.memory_space<hbm>> -> memref<1x64xf32, #tpu.memory_space<hbm>>
        tpu.enqueue_dma source(%dma_start3A_175 : memref<1x64xf32, #tpu.memory_space<hbm>>) target(%dma_start3A_173 : memref<1x64xf32, #tpu.memory_space<vmem>>) target_semaphore(%arg8 : memref<!tpu.dma_semaphore, #tpu.memory_space<semaphore_mem>>)
        %slice3A_176 = vector.extract_strided_slice %get3A_81 {offsets = [8], sizes = [1], strides = [1]} : vector<16xi32> to vector<1xi32>
        %squeeze3A_177 = vector.extract %slice3A_176[0] : i32 from vector<1xi32>
        %add3A_178 = arith.constant 8 : i32
        %add3A_179 = arith.addi %mul3A_76, %add3A_178 : i32
        %dma_start3A_180 = arith.constant 0 : i32
        %dma_start3A_181 = tpu.memref_slice %arg6[%add3A_179, %dma_start3A_180] : memref<128x64xf32, #tpu.memory_space<vmem>> -> memref<1x64xf32, #tpu.memory_space<vmem>>
        %dma_start3A_182 = arith.constant 0 : i32
        %dma_start3A_183 = tpu.memref_slice %arg2[%squeeze3A_177, %dma_start3A_182] : memref<1000000x64xf32, #tpu.memory_space<hbm>> -> memref<1x64xf32, #tpu.memory_space<hbm>>
        %dma_start3A_184 = arith.constant 0 : i32
        %dma_start3A_185 = tpu.memref_slice %arg6[%add3A_179, %dma_start3A_184] : memref<128x64xf32, #tpu.memory_space<vmem>> -> memref<1x64xf32, #tpu.memory_space<vmem>>
        %dma_start3A_186 = arith.constant 0 : i32
        %dma_start3A_187 = tpu.memref_slice %arg2[%squeeze3A_177, %dma_start3A_186] : memref<1000000x64xf32, #tpu.memory_space<hbm>> -> memref<1x64xf32, #tpu.memory_space<hbm>>
        tpu.enqueue_dma source(%dma_start3A_187 : memref<1x64xf32, #tpu.memory_space<hbm>>) target(%dma_start3A_185 : memref<1x64xf32, #tpu.memory_space<vmem>>) target_semaphore(%arg8 : memref<!tpu.dma_semaphore, #tpu.memory_space<semaphore_mem>>)
        %slice3A_188 = vector.extract_strided_slice %get3A_81 {offsets = [9], sizes = [1], strides = [1]} : vector<16xi32> to vector<1xi32>
        %squeeze3A_189 = vector.extract %slice3A_188[0] : i32 from vector<1xi32>
        %add3A_190 = arith.constant 9 : i32
        %add3A_191 = arith.addi %mul3A_76, %add3A_190 : i32
        %dma_start3A_192 = arith.constant 0 : i32
        %dma_start3A_193 = tpu.memref_slice %arg6[%add3A_191, %dma_start3A_192] : memref<128x64xf32, #tpu.memory_space<vmem>> -> memref<1x64xf32, #tpu.memory_space<vmem>>
        %dma_start3A_194 = arith.constant 0 : i32
        %dma_start3A_195 = tpu.memref_slice %arg2[%squeeze3A_189, %dma_start3A_194] : memref<1000000x64xf32, #tpu.memory_space<hbm>> -> memref<1x64xf32, #tpu.memory_space<hbm>>
        %dma_start3A_196 = arith.constant 0 : i32
        %dma_start3A_197 = tpu.memref_slice %arg6[%add3A_191, %dma_start3A_196] : memref<128x64xf32, #tpu.memory_space<vmem>> -> memref<1x64xf32, #tpu.memory_space<vmem>>
        %dma_start3A_198 = arith.constant 0 : i32
        %dma_start3A_199 = tpu.memref_slice %arg2[%squeeze3A_189, %dma_start3A_198] : memref<1000000x64xf32, #tpu.memory_space<hbm>> -> memref<1x64xf32, #tpu.memory_space<hbm>>
        tpu.enqueue_dma source(%dma_start3A_199 : memref<1x64xf32, #tpu.memory_space<hbm>>) target(%dma_start3A_197 : memref<1x64xf32, #tpu.memory_space<vmem>>) target_semaphore(%arg8 : memref<!tpu.dma_semaphore, #tpu.memory_space<semaphore_mem>>)
        %slice3A_200 = vector.extract_strided_slice %get3A_81 {offsets = [10], sizes = [1], strides = [1]} : vector<16xi32> to vector<1xi32>
        %squeeze3A_201 = vector.extract %slice3A_200[0] : i32 from vector<1xi32>
        %add3A_202 = arith.constant 10 : i32
        %add3A_203 = arith.addi %mul3A_76, %add3A_202 : i32
        %dma_start3A_204 = arith.constant 0 : i32
        %dma_start3A_205 = tpu.memref_slice %arg6[%add3A_203, %dma_start3A_204] : memref<128x64xf32, #tpu.memory_space<vmem>> -> memref<1x64xf32, #tpu.memory_space<vmem>>
        %dma_start3A_206 = arith.constant 0 : i32
        %dma_start3A_207 = tpu.memref_slice %arg2[%squeeze3A_201, %dma_start3A_206] : memref<1000000x64xf32, #tpu.memory_space<hbm>> -> memref<1x64xf32, #tpu.memory_space<hbm>>
        %dma_start3A_208 = arith.constant 0 : i32
        %dma_start3A_209 = tpu.memref_slice %arg6[%add3A_203, %dma_start3A_208] : memref<128x64xf32, #tpu.memory_space<vmem>> -> memref<1x64xf32, #tpu.memory_space<vmem>>
        %dma_start3A_210 = arith.constant 0 : i32
        %dma_start3A_211 = tpu.memref_slice %arg2[%squeeze3A_201, %dma_start3A_210] : memref<1000000x64xf32, #tpu.memory_space<hbm>> -> memref<1x64xf32, #tpu.memory_space<hbm>>
        tpu.enqueue_dma source(%dma_start3A_211 : memref<1x64xf32, #tpu.memory_space<hbm>>) target(%dma_start3A_209 : memref<1x64xf32, #tpu.memory_space<vmem>>) target_semaphore(%arg8 : memref<!tpu.dma_semaphore, #tpu.memory_space<semaphore_mem>>)
        %slice3A_212 = vector.extract_strided_slice %get3A_81 {offsets = [11], sizes = [1], strides = [1]} : vector<16xi32> to vector<1xi32>
        %squeeze3A_213 = vector.extract %slice3A_212[0] : i32 from vector<1xi32>
        %add3A_214 = arith.constant 11 : i32
        %add3A_215 = arith.addi %mul3A_76, %add3A_214 : i32
        %dma_start3A_216 = arith.constant 0 : i32
        %dma_start3A_217 = tpu.memref_slice %arg6[%add3A_215, %dma_start3A_216] : memref<128x64xf32, #tpu.memory_space<vmem>> -> memref<1x64xf32, #tpu.memory_space<vmem>>
        %dma_start3A_218 = arith.constant 0 : i32
        %dma_start3A_219 = tpu.memref_slice %arg2[%squeeze3A_213, %dma_start3A_218] : memref<1000000x64xf32, #tpu.memory_space<hbm>> -> memref<1x64xf32, #tpu.memory_space<hbm>>
        %dma_start3A_220 = arith.constant 0 : i32
        %dma_start3A_221 = tpu.memref_slice %arg6[%add3A_215, %dma_start3A_220] : memref<128x64xf32, #tpu.memory_space<vmem>> -> memref<1x64xf32, #tpu.memory_space<vmem>>
        %dma_start3A_222 = arith.constant 0 : i32
        %dma_start3A_223 = tpu.memref_slice %arg2[%squeeze3A_213, %dma_start3A_222] : memref<1000000x64xf32, #tpu.memory_space<hbm>> -> memref<1x64xf32, #tpu.memory_space<hbm>>
        tpu.enqueue_dma source(%dma_start3A_223 : memref<1x64xf32, #tpu.memory_space<hbm>>) target(%dma_start3A_221 : memref<1x64xf32, #tpu.memory_space<vmem>>) target_semaphore(%arg8 : memref<!tpu.dma_semaphore, #tpu.memory_space<semaphore_mem>>)
        %slice3A_224 = vector.extract_strided_slice %get3A_81 {offsets = [12], sizes = [1], strides = [1]} : vector<16xi32> to vector<1xi32>
        %squeeze3A_225 = vector.extract %slice3A_224[0] : i32 from vector<1xi32>
        %add3A_226 = arith.constant 12 : i32
        %add3A_227 = arith.addi %mul3A_76, %add3A_226 : i32
        %dma_start3A_228 = arith.constant 0 : i32
        %dma_start3A_229 = tpu.memref_slice %arg6[%add3A_227, %dma_start3A_228] : memref<128x64xf32, #tpu.memory_space<vmem>> -> memref<1x64xf32, #tpu.memory_space<vmem>>
        %dma_start3A_230 = arith.constant 0 : i32
        %dma_start3A_231 = tpu.memref_slice %arg2[%squeeze3A_225, %dma_start3A_230] : memref<1000000x64xf32, #tpu.memory_space<hbm>> -> memref<1x64xf32, #tpu.memory_space<hbm>>
        %dma_start3A_232 = arith.constant 0 : i32
        %dma_start3A_233 = tpu.memref_slice %arg6[%add3A_227, %dma_start3A_232] : memref<128x64xf32, #tpu.memory_space<vmem>> -> memref<1x64xf32, #tpu.memory_space<vmem>>
        %dma_start3A_234 = arith.constant 0 : i32
        %dma_start3A_235 = tpu.memref_slice %arg2[%squeeze3A_225, %dma_start3A_234] : memref<1000000x64xf32, #tpu.memory_space<hbm>> -> memref<1x64xf32, #tpu.memory_space<hbm>>
        tpu.enqueue_dma source(%dma_start3A_235 : memref<1x64xf32, #tpu.memory_space<hbm>>) target(%dma_start3A_233 : memref<1x64xf32, #tpu.memory_space<vmem>>) target_semaphore(%arg8 : memref<!tpu.dma_semaphore, #tpu.memory_space<semaphore_mem>>)
        %slice3A_236 = vector.extract_strided_slice %get3A_81 {offsets = [13], sizes = [1], strides = [1]} : vector<16xi32> to vector<1xi32>
        %squeeze3A_237 = vector.extract %slice3A_236[0] : i32 from vector<1xi32>
        %add3A_238 = arith.constant 13 : i32
        %add3A_239 = arith.addi %mul3A_76, %add3A_238 : i32
        %dma_start3A_240 = arith.constant 0 : i32
        %dma_start3A_241 = tpu.memref_slice %arg6[%add3A_239, %dma_start3A_240] : memref<128x64xf32, #tpu.memory_space<vmem>> -> memref<1x64xf32, #tpu.memory_space<vmem>>
        %dma_start3A_242 = arith.constant 0 : i32
        %dma_start3A_243 = tpu.memref_slice %arg2[%squeeze3A_237, %dma_start3A_242] : memref<1000000x64xf32, #tpu.memory_space<hbm>> -> memref<1x64xf32, #tpu.memory_space<hbm>>
        %dma_start3A_244 = arith.constant 0 : i32
        %dma_start3A_245 = tpu.memref_slice %arg6[%add3A_239, %dma_start3A_244] : memref<128x64xf32, #tpu.memory_space<vmem>> -> memref<1x64xf32, #tpu.memory_space<vmem>>
        %dma_start3A_246 = arith.constant 0 : i32
        %dma_start3A_247 = tpu.memref_slice %arg2[%squeeze3A_237, %dma_start3A_246] : memref<1000000x64xf32, #tpu.memory_space<hbm>> -> memref<1x64xf32, #tpu.memory_space<hbm>>
        tpu.enqueue_dma source(%dma_start3A_247 : memref<1x64xf32, #tpu.memory_space<hbm>>) target(%dma_start3A_245 : memref<1x64xf32, #tpu.memory_space<vmem>>) target_semaphore(%arg8 : memref<!tpu.dma_semaphore, #tpu.memory_space<semaphore_mem>>)
        %slice3A_248 = vector.extract_strided_slice %get3A_81 {offsets = [14], sizes = [1], strides = [1]} : vector<16xi32> to vector<1xi32>
        %squeeze3A_249 = vector.extract %slice3A_248[0] : i32 from vector<1xi32>
        %add3A_250 = arith.constant 14 : i32
        %add3A_251 = arith.addi %mul3A_76, %add3A_250 : i32
        %dma_start3A_252 = arith.constant 0 : i32
        %dma_start3A_253 = tpu.memref_slice %arg6[%add3A_251, %dma_start3A_252] : memref<128x64xf32, #tpu.memory_space<vmem>> -> memref<1x64xf32, #tpu.memory_space<vmem>>
        %dma_start3A_254 = arith.constant 0 : i32
        %dma_start3A_255 = tpu.memref_slice %arg2[%squeeze3A_249, %dma_start3A_254] : memref<1000000x64xf32, #tpu.memory_space<hbm>> -> memref<1x64xf32, #tpu.memory_space<hbm>>
        %dma_start3A_256 = arith.constant 0 : i32
        %dma_start3A_257 = tpu.memref_slice %arg6[%add3A_251, %dma_start3A_256] : memref<128x64xf32, #tpu.memory_space<vmem>> -> memref<1x64xf32, #tpu.memory_space<vmem>>
        %dma_start3A_258 = arith.constant 0 : i32
        %dma_start3A_259 = tpu.memref_slice %arg2[%squeeze3A_249, %dma_start3A_258] : memref<1000000x64xf32, #tpu.memory_space<hbm>> -> memref<1x64xf32, #tpu.memory_space<hbm>>
        tpu.enqueue_dma source(%dma_start3A_259 : memref<1x64xf32, #tpu.memory_space<hbm>>) target(%dma_start3A_257 : memref<1x64xf32, #tpu.memory_space<vmem>>) target_semaphore(%arg8 : memref<!tpu.dma_semaphore, #tpu.memory_space<semaphore_mem>>)
        %slice3A_260 = vector.extract_strided_slice %get3A_81 {offsets = [15], sizes = [1], strides = [1]} : vector<16xi32> to vector<1xi32>
        %squeeze3A_261 = vector.extract %slice3A_260[0] : i32 from vector<1xi32>
        %add3A_262 = arith.constant 15 : i32
        %add3A_263 = arith.addi %mul3A_76, %add3A_262 : i32
        %dma_start3A_264 = arith.constant 0 : i32
        %dma_start3A_265 = tpu.memref_slice %arg6[%add3A_263, %dma_start3A_264] : memref<128x64xf32, #tpu.memory_space<vmem>> -> memref<1x64xf32, #tpu.memory_space<vmem>>
        %dma_start3A_266 = arith.constant 0 : i32
        %dma_start3A_267 = tpu.memref_slice %arg2[%squeeze3A_261, %dma_start3A_266] : memref<1000000x64xf32, #tpu.memory_space<hbm>> -> memref<1x64xf32, #tpu.memory_space<hbm>>
        %dma_start3A_268 = arith.constant 0 : i32
        %dma_start3A_269 = tpu.memref_slice %arg6[%add3A_263, %dma_start3A_268] : memref<128x64xf32, #tpu.memory_space<vmem>> -> memref<1x64xf32, #tpu.memory_space<vmem>>
        %dma_start3A_270 = arith.constant 0 : i32
        %dma_start3A_271 = tpu.memref_slice %arg2[%squeeze3A_261, %dma_start3A_270] : memref<1000000x64xf32, #tpu.memory_space<hbm>> -> memref<1x64xf32, #tpu.memory_space<hbm>>
        tpu.enqueue_dma source(%dma_start3A_271 : memref<1x64xf32, #tpu.memory_space<hbm>>) target(%dma_start3A_269 : memref<1x64xf32, #tpu.memory_space<vmem>>) target_semaphore(%arg8 : memref<!tpu.dma_semaphore, #tpu.memory_space<semaphore_mem>>)
      }
      %scan3A_29 = arith.constant 8 : i32
      %add3A_30 = arith.constant 1 : i32
      %add3A_31 = arith.addi %mul3A_17, %add3A_30 : i32
      %ge3A_32 = arith.constant 2 : i32
      %ge3A_33 = arith.cmpi sge, %add3A_31, %ge3A_32 : i32
      %convert_element_type3A_34 = arith.extui %ge3A_33 : i1 to i32
      %cond3A_35 = arith.constant 0 : i32
      %cond3A_36 = arith.cmpi ne, %convert_element_type3A_34, %cond3A_35 : i32
      scf.if %cond3A_36 {
        %dma_wait3A_74 = arith.constant 0 : i32
        %dma_wait3A_75 = tpu.memref_slice %arg4[%mul3A_2, %dma_wait3A_74] : memref<163840x64xf32, #tpu.memory_space<hbm>> -> memref<128x64xf32, #tpu.memory_space<hbm>>
        %dma_wait3A_76 = arith.constant 0 : i32
        %dma_wait3A_77 = tpu.memref_slice %arg4[%mul3A_2, %dma_wait3A_76] : memref<163840x64xf32, #tpu.memory_space<hbm>> -> memref<128x64xf32, #tpu.memory_space<hbm>>
        tpu.wait_dma2 semaphore(%arg11 : memref<!tpu.dma_semaphore, #tpu.memory_space<semaphore_mem>>) src(%arg7 : memref<128x64xf32, #tpu.memory_space<vmem>>) dst(%dma_wait3A_77 : memref<128x64xf32, #tpu.memory_space<hbm>>)
      } else {
      }
      %add3A_37 = arith.constant 1 : i32
      %add3A_38 = arith.addi %mul3A_17, %add3A_37 : i32
      %scan3A_39 = arith.constant 0 : i32
      %scan3A_40 = arith.constant 0 : i32
      %scan3A_41 = arith.constant 8 : i32
      %scan3A_42 = arith.addi %scan3A_40, %scan3A_41 : i32
      %scan3A_43 = arith.constant 1 : i32
      scf.for %scan3A_74 = %scan3A_40 to %scan3A_42 step %scan3A_43  : i32 {
        %mul3A_75 = arith.constant 16 : i32
        %mul3A_76 = arith.muli %scan3A_74, %mul3A_75 : i32
        %mul3A_77 = arith.constant 128 : i32
        %mul3A_78 = arith.muli %add3A_38, %mul3A_77 : i32
        %add3A_79 = arith.addi %mul3A_78, %mul3A_76 : i32
        %get3A = arith.index_cast %add3A_79 : i32 to index
        %get3A_80 = tpu.vector_load %arg5[%get3A] {strides = array<i32>} : memref<5120xi32, #tpu.memory_space<vmem>>, vector<16xi32>,
        %get3A_81 = vector.shape_cast %get3A_80 : vector<16xi32> to vector<16xi32>
        %slice3A = vector.extract_strided_slice %get3A_81 {offsets = [0], sizes = [1], strides = [1]} : vector<16xi32> to vector<1xi32>
        %squeeze3A = vector.extract %slice3A[0] : i32 from vector<1xi32>
        %add3A_82 = arith.constant 0 : i32
        %add3A_83 = arith.addi %mul3A_76, %add3A_82 : i32
        %dma_start3A_84 = arith.constant 0 : i32
        %dma_start3A_85 = tpu.memref_slice %arg7[%add3A_83, %dma_start3A_84] : memref<128x64xf32, #tpu.memory_space<vmem>> -> memref<1x64xf32, #tpu.memory_space<vmem>>
        %dma_start3A_86 = arith.constant 0 : i32
        %dma_start3A_87 = tpu.memref_slice %arg2[%squeeze3A, %dma_start3A_86] : memref<1000000x64xf32, #tpu.memory_space<hbm>> -> memref<1x64xf32, #tpu.memory_space<hbm>>
        %dma_start3A_88 = arith.constant 0 : i32
        %dma_start3A_89 = tpu.memref_slice %arg7[%add3A_83, %dma_start3A_88] : memref<128x64xf32, #tpu.memory_space<vmem>> -> memref<1x64xf32, #tpu.memory_space<vmem>>
        %dma_start3A_90 = arith.constant 0 : i32
        %dma_start3A_91 = tpu.memref_slice %arg2[%squeeze3A, %dma_start3A_90] : memref<1000000x64xf32, #tpu.memory_space<hbm>> -> memref<1x64xf32, #tpu.memory_space<hbm>>
        tpu.enqueue_dma source(%dma_start3A_91 : memref<1x64xf32, #tpu.memory_space<hbm>>) target(%dma_start3A_89 : memref<1x64xf32, #tpu.memory_space<vmem>>) target_semaphore(%arg9 : memref<!tpu.dma_semaphore, #tpu.memory_space<semaphore_mem>>)
        %slice3A_92 = vector.extract_strided_slice %get3A_81 {offsets = [1], sizes = [1], strides = [1]} : vector<16xi32> to vector<1xi32>
        %squeeze3A_93 = vector.extract %slice3A_92[0] : i32 from vector<1xi32>
        %add3A_94 = arith.constant 1 : i32
        %add3A_95 = arith.addi %mul3A_76, %add3A_94 : i32
        %dma_start3A_96 = arith.constant 0 : i32
        %dma_start3A_97 = tpu.memref_slice %arg7[%add3A_95, %dma_start3A_96] : memref<128x64xf32, #tpu.memory_space<vmem>> -> memref<1x64xf32, #tpu.memory_space<vmem>>
        %dma_start3A_98 = arith.constant 0 : i32
        %dma_start3A_99 = tpu.memref_slice %arg2[%squeeze3A_93, %dma_start3A_98] : memref<1000000x64xf32, #tpu.memory_space<hbm>> -> memref<1x64xf32, #tpu.memory_space<hbm>>
        %dma_start3A_100 = arith.constant 0 : i32
        %dma_start3A_101 = tpu.memref_slice %arg7[%add3A_95, %dma_start3A_100] : memref<128x64xf32, #tpu.memory_space<vmem>> -> memref<1x64xf32, #tpu.memory_space<vmem>>
        %dma_start3A_102 = arith.constant 0 : i32
        %dma_start3A_103 = tpu.memref_slice %arg2[%squeeze3A_93, %dma_start3A_102] : memref<1000000x64xf32, #tpu.memory_space<hbm>> -> memref<1x64xf32, #tpu.memory_space<hbm>>
        tpu.enqueue_dma source(%dma_start3A_103 : memref<1x64xf32, #tpu.memory_space<hbm>>) target(%dma_start3A_101 : memref<1x64xf32, #tpu.memory_space<vmem>>) target_semaphore(%arg9 : memref<!tpu.dma_semaphore, #tpu.memory_space<semaphore_mem>>)
        %slice3A_104 = vector.extract_strided_slice %get3A_81 {offsets = [2], sizes = [1], strides = [1]} : vector<16xi32> to vector<1xi32>
        %squeeze3A_105 = vector.extract %slice3A_104[0] : i32 from vector<1xi32>
        %add3A_106 = arith.constant 2 : i32
        %add3A_107 = arith.addi %mul3A_76, %add3A_106 : i32
        %dma_start3A_108 = arith.constant 0 : i32
        %dma_start3A_109 = tpu.memref_slice %arg7[%add3A_107, %dma_start3A_108] : memref<128x64xf32, #tpu.memory_space<vmem>> -> memref<1x64xf32, #tpu.memory_space<vmem>>
        %dma_start3A_110 = arith.constant 0 : i32
        %dma_start3A_111 = tpu.memref_slice %arg2[%squeeze3A_105, %dma_start3A_110] : memref<1000000x64xf32, #tpu.memory_space<hbm>> -> memref<1x64xf32, #tpu.memory_space<hbm>>
        %dma_start3A_112 = arith.constant 0 : i32
        %dma_start3A_113 = tpu.memref_slice %arg7[%add3A_107, %dma_start3A_112] : memref<128x64xf32, #tpu.memory_space<vmem>> -> memref<1x64xf32, #tpu.memory_space<vmem>>
        %dma_start3A_114 = arith.constant 0 : i32
        %dma_start3A_115 = tpu.memref_slice %arg2[%squeeze3A_105, %dma_start3A_114] : memref<1000000x64xf32, #tpu.memory_space<hbm>> -> memref<1x64xf32, #tpu.memory_space<hbm>>
        tpu.enqueue_dma source(%dma_start3A_115 : memref<1x64xf32, #tpu.memory_space<hbm>>) target(%dma_start3A_113 : memref<1x64xf32, #tpu.memory_space<vmem>>) target_semaphore(%arg9 : memref<!tpu.dma_semaphore, #tpu.memory_space<semaphore_mem>>)
        %slice3A_116 = vector.extract_strided_slice %get3A_81 {offsets = [3], sizes = [1], strides = [1]} : vector<16xi32> to vector<1xi32>
        %squeeze3A_117 = vector.extract %slice3A_116[0] : i32 from vector<1xi32>
        %add3A_118 = arith.constant 3 : i32
        %add3A_119 = arith.addi %mul3A_76, %add3A_118 : i32
        %dma_start3A_120 = arith.constant 0 : i32
        %dma_start3A_121 = tpu.memref_slice %arg7[%add3A_119, %dma_start3A_120] : memref<128x64xf32, #tpu.memory_space<vmem>> -> memref<1x64xf32, #tpu.memory_space<vmem>>
        %dma_start3A_122 = arith.constant 0 : i32
        %dma_start3A_123 = tpu.memref_slice %arg2[%squeeze3A_117, %dma_start3A_122] : memref<1000000x64xf32, #tpu.memory_space<hbm>> -> memref<1x64xf32, #tpu.memory_space<hbm>>
        %dma_start3A_124 = arith.constant 0 : i32
        %dma_start3A_125 = tpu.memref_slice %arg7[%add3A_119, %dma_start3A_124] : memref<128x64xf32, #tpu.memory_space<vmem>> -> memref<1x64xf32, #tpu.memory_space<vmem>>
        %dma_start3A_126 = arith.constant 0 : i32
        %dma_start3A_127 = tpu.memref_slice %arg2[%squeeze3A_117, %dma_start3A_126] : memref<1000000x64xf32, #tpu.memory_space<hbm>> -> memref<1x64xf32, #tpu.memory_space<hbm>>
        tpu.enqueue_dma source(%dma_start3A_127 : memref<1x64xf32, #tpu.memory_space<hbm>>) target(%dma_start3A_125 : memref<1x64xf32, #tpu.memory_space<vmem>>) target_semaphore(%arg9 : memref<!tpu.dma_semaphore, #tpu.memory_space<semaphore_mem>>)
        %slice3A_128 = vector.extract_strided_slice %get3A_81 {offsets = [4], sizes = [1], strides = [1]} : vector<16xi32> to vector<1xi32>
        %squeeze3A_129 = vector.extract %slice3A_128[0] : i32 from vector<1xi32>
        %add3A_130 = arith.constant 4 : i32
        %add3A_131 = arith.addi %mul3A_76, %add3A_130 : i32
        %dma_start3A_132 = arith.constant 0 : i32
        %dma_start3A_133 = tpu.memref_slice %arg7[%add3A_131, %dma_start3A_132] : memref<128x64xf32, #tpu.memory_space<vmem>> -> memref<1x64xf32, #tpu.memory_space<vmem>>
        %dma_start3A_134 = arith.constant 0 : i32
        %dma_start3A_135 = tpu.memref_slice %arg2[%squeeze3A_129, %dma_start3A_134] : memref<1000000x64xf32, #tpu.memory_space<hbm>> -> memref<1x64xf32, #tpu.memory_space<hbm>>
        %dma_start3A_136 = arith.constant 0 : i32
        %dma_start3A_137 = tpu.memref_slice %arg7[%add3A_131, %dma_start3A_136] : memref<128x64xf32, #tpu.memory_space<vmem>> -> memref<1x64xf32, #tpu.memory_space<vmem>>
        %dma_start3A_138 = arith.constant 0 : i32
        %dma_start3A_139 = tpu.memref_slice %arg2[%squeeze3A_129, %dma_start3A_138] : memref<1000000x64xf32, #tpu.memory_space<hbm>> -> memref<1x64xf32, #tpu.memory_space<hbm>>
        tpu.enqueue_dma source(%dma_start3A_139 : memref<1x64xf32, #tpu.memory_space<hbm>>) target(%dma_start3A_137 : memref<1x64xf32, #tpu.memory_space<vmem>>) target_semaphore(%arg9 : memref<!tpu.dma_semaphore, #tpu.memory_space<semaphore_mem>>)
        %slice3A_140 = vector.extract_strided_slice %get3A_81 {offsets = [5], sizes = [1], strides = [1]} : vector<16xi32> to vector<1xi32>
        %squeeze3A_141 = vector.extract %slice3A_140[0] : i32 from vector<1xi32>
        %add3A_142 = arith.constant 5 : i32
        %add3A_143 = arith.addi %mul3A_76, %add3A_142 : i32
        %dma_start3A_144 = arith.constant 0 : i32
        %dma_start3A_145 = tpu.memref_slice %arg7[%add3A_143, %dma_start3A_144] : memref<128x64xf32, #tpu.memory_space<vmem>> -> memref<1x64xf32, #tpu.memory_space<vmem>>
        %dma_start3A_146 = arith.constant 0 : i32
        %dma_start3A_147 = tpu.memref_slice %arg2[%squeeze3A_141, %dma_start3A_146] : memref<1000000x64xf32, #tpu.memory_space<hbm>> -> memref<1x64xf32, #tpu.memory_space<hbm>>
        %dma_start3A_148 = arith.constant 0 : i32
        %dma_start3A_149 = tpu.memref_slice %arg7[%add3A_143, %dma_start3A_148] : memref<128x64xf32, #tpu.memory_space<vmem>> -> memref<1x64xf32, #tpu.memory_space<vmem>>
        %dma_start3A_150 = arith.constant 0 : i32
        %dma_start3A_151 = tpu.memref_slice %arg2[%squeeze3A_141, %dma_start3A_150] : memref<1000000x64xf32, #tpu.memory_space<hbm>> -> memref<1x64xf32, #tpu.memory_space<hbm>>
        tpu.enqueue_dma source(%dma_start3A_151 : memref<1x64xf32, #tpu.memory_space<hbm>>) target(%dma_start3A_149 : memref<1x64xf32, #tpu.memory_space<vmem>>) target_semaphore(%arg9 : memref<!tpu.dma_semaphore, #tpu.memory_space<semaphore_mem>>)
        %slice3A_152 = vector.extract_strided_slice %get3A_81 {offsets = [6], sizes = [1], strides = [1]} : vector<16xi32> to vector<1xi32>
        %squeeze3A_153 = vector.extract %slice3A_152[0] : i32 from vector<1xi32>
        %add3A_154 = arith.constant 6 : i32
        %add3A_155 = arith.addi %mul3A_76, %add3A_154 : i32
        %dma_start3A_156 = arith.constant 0 : i32
        %dma_start3A_157 = tpu.memref_slice %arg7[%add3A_155, %dma_start3A_156] : memref<128x64xf32, #tpu.memory_space<vmem>> -> memref<1x64xf32, #tpu.memory_space<vmem>>
        %dma_start3A_158 = arith.constant 0 : i32
        %dma_start3A_159 = tpu.memref_slice %arg2[%squeeze3A_153, %dma_start3A_158] : memref<1000000x64xf32, #tpu.memory_space<hbm>> -> memref<1x64xf32, #tpu.memory_space<hbm>>
        %dma_start3A_160 = arith.constant 0 : i32
        %dma_start3A_161 = tpu.memref_slice %arg7[%add3A_155, %dma_start3A_160] : memref<128x64xf32, #tpu.memory_space<vmem>> -> memref<1x64xf32, #tpu.memory_space<vmem>>
        %dma_start3A_162 = arith.constant 0 : i32
        %dma_start3A_163 = tpu.memref_slice %arg2[%squeeze3A_153, %dma_start3A_162] : memref<1000000x64xf32, #tpu.memory_space<hbm>> -> memref<1x64xf32, #tpu.memory_space<hbm>>
        tpu.enqueue_dma source(%dma_start3A_163 : memref<1x64xf32, #tpu.memory_space<hbm>>) target(%dma_start3A_161 : memref<1x64xf32, #tpu.memory_space<vmem>>) target_semaphore(%arg9 : memref<!tpu.dma_semaphore, #tpu.memory_space<semaphore_mem>>)
        %slice3A_164 = vector.extract_strided_slice %get3A_81 {offsets = [7], sizes = [1], strides = [1]} : vector<16xi32> to vector<1xi32>
        %squeeze3A_165 = vector.extract %slice3A_164[0] : i32 from vector<1xi32>
        %add3A_166 = arith.constant 7 : i32
        %add3A_167 = arith.addi %mul3A_76, %add3A_166 : i32
        %dma_start3A_168 = arith.constant 0 : i32
        %dma_start3A_169 = tpu.memref_slice %arg7[%add3A_167, %dma_start3A_168] : memref<128x64xf32, #tpu.memory_space<vmem>> -> memref<1x64xf32, #tpu.memory_space<vmem>>
        %dma_start3A_170 = arith.constant 0 : i32
        %dma_start3A_171 = tpu.memref_slice %arg2[%squeeze3A_165, %dma_start3A_170] : memref<1000000x64xf32, #tpu.memory_space<hbm>> -> memref<1x64xf32, #tpu.memory_space<hbm>>
        %dma_start3A_172 = arith.constant 0 : i32
        %dma_start3A_173 = tpu.memref_slice %arg7[%add3A_167, %dma_start3A_172] : memref<128x64xf32, #tpu.memory_space<vmem>> -> memref<1x64xf32, #tpu.memory_space<vmem>>
        %dma_start3A_174 = arith.constant 0 : i32
        %dma_start3A_175 = tpu.memref_slice %arg2[%squeeze3A_165, %dma_start3A_174] : memref<1000000x64xf32, #tpu.memory_space<hbm>> -> memref<1x64xf32, #tpu.memory_space<hbm>>
        tpu.enqueue_dma source(%dma_start3A_175 : memref<1x64xf32, #tpu.memory_space<hbm>>) target(%dma_start3A_173 : memref<1x64xf32, #tpu.memory_space<vmem>>) target_semaphore(%arg9 : memref<!tpu.dma_semaphore, #tpu.memory_space<semaphore_mem>>)
        %slice3A_176 = vector.extract_strided_slice %get3A_81 {offsets = [8], sizes = [1], strides = [1]} : vector<16xi32> to vector<1xi32>
        %squeeze3A_177 = vector.extract %slice3A_176[0] : i32 from vector<1xi32>
        %add3A_178 = arith.constant 8 : i32
        %add3A_179 = arith.addi %mul3A_76, %add3A_178 : i32
        %dma_start3A_180 = arith.constant 0 : i32
        %dma_start3A_181 = tpu.memref_slice %arg7[%add3A_179, %dma_start3A_180] : memref<128x64xf32, #tpu.memory_space<vmem>> -> memref<1x64xf32, #tpu.memory_space<vmem>>
        %dma_start3A_182 = arith.constant 0 : i32
        %dma_start3A_183 = tpu.memref_slice %arg2[%squeeze3A_177, %dma_start3A_182] : memref<1000000x64xf32, #tpu.memory_space<hbm>> -> memref<1x64xf32, #tpu.memory_space<hbm>>
        %dma_start3A_184 = arith.constant 0 : i32
        %dma_start3A_185 = tpu.memref_slice %arg7[%add3A_179, %dma_start3A_184] : memref<128x64xf32, #tpu.memory_space<vmem>> -> memref<1x64xf32, #tpu.memory_space<vmem>>
        %dma_start3A_186 = arith.constant 0 : i32
        %dma_start3A_187 = tpu.memref_slice %arg2[%squeeze3A_177, %dma_start3A_186] : memref<1000000x64xf32, #tpu.memory_space<hbm>> -> memref<1x64xf32, #tpu.memory_space<hbm>>
        tpu.enqueue_dma source(%dma_start3A_187 : memref<1x64xf32, #tpu.memory_space<hbm>>) target(%dma_start3A_185 : memref<1x64xf32, #tpu.memory_space<vmem>>) target_semaphore(%arg9 : memref<!tpu.dma_semaphore, #tpu.memory_space<semaphore_mem>>)
        %slice3A_188 = vector.extract_strided_slice %get3A_81 {offsets = [9], sizes = [1], strides = [1]} : vector<16xi32> to vector<1xi32>
        %squeeze3A_189 = vector.extract %slice3A_188[0] : i32 from vector<1xi32>
        %add3A_190 = arith.constant 9 : i32
        %add3A_191 = arith.addi %mul3A_76, %add3A_190 : i32
        %dma_start3A_192 = arith.constant 0 : i32
        %dma_start3A_193 = tpu.memref_slice %arg7[%add3A_191, %dma_start3A_192] : memref<128x64xf32, #tpu.memory_space<vmem>> -> memref<1x64xf32, #tpu.memory_space<vmem>>
        %dma_start3A_194 = arith.constant 0 : i32
        %dma_start3A_195 = tpu.memref_slice %arg2[%squeeze3A_189, %dma_start3A_194] : memref<1000000x64xf32, #tpu.memory_space<hbm>> -> memref<1x64xf32, #tpu.memory_space<hbm>>
        %dma_start3A_196 = arith.constant 0 : i32
        %dma_start3A_197 = tpu.memref_slice %arg7[%add3A_191, %dma_start3A_196] : memref<128x64xf32, #tpu.memory_space<vmem>> -> memref<1x64xf32, #tpu.memory_space<vmem>>
        %dma_start3A_198 = arith.constant 0 : i32
        %dma_start3A_199 = tpu.memref_slice %arg2[%squeeze3A_189, %dma_start3A_198] : memref<1000000x64xf32, #tpu.memory_space<hbm>> -> memref<1x64xf32, #tpu.memory_space<hbm>>
        tpu.enqueue_dma source(%dma_start3A_199 : memref<1x64xf32, #tpu.memory_space<hbm>>) target(%dma_start3A_197 : memref<1x64xf32, #tpu.memory_space<vmem>>) target_semaphore(%arg9 : memref<!tpu.dma_semaphore, #tpu.memory_space<semaphore_mem>>)
        %slice3A_200 = vector.extract_strided_slice %get3A_81 {offsets = [10], sizes = [1], strides = [1]} : vector<16xi32> to vector<1xi32>
        %squeeze3A_201 = vector.extract %slice3A_200[0] : i32 from vector<1xi32>
        %add3A_202 = arith.constant 10 : i32
        %add3A_203 = arith.addi %mul3A_76, %add3A_202 : i32
        %dma_start3A_204 = arith.constant 0 : i32
        %dma_start3A_205 = tpu.memref_slice %arg7[%add3A_203, %dma_start3A_204] : memref<128x64xf32, #tpu.memory_space<vmem>> -> memref<1x64xf32, #tpu.memory_space<vmem>>
        %dma_start3A_206 = arith.constant 0 : i32
        %dma_start3A_207 = tpu.memref_slice %arg2[%squeeze3A_201, %dma_start3A_206] : memref<1000000x64xf32, #tpu.memory_space<hbm>> -> memref<1x64xf32, #tpu.memory_space<hbm>>
        %dma_start3A_208 = arith.constant 0 : i32
        %dma_start3A_209 = tpu.memref_slice %arg7[%add3A_203, %dma_start3A_208] : memref<128x64xf32, #tpu.memory_space<vmem>> -> memref<1x64xf32, #tpu.memory_space<vmem>>
        %dma_start3A_210 = arith.constant 0 : i32
        %dma_start3A_211 = tpu.memref_slice %arg2[%squeeze3A_201, %dma_start3A_210] : memref<1000000x64xf32, #tpu.memory_space<hbm>> -> memref<1x64xf32, #tpu.memory_space<hbm>>
        tpu.enqueue_dma source(%dma_start3A_211 : memref<1x64xf32, #tpu.memory_space<hbm>>) target(%dma_start3A_209 : memref<1x64xf32, #tpu.memory_space<vmem>>) target_semaphore(%arg9 : memref<!tpu.dma_semaphore, #tpu.memory_space<semaphore_mem>>)
        %slice3A_212 = vector.extract_strided_slice %get3A_81 {offsets = [11], sizes = [1], strides = [1]} : vector<16xi32> to vector<1xi32>
        %squeeze3A_213 = vector.extract %slice3A_212[0] : i32 from vector<1xi32>
        %add3A_214 = arith.constant 11 : i32
        %add3A_215 = arith.addi %mul3A_76, %add3A_214 : i32
        %dma_start3A_216 = arith.constant 0 : i32
        %dma_start3A_217 = tpu.memref_slice %arg7[%add3A_215, %dma_start3A_216] : memref<128x64xf32, #tpu.memory_space<vmem>> -> memref<1x64xf32, #tpu.memory_space<vmem>>
        %dma_start3A_218 = arith.constant 0 : i32
        %dma_start3A_219 = tpu.memref_slice %arg2[%squeeze3A_213, %dma_start3A_218] : memref<1000000x64xf32, #tpu.memory_space<hbm>> -> memref<1x64xf32, #tpu.memory_space<hbm>>
        %dma_start3A_220 = arith.constant 0 : i32
        %dma_start3A_221 = tpu.memref_slice %arg7[%add3A_215, %dma_start3A_220] : memref<128x64xf32, #tpu.memory_space<vmem>> -> memref<1x64xf32, #tpu.memory_space<vmem>>
        %dma_start3A_222 = arith.constant 0 : i32
        %dma_start3A_223 = tpu.memref_slice %arg2[%squeeze3A_213, %dma_start3A_222] : memref<1000000x64xf32, #tpu.memory_space<hbm>> -> memref<1x64xf32, #tpu.memory_space<hbm>>
        tpu.enqueue_dma source(%dma_start3A_223 : memref<1x64xf32, #tpu.memory_space<hbm>>) target(%dma_start3A_221 : memref<1x64xf32, #tpu.memory_space<vmem>>) target_semaphore(%arg9 : memref<!tpu.dma_semaphore, #tpu.memory_space<semaphore_mem>>)
        %slice3A_224 = vector.extract_strided_slice %get3A_81 {offsets = [12], sizes = [1], strides = [1]} : vector<16xi32> to vector<1xi32>
        %squeeze3A_225 = vector.extract %slice3A_224[0] : i32 from vector<1xi32>
        %add3A_226 = arith.constant 12 : i32
        %add3A_227 = arith.addi %mul3A_76, %add3A_226 : i32
        %dma_start3A_228 = arith.constant 0 : i32
        %dma_start3A_229 = tpu.memref_slice %arg7[%add3A_227, %dma_start3A_228] : memref<128x64xf32, #tpu.memory_space<vmem>> -> memref<1x64xf32, #tpu.memory_space<vmem>>
        %dma_start3A_230 = arith.constant 0 : i32
        %dma_start3A_231 = tpu.memref_slice %arg2[%squeeze3A_225, %dma_start3A_230] : memref<1000000x64xf32, #tpu.memory_space<hbm>> -> memref<1x64xf32, #tpu.memory_space<hbm>>
        %dma_start3A_232 = arith.constant 0 : i32
        %dma_start3A_233 = tpu.memref_slice %arg7[%add3A_227, %dma_start3A_232] : memref<128x64xf32, #tpu.memory_space<vmem>> -> memref<1x64xf32, #tpu.memory_space<vmem>>
        %dma_start3A_234 = arith.constant 0 : i32
        %dma_start3A_235 = tpu.memref_slice %arg2[%squeeze3A_225, %dma_start3A_234] : memref<1000000x64xf32, #tpu.memory_space<hbm>> -> memref<1x64xf32, #tpu.memory_space<hbm>>
        tpu.enqueue_dma source(%dma_start3A_235 : memref<1x64xf32, #tpu.memory_space<hbm>>) target(%dma_start3A_233 : memref<1x64xf32, #tpu.memory_space<vmem>>) target_semaphore(%arg9 : memref<!tpu.dma_semaphore, #tpu.memory_space<semaphore_mem>>)
        %slice3A_236 = vector.extract_strided_slice %get3A_81 {offsets = [13], sizes = [1], strides = [1]} : vector<16xi32> to vector<1xi32>
        %squeeze3A_237 = vector.extract %slice3A_236[0] : i32 from vector<1xi32>
        %add3A_238 = arith.constant 13 : i32
        %add3A_239 = arith.addi %mul3A_76, %add3A_238 : i32
        %dma_start3A_240 = arith.constant 0 : i32
        %dma_start3A_241 = tpu.memref_slice %arg7[%add3A_239, %dma_start3A_240] : memref<128x64xf32, #tpu.memory_space<vmem>> -> memref<1x64xf32, #tpu.memory_space<vmem>>
        %dma_start3A_242 = arith.constant 0 : i32
        %dma_start3A_243 = tpu.memref_slice %arg2[%squeeze3A_237, %dma_start3A_242] : memref<1000000x64xf32, #tpu.memory_space<hbm>> -> memref<1x64xf32, #tpu.memory_space<hbm>>
        %dma_start3A_244 = arith.constant 0 : i32
        %dma_start3A_245 = tpu.memref_slice %arg7[%add3A_239, %dma_start3A_244] : memref<128x64xf32, #tpu.memory_space<vmem>> -> memref<1x64xf32, #tpu.memory_space<vmem>>
        %dma_start3A_246 = arith.constant 0 : i32
        %dma_start3A_247 = tpu.memref_slice %arg2[%squeeze3A_237, %dma_start3A_246] : memref<1000000x64xf32, #tpu.memory_space<hbm>> -> memref<1x64xf32, #tpu.memory_space<hbm>>
        tpu.enqueue_dma source(%dma_start3A_247 : memref<1x64xf32, #tpu.memory_space<hbm>>) target(%dma_start3A_245 : memref<1x64xf32, #tpu.memory_space<vmem>>) target_semaphore(%arg9 : memref<!tpu.dma_semaphore, #tpu.memory_space<semaphore_mem>>)
        %slice3A_248 = vector.extract_strided_slice %get3A_81 {offsets = [14], sizes = [1], strides = [1]} : vector<16xi32> to vector<1xi32>
        %squeeze3A_249 = vector.extract %slice3A_248[0] : i32 from vector<1xi32>
        %add3A_250 = arith.constant 14 : i32
        %add3A_251 = arith.addi %mul3A_76, %add3A_250 : i32
        %dma_start3A_252 = arith.constant 0 : i32
        %dma_start3A_253 = tpu.memref_slice %arg7[%add3A_251, %dma_start3A_252] : memref<128x64xf32, #tpu.memory_space<vmem>> -> memref<1x64xf32, #tpu.memory_space<vmem>>
        %dma_start3A_254 = arith.constant 0 : i32
        %dma_start3A_255 = tpu.memref_slice %arg2[%squeeze3A_249, %dma_start3A_254] : memref<1000000x64xf32, #tpu.memory_space<hbm>> -> memref<1x64xf32, #tpu.memory_space<hbm>>
        %dma_start3A_256 = arith.constant 0 : i32
        %dma_start3A_257 = tpu.memref_slice %arg7[%add3A_251, %dma_start3A_256] : memref<128x64xf32, #tpu.memory_space<vmem>> -> memref<1x64xf32, #tpu.memory_space<vmem>>
        %dma_start3A_258 = arith.constant 0 : i32
        %dma_start3A_259 = tpu.memref_slice %arg2[%squeeze3A_249, %dma_start3A_258] : memref<1000000x64xf32, #tpu.memory_space<hbm>> -> memref<1x64xf32, #tpu.memory_space<hbm>>
        tpu.enqueue_dma source(%dma_start3A_259 : memref<1x64xf32, #tpu.memory_space<hbm>>) target(%dma_start3A_257 : memref<1x64xf32, #tpu.memory_space<vmem>>) target_semaphore(%arg9 : memref<!tpu.dma_semaphore, #tpu.memory_space<semaphore_mem>>)
        %slice3A_260 = vector.extract_strided_slice %get3A_81 {offsets = [15], sizes = [1], strides = [1]} : vector<16xi32> to vector<1xi32>
        %squeeze3A_261 = vector.extract %slice3A_260[0] : i32 from vector<1xi32>
        %add3A_262 = arith.constant 15 : i32
        %add3A_263 = arith.addi %mul3A_76, %add3A_262 : i32
        %dma_start3A_264 = arith.constant 0 : i32
        %dma_start3A_265 = tpu.memref_slice %arg7[%add3A_263, %dma_start3A_264] : memref<128x64xf32, #tpu.memory_space<vmem>> -> memref<1x64xf32, #tpu.memory_space<vmem>>
        %dma_start3A_266 = arith.constant 0 : i32
        %dma_start3A_267 = tpu.memref_slice %arg2[%squeeze3A_261, %dma_start3A_266] : memref<1000000x64xf32, #tpu.memory_space<hbm>> -> memref<1x64xf32, #tpu.memory_space<hbm>>
        %dma_start3A_268 = arith.constant 0 : i32
        %dma_start3A_269 = tpu.memref_slice %arg7[%add3A_263, %dma_start3A_268] : memref<128x64xf32, #tpu.memory_space<vmem>> -> memref<1x64xf32, #tpu.memory_space<vmem>>
        %dma_start3A_270 = arith.constant 0 : i32
        %dma_start3A_271 = tpu.memref_slice %arg2[%squeeze3A_261, %dma_start3A_270] : memref<1000000x64xf32, #tpu.memory_space<hbm>> -> memref<1x64xf32, #tpu.memory_space<hbm>>
        tpu.enqueue_dma source(%dma_start3A_271 : memref<1x64xf32, #tpu.memory_space<hbm>>) target(%dma_start3A_269 : memref<1x64xf32, #tpu.memory_space<vmem>>) target_semaphore(%arg9 : memref<!tpu.dma_semaphore, #tpu.memory_space<semaphore_mem>>)
      }
      %scan3A_44 = arith.constant 8 : i32
      %dma_wait3A_45 = arith.constant 0 : i32
      %dma_wait3A_46 = arith.constant 0 : i32
      %dma_wait3A_47 = tpu.memref_slice %arg2[%dma_wait3A_45, %dma_wait3A_46] : memref<1000000x64xf32, #tpu.memory_space<hbm>> -> memref<128x64xf32, #tpu.memory_space<hbm>>
      %dma_wait3A_48 = arith.constant 0 : i32
      %dma_wait3A_49 = arith.constant 0 : i32
      %dma_wait3A_50 = tpu.memref_slice %arg2[%dma_wait3A_48, %dma_wait3A_49] : memref<1000000x64xf32, #tpu.memory_space<hbm>> -> memref<128x64xf32, #tpu.memory_space<hbm>>
      tpu.wait_dma2 semaphore(%arg8 : memref<!tpu.dma_semaphore, #tpu.memory_space<semaphore_mem>>) src(%dma_wait3A_50 : memref<128x64xf32, #tpu.memory_space<hbm>>) dst(%arg6 : memref<128x64xf32, #tpu.memory_space<vmem>>)
      %add3A_51 = arith.constant 0 : i32
      %add3A_52 = arith.addi %mul3A_17, %add3A_51 : i32
      %mul3A_53 = arith.constant 128 : i32
      %mul3A_54 = arith.muli %add3A_52, %mul3A_53 : i32
      %add3A_55 = arith.addi %mul3A_2, %mul3A_54 : i32
      %dma_start3A = arith.constant 0 : i32
      %dma_start3A_56 = tpu.memref_slice %arg4[%add3A_55, %dma_start3A] : memref<163840x64xf32, #tpu.memory_space<hbm>> -> memref<128x64xf32, #tpu.memory_space<hbm>>
      %dma_start3A_57 = arith.constant 0 : i32
      %dma_start3A_58 = tpu.memref_slice %arg4[%add3A_55, %dma_start3A_57] : memref<163840x64xf32, #tpu.memory_space<hbm>> -> memref<128x64xf32, #tpu.memory_space<hbm>>
      tpu.enqueue_dma source(%arg6 : memref<128x64xf32, #tpu.memory_space<vmem>>) target(%dma_start3A_58 : memref<128x64xf32, #tpu.memory_space<hbm>>) target_semaphore(%arg10 : memref<!tpu.dma_semaphore, #tpu.memory_space<semaphore_mem>>)
      %dma_wait3A_59 = arith.constant 0 : i32
      %dma_wait3A_60 = arith.constant 0 : i32
      %dma_wait3A_61 = tpu.memref_slice %arg2[%dma_wait3A_59, %dma_wait3A_60] : memref<1000000x64xf32, #tpu.memory_space<hbm>> -> memref<128x64xf32, #tpu.memory_space<hbm>>
      %dma_wait3A_62 = arith.constant 0 : i32
      %dma_wait3A_63 = arith.constant 0 : i32
      %dma_wait3A_64 = tpu.memref_slice %arg2[%dma_wait3A_62, %dma_wait3A_63] : memref<1000000x64xf32, #tpu.memory_space<hbm>> -> memref<128x64xf32, #tpu.memory_space<hbm>>
      tpu.wait_dma2 semaphore(%arg9 : memref<!tpu.dma_semaphore, #tpu.memory_space<semaphore_mem>>) src(%dma_wait3A_64 : memref<128x64xf32, #tpu.memory_space<hbm>>) dst(%arg7 : memref<128x64xf32, #tpu.memory_space<vmem>>)
      %add3A_65 = arith.constant 1 : i32
      %add3A_66 = arith.addi %mul3A_17, %add3A_65 : i32
      %mul3A_67 = arith.constant 128 : i32
      %mul3A_68 = arith.muli %add3A_66, %mul3A_67 : i32
      %add3A_69 = arith.addi %mul3A_2, %mul3A_68 : i32
      %dma_start3A_70 = arith.constant 0 : i32
      %dma_start3A_71 = tpu.memref_slice %arg4[%add3A_69, %dma_start3A_70] : memref<163840x64xf32, #tpu.memory_space<hbm>> -> memref<128x64xf32, #tpu.memory_space<hbm>>
      %dma_start3A_72 = arith.constant 0 : i32
      %dma_start3A_73 = tpu.memref_slice %arg4[%add3A_69, %dma_start3A_72] : memref<163840x64xf32, #tpu.memory_space<hbm>> -> memref<128x64xf32, #tpu.memory_space<hbm>>
      tpu.enqueue_dma source(%arg7 : memref<128x64xf32, #tpu.memory_space<vmem>>) target(%dma_start3A_73 : memref<128x64xf32, #tpu.memory_space<hbm>>) target_semaphore(%arg11 : memref<!tpu.dma_semaphore, #tpu.memory_space<semaphore_mem>>)
    }
    %scan3A_7 = arith.constant 20 : i32
    %dma_wait3A = arith.constant 0 : i32
    %dma_wait3A_8 = tpu.memref_slice %arg4[%mul3A_2, %dma_wait3A] : memref<163840x64xf32, #tpu.memory_space<hbm>> -> memref<128x64xf32, #tpu.memory_space<hbm>>
    %dma_wait3A_9 = arith.constant 0 : i32
    %dma_wait3A_10 = tpu.memref_slice %arg4[%mul3A_2, %dma_wait3A_9] : memref<163840x64xf32, #tpu.memory_space<hbm>> -> memref<128x64xf32, #tpu.memory_space<hbm>>
    tpu.wait_dma2 semaphore(%arg10 : memref<!tpu.dma_semaphore, #tpu.memory_space<semaphore_mem>>) src(%arg6 : memref<128x64xf32, #tpu.memory_space<vmem>>) dst(%dma_wait3A_10 : memref<128x64xf32, #tpu.memory_space<hbm>>)
    %dma_wait3A_11 = arith.constant 0 : i32
    %dma_wait3A_12 = tpu.memref_slice %arg4[%mul3A_2, %dma_wait3A_11] : memref<163840x64xf32, #tpu.memory_space<hbm>> -> memref<128x64xf32, #tpu.memory_space<hbm>>
    %dma_wait3A_13 = arith.constant 0 : i32
    %dma_wait3A_14 = tpu.memref_slice %arg4[%mul3A_2, %dma_wait3A_13] : memref<163840x64xf32, #tpu.memory_space<hbm>> -> memref<128x64xf32, #tpu.memory_space<hbm>>
    tpu.wait_dma2 semaphore(%arg11 : memref<!tpu.dma_semaphore, #tpu.memory_space<semaphore_mem>>) src(%arg7 : memref<128x64xf32, #tpu.memory_space<vmem>>) dst(%dma_wait3A_14 : memref<128x64xf32, #tpu.memory_space<hbm>>)
    return
  }
}

module attributes {stable_mosaic.version = 14 : i64} {
  func.func @_tc_body(%arg0: i32, %arg1: memref<5120x64xf32, #tpu.memory_space<vmem>>, %arg2: memref<10x1280xf32, #tpu.memory_space<vmem>>, %arg3: memref<1x10xf32, #tpu.memory_space<vmem>>, %arg4: memref<256x10xf32, #tpu.memory_space<vmem>>) attributes {dimension_semantics = [#tpu.dimension_semantics<arbitrary>], iteration_bounds = array<i64: 32>, scalar_prefetch = 0 : i64, scratch_operands = 0 : i64, tpu.core_type = #tpu.core_type<tc>, window_params = [{transform_indices = @transform_0, window_bounds = array<i64: 5120, 64>}, {pipeline_mode = #tpu.pipeline_mode<synchronous>, transform_indices = @transform_1, window_bounds = array<i64: 10, 1280>}, {pipeline_mode = #tpu.pipeline_mode<synchronous>, transform_indices = @transform_2, window_bounds = array<i64: 1, 10>}, {transform_indices = @transform_3, window_bounds = array<i64: 256, 10>}]} {
    %get3A = arith.constant 0 : index
    %get3A_0 = arith.constant 0 : index
    %get3A_1 = vector.load %arg1[%get3A, %get3A_0] : memref<5120x64xf32, #tpu.memory_space<vmem>>, vector<256x64xf32>
    %max3A = arith.constant 0.000000e+00 : f32
    %max3A_2 = vector.broadcast %max3A : f32 to vector<256x64xf32>
    %max3A_3 = arith.maximumf %get3A_1, %max3A_2 : vector<256x64xf32>
    %get3A_4 = arith.constant 256 : index
    %get3A_5 = arith.constant 0 : index
    %get3A_6 = vector.load %arg1[%get3A_4, %get3A_5] : memref<5120x64xf32, #tpu.memory_space<vmem>>, vector<256x64xf32>
    %max3A_7 = arith.constant 0.000000e+00 : f32
    %max3A_8 = vector.broadcast %max3A_7 : f32 to vector<256x64xf32>
    %max3A_9 = arith.maximumf %get3A_6, %max3A_8 : vector<256x64xf32>
    %get3A_10 = arith.constant 512 : index
    %get3A_11 = arith.constant 0 : index
    %get3A_12 = vector.load %arg1[%get3A_10, %get3A_11] : memref<5120x64xf32, #tpu.memory_space<vmem>>, vector<256x64xf32>
    %max3A_13 = arith.constant 0.000000e+00 : f32
    %max3A_14 = vector.broadcast %max3A_13 : f32 to vector<256x64xf32>
    %max3A_15 = arith.maximumf %get3A_12, %max3A_14 : vector<256x64xf32>
    %get3A_16 = arith.constant 768 : index
    %get3A_17 = arith.constant 0 : index
    %get3A_18 = vector.load %arg1[%get3A_16, %get3A_17] : memref<5120x64xf32, #tpu.memory_space<vmem>>, vector<256x64xf32>
    %max3A_19 = arith.constant 0.000000e+00 : f32
    %max3A_20 = vector.broadcast %max3A_19 : f32 to vector<256x64xf32>
    %max3A_21 = arith.maximumf %get3A_18, %max3A_20 : vector<256x64xf32>
    %get3A_22 = arith.constant 1024 : index
    %get3A_23 = arith.constant 0 : index
    %get3A_24 = vector.load %arg1[%get3A_22, %get3A_23] : memref<5120x64xf32, #tpu.memory_space<vmem>>, vector<256x64xf32>
    %max3A_25 = arith.constant 0.000000e+00 : f32
    %max3A_26 = vector.broadcast %max3A_25 : f32 to vector<256x64xf32>
    %max3A_27 = arith.maximumf %get3A_24, %max3A_26 : vector<256x64xf32>
    %get3A_28 = arith.constant 1280 : index
    %get3A_29 = arith.constant 0 : index
    %get3A_30 = vector.load %arg1[%get3A_28, %get3A_29] : memref<5120x64xf32, #tpu.memory_space<vmem>>, vector<256x64xf32>
    %max3A_31 = arith.constant 0.000000e+00 : f32
    %max3A_32 = vector.broadcast %max3A_31 : f32 to vector<256x64xf32>
    %max3A_33 = arith.maximumf %get3A_30, %max3A_32 : vector<256x64xf32>
    %get3A_34 = arith.constant 1536 : index
    %get3A_35 = arith.constant 0 : index
    %get3A_36 = vector.load %arg1[%get3A_34, %get3A_35] : memref<5120x64xf32, #tpu.memory_space<vmem>>, vector<256x64xf32>
    %max3A_37 = arith.constant 0.000000e+00 : f32
    %max3A_38 = vector.broadcast %max3A_37 : f32 to vector<256x64xf32>
    %max3A_39 = arith.maximumf %get3A_36, %max3A_38 : vector<256x64xf32>
    %get3A_40 = arith.constant 1792 : index
    %get3A_41 = arith.constant 0 : index
    %get3A_42 = vector.load %arg1[%get3A_40, %get3A_41] : memref<5120x64xf32, #tpu.memory_space<vmem>>, vector<256x64xf32>
    %max3A_43 = arith.constant 0.000000e+00 : f32
    %max3A_44 = vector.broadcast %max3A_43 : f32 to vector<256x64xf32>
    %max3A_45 = arith.maximumf %get3A_42, %max3A_44 : vector<256x64xf32>
    %get3A_46 = arith.constant 2048 : index
    %get3A_47 = arith.constant 0 : index
    %get3A_48 = vector.load %arg1[%get3A_46, %get3A_47] : memref<5120x64xf32, #tpu.memory_space<vmem>>, vector<256x64xf32>
    %max3A_49 = arith.constant 0.000000e+00 : f32
    %max3A_50 = vector.broadcast %max3A_49 : f32 to vector<256x64xf32>
    %max3A_51 = arith.maximumf %get3A_48, %max3A_50 : vector<256x64xf32>
    %get3A_52 = arith.constant 2304 : index
    %get3A_53 = arith.constant 0 : index
    %get3A_54 = vector.load %arg1[%get3A_52, %get3A_53] : memref<5120x64xf32, #tpu.memory_space<vmem>>, vector<256x64xf32>
    %max3A_55 = arith.constant 0.000000e+00 : f32
    %max3A_56 = vector.broadcast %max3A_55 : f32 to vector<256x64xf32>
    %max3A_57 = arith.maximumf %get3A_54, %max3A_56 : vector<256x64xf32>
    %get3A_58 = arith.constant 2560 : index
    %get3A_59 = arith.constant 0 : index
    %get3A_60 = vector.load %arg1[%get3A_58, %get3A_59] : memref<5120x64xf32, #tpu.memory_space<vmem>>, vector<256x64xf32>
    %max3A_61 = arith.constant 0.000000e+00 : f32
    %max3A_62 = vector.broadcast %max3A_61 : f32 to vector<256x64xf32>
    %max3A_63 = arith.maximumf %get3A_60, %max3A_62 : vector<256x64xf32>
    %get3A_64 = arith.constant 2816 : index
    %get3A_65 = arith.constant 0 : index
    %get3A_66 = vector.load %arg1[%get3A_64, %get3A_65] : memref<5120x64xf32, #tpu.memory_space<vmem>>, vector<256x64xf32>
    %max3A_67 = arith.constant 0.000000e+00 : f32
    %max3A_68 = vector.broadcast %max3A_67 : f32 to vector<256x64xf32>
    %max3A_69 = arith.maximumf %get3A_66, %max3A_68 : vector<256x64xf32>
    %get3A_70 = arith.constant 3072 : index
    %get3A_71 = arith.constant 0 : index
    %get3A_72 = vector.load %arg1[%get3A_70, %get3A_71] : memref<5120x64xf32, #tpu.memory_space<vmem>>, vector<256x64xf32>
    %max3A_73 = arith.constant 0.000000e+00 : f32
    %max3A_74 = vector.broadcast %max3A_73 : f32 to vector<256x64xf32>
    %max3A_75 = arith.maximumf %get3A_72, %max3A_74 : vector<256x64xf32>
    %get3A_76 = arith.constant 3328 : index
    %get3A_77 = arith.constant 0 : index
    %get3A_78 = vector.load %arg1[%get3A_76, %get3A_77] : memref<5120x64xf32, #tpu.memory_space<vmem>>, vector<256x64xf32>
    %max3A_79 = arith.constant 0.000000e+00 : f32
    %max3A_80 = vector.broadcast %max3A_79 : f32 to vector<256x64xf32>
    %max3A_81 = arith.maximumf %get3A_78, %max3A_80 : vector<256x64xf32>
    %get3A_82 = arith.constant 3584 : index
    %get3A_83 = arith.constant 0 : index
    %get3A_84 = vector.load %arg1[%get3A_82, %get3A_83] : memref<5120x64xf32, #tpu.memory_space<vmem>>, vector<256x64xf32>
    %max3A_85 = arith.constant 0.000000e+00 : f32
    %max3A_86 = vector.broadcast %max3A_85 : f32 to vector<256x64xf32>
    %max3A_87 = arith.maximumf %get3A_84, %max3A_86 : vector<256x64xf32>
    %get3A_88 = arith.constant 3840 : index
    %get3A_89 = arith.constant 0 : index
    %get3A_90 = vector.load %arg1[%get3A_88, %get3A_89] : memref<5120x64xf32, #tpu.memory_space<vmem>>, vector<256x64xf32>
    %max3A_91 = arith.constant 0.000000e+00 : f32
    %max3A_92 = vector.broadcast %max3A_91 : f32 to vector<256x64xf32>
    %max3A_93 = arith.maximumf %get3A_90, %max3A_92 : vector<256x64xf32>
    %get3A_94 = arith.constant 4096 : index
    %get3A_95 = arith.constant 0 : index
    %get3A_96 = vector.load %arg1[%get3A_94, %get3A_95] : memref<5120x64xf32, #tpu.memory_space<vmem>>, vector<256x64xf32>
    %max3A_97 = arith.constant 0.000000e+00 : f32
    %max3A_98 = vector.broadcast %max3A_97 : f32 to vector<256x64xf32>
    %max3A_99 = arith.maximumf %get3A_96, %max3A_98 : vector<256x64xf32>
    %get3A_100 = arith.constant 4352 : index
    %get3A_101 = arith.constant 0 : index
    %get3A_102 = vector.load %arg1[%get3A_100, %get3A_101] : memref<5120x64xf32, #tpu.memory_space<vmem>>, vector<256x64xf32>
    %max3A_103 = arith.constant 0.000000e+00 : f32
    %max3A_104 = vector.broadcast %max3A_103 : f32 to vector<256x64xf32>
    %max3A_105 = arith.maximumf %get3A_102, %max3A_104 : vector<256x64xf32>
    %get3A_106 = arith.constant 4608 : index
    %get3A_107 = arith.constant 0 : index
    %get3A_108 = vector.load %arg1[%get3A_106, %get3A_107] : memref<5120x64xf32, #tpu.memory_space<vmem>>, vector<256x64xf32>
    %max3A_109 = arith.constant 0.000000e+00 : f32
    %max3A_110 = vector.broadcast %max3A_109 : f32 to vector<256x64xf32>
    %max3A_111 = arith.maximumf %get3A_108, %max3A_110 : vector<256x64xf32>
    %get3A_112 = arith.constant 4864 : index
    %get3A_113 = arith.constant 0 : index
    %get3A_114 = vector.load %arg1[%get3A_112, %get3A_113] : memref<5120x64xf32, #tpu.memory_space<vmem>>, vector<256x64xf32>
    %max3A_115 = arith.constant 0.000000e+00 : f32
    %max3A_116 = vector.broadcast %max3A_115 : f32 to vector<256x64xf32>
    %max3A_117 = arith.maximumf %get3A_114, %max3A_116 : vector<256x64xf32>
    %concatenate3A = tpu.concatenate %max3A_3, %max3A_9, %max3A_15, %max3A_21, %max3A_27, %max3A_33, %max3A_39, %max3A_45, %max3A_51, %max3A_57, %max3A_63, %max3A_69, %max3A_75, %max3A_81, %max3A_87, %max3A_93, %max3A_99, %max3A_105, %max3A_111, %max3A_117 in 1 : vector<256x64xf32>, vector<256x64xf32>, vector<256x64xf32>, vector<256x64xf32>, vector<256x64xf32>, vector<256x64xf32>, vector<256x64xf32>, vector<256x64xf32>, vector<256x64xf32>, vector<256x64xf32>, vector<256x64xf32>, vector<256x64xf32>, vector<256x64xf32>, vector<256x64xf32>, vector<256x64xf32>, vector<256x64xf32>, vector<256x64xf32>, vector<256x64xf32>, vector<256x64xf32>, vector<256x64xf32> -> vector<256x1280xf32>
    %get3A_118 = arith.constant 0 : index
    %get3A_119 = arith.constant 0 : index
    %get3A_120 = vector.load %arg2[%get3A_118, %get3A_119] : memref<10x1280xf32, #tpu.memory_space<vmem>>, vector<10x1280xf32>
    %dot_general3A = arith.constant dense<0.000000e+00> : vector<256x10xf32>
    %dot_general3A_121 = tpu.matmul %concatenate3A, %get3A_120, %dot_general3A {dimension_numbers = #tpu.dot_dimension_numbers<[1], [1], [0], [0], [0, 0, 1, 0], [], []>, transpose_lhs_hint = false} : vector<256x1280xf32>, vector<10x1280xf32>, vector<256x10xf32> -> vector<256x10xf32>
    %get3A_122 = arith.constant 0 : index
    %get3A_123 = arith.constant 0 : index
    %get3A_124 = vector.load %arg3[%get3A_122, %get3A_123] : memref<1x10xf32, #tpu.memory_space<vmem>>, vector<1x10xf32>
    %add3A = vector.broadcast %get3A_124 : vector<1x10xf32> to vector<256x10xf32>
    %add3A_125 = arith.addf %dot_general3A_121, %add3A : vector<256x10xf32>
    %swap3A = arith.constant 0 : index
    %swap3A_126 = arith.constant 0 : index
    %swap3A_127 = vector.load %arg4[%swap3A, %swap3A_126] : memref<256x10xf32, #tpu.memory_space<vmem>>, vector<256x10xf32>
    tpu.vector_store %arg4[%swap3A, %swap3A_126], %add3A_125 {strides = array<i32>} : memref<256x10xf32, #tpu.memory_space<vmem>>, vector<256x10xf32>,
    return
  }
  func.func @transform_0(%arg0: i32) -> (i32, i32) {
    %c0_i32 = arith.constant 0 : i32
    %c0_i32_0 = arith.constant 0 : i32
    return %arg0, %c0_i32 : i32, i32
  }
  func.func @transform_1(%arg0: i32) -> (i32, i32) {
    %c0_i32 = arith.constant 0 : i32
    %c0_i32_0 = arith.constant 0 : i32
    %c0_i32_1 = arith.constant 0 : i32
    return %c0_i32, %c0_i32_0 : i32, i32
  }
  func.func @transform_2(%arg0: i32) -> (i32, i32) {
    %c0_i32 = arith.constant 0 : i32
    %c0_i32_0 = arith.constant 0 : i32
    %c0_i32_1 = arith.constant 0 : i32
    return %c0_i32, %c0_i32_0 : i32, i32
  }
  func.func @transform_3(%arg0: i32) -> (i32, i32) {
    %c0_i32 = arith.constant 0 : i32
    %c0_i32_0 = arith.constant 0 : i32
    return %arg0, %c0_i32 : i32, i32
  }
}

</mosaic_0001>

<sc_bundles>
// kernel: kernel.6.cloned.1.call-start
scs
__scs_entry_jumppad:
0x0: {  	(pc) =	sbr.rel $0x88, $3  }
0x1: {  	(tag) =	ssettag $0x0;
	lr =	simm.s32 $0x1  }
0x2: {  	[smem:$0x3F9D] =	sst lr;
	_ =	strace $0xD0000000  }
0x3: {  	_ = 	snop  }
0x4: {  	_ = 	snop  }
0x5: {  	_ = 	snop  }
0x6: {  	_ = 	snop  }
0x7: {  	_ = 	snop  }
__scs_overlays_trampoline_lowered:
0x8: {  	[smem:$0x3FAC] =	sst s0  }
0x9: {  	[smem:$0x3FAD] =	sst s1  }
0xa: {  	[smem:$0x3FAE] =	sst s2  }
0xb: {  	[smem:$0x3FAF] =	sst s3  }
0xc: {  	[smem:$0x3FB0] =	sst s4  }
0xd: {  	[smem:$0x3FB1] =	sst s5  }
0xe: {  	[smem:$0x3FB2] =	sst s6  }
0xf: {  	[smem:$0x3FB3] =	sst s7  }
0x10: {  	[smem:$0x3FB4] =	sst s8  }
0x11: {  	[smem:$0x3FB5] =	sst s9;
	s0 =	simm.s32 @!p0 $0x0  }
0x12: {  	s1 =	sld [smem:$0x3F9B];
	s0 =	simm.s32 @p0 $0x1  }
0x13: {  	[smem:$0x3FB6] =	sst s0;
	s0 =	simm.s32 @!p1 $0x0  }
0x14: {  	s2 =	sld [smem:$0x3F9A];
	s0 =	simm.s32 @p1 $0x1  }
0x15: {  	[smem:$0x3FB7] =	sst s0;
	s0 =	simm.s32 @!p2 $0x0  }
0x16: {  	s3 =	sld [smem:$0x3FDB];
	s0 =	simm.s32 @p2 $0x1  }
0x17: {  	s4 =	simm.s32 $0x1BF5;
	[smem:$0x3FB9] =	sst s0  }
0x18: {  	s0 =	sld [smem:$0x3F9C];
	_ =	swait.ge [sflag:s4], $0x0  }
0x19: {  	s7 =	sld [smem:$0x3F9D]  }
0x1a: {  	s8 =	sadd.s32 $0xFFFFE003, lr  }
0x1b: {  	s9 =	sadd.s32 $0xFFFFFEF7, lr;
	s5 =	simm.s32 $0xFFFFFFFF;
	p2 =	slt.u32 s8, $0xFFFFF086  }
0x1c: {  	p1 =	slt.u32 s9, $0xF7A;
	s5 =	simm.s32 @!p2 $0x0  }
0x1d: {  	s5 =	simm.s32 @p1 $0x1;
	p0 =	seq.s32 s7, s2  }
0x1e: {  	s7 =	smul.u32 @!p0 $0xF7A, s2;
	p2 =	seq.s32 @!p0 s5, $0x0  }
0x1f: {  	s9 =	smul.u32 $0xF7A, s1;
	s8 =	simm.s32 @!p0 $0x1BF5;
	p2 =	por !p2, p0  }
0x20: {  	[sflag:s8] =	ssyncset.s32 @!p0 $0xFFFFF086;
	s6 =	sadd.s32 @!p0 s3, s7;
	s7 =	simm.s32 @!p0 $0x108  }
0x21: {  	s3 =	sadd.s32 s3, s9;
	s6 =	sadd.s32 @!p0 $0x88, s6;
	s7 =	simm.s32 @p2 $0x1082  }
0x22: {  	[simem:s7], [sflag:s8] =	dma.local @!p0 [hbm:s6], $0xF7A  }
0x23: {  	s9 =	sor.u32 $0xD0000000, s2;
	s6 =	simm.s32 $0x108;
	_ =	swait.ge @!p0 [sflag:s8], $0x0  }
0x24: {  	s3 =	sadd.s32 $0x88, s3;
	s6 =	simm.s32 @!p1 $0x1082;
	[sflag:s4] =	ssyncset.s32 $0xFFFFF086  }
0x25: {  	[simem:s6], [sflag:s4] =	dma.local [hbm:s3], $0xF7A  }
0x26: {  	[smem:$0x3F9D] =	sst s1;
	(tag) =	ssettag s2;
	_ =	strace s9  }
0x27: {  	s1 =	sld [smem:$0x3FAD]  }
0x28: {  	s2 =	sld [smem:$0x3FAE]  }
0x29: {  	s4 =	sld [smem:$0x3FB0]  }
0x2a: {  	p0 =	seq.s32 s5, $0x0;
	s5 =	sld [smem:$0x3FB1]  }
0x2b: {  	s6 =	sld [smem:$0x3FB2]  }
0x2c: {  	s7 =	sld [smem:$0x3FB3]  }
0x2d: {  	s3 =	simm.s32 $0x108;
	s8 =	sld [smem:$0x3FB4]  }
0x2e: {  	s3 =	simm.s32 @!p0 $0x1082;
	s9 =	sld [smem:$0x3FB5]  }
0x2f: {  	lr =	sadd.s32 s0, s3;
	s0 =	sld [smem:$0x3FAC]  }
0x30: {  	s3 =	sld [smem:$0x3FAF]  }
0x31: {  	[smem:$0x3FB8] =	sst s10  }
0x32: {  	s10 =	sld [smem:$0x3FB6];
	_ =	sdelay $0x3  }
0x33: {  	p0 =	seq.s32 s10, $0x1;
	s10 =	sld [smem:$0x3FB8];
	_ =	sdelay $0x3  }
0x34: {  	[smem:$0x3FB8] =	sst s10  }
0x35: {  	s10 =	sld [smem:$0x3FB7];
	_ =	sdelay $0x3  }
0x36: {  	p1 =	seq.s32 s10, $0x1;
	s10 =	sld [smem:$0x3FB8];
	_ =	sdelay $0x3  }
0x37: {  	[smem:$0x3FB8] =	sst s10  }
0x38: {  	s10 =	sld [smem:$0x3FB9]  }
0x39: {  	_ = 	snop;
	(pc) =	sbr.ind lr, $3  }
0x3a: {  	_ = 	snop  }
0x3b: {  	_ = 	snop  }
0x3c: {  	p2 =	seq.s32 s10, $0x1;
	s10 =	sld [smem:$0x3FB8]  }
0x3d: {  	_ =	shalt  }
0x3e: {  	_ =	shalt  }
0x3f: {  	_ =	shalt  }
0x40: {  	_ =	shalt  }
0x41: {  	_ =	shalt  }
0x42: {  	_ =	shalt  }
0x43: {  	_ =	shalt  }
0x44: {  	_ =	shalt  }
0x45: {  	_ =	shalt  }
0x46: {  	_ =	shalt  }
0x47: {  	_ =	shalt  }
0x48: {  	_ =	shalt  }
0x49: {  	_ =	shalt  }
0x4a: {  	_ =	shalt  }
0x4b: {  	_ =	shalt  }
0x4c: {  	_ =	shalt  }
0x4d: {  	_ =	shalt  }
0x4e: {  	_ =	shalt  }
0x4f: {  	_ =	shalt  }
0x50: {  	_ =	shalt  }
0x51: {  	_ =	shalt  }
0x52: {  	_ =	shalt  }
0x53: {  	_ =	shalt  }
0x54: {  	_ =	shalt  }
0x55: {  	_ =	shalt  }
0x56: {  	_ =	shalt  }
0x57: {  	_ =	shalt  }
0x58: {  	_ =	shalt  }
0x59: {  	_ =	shalt  }
0x5a: {  	_ =	shalt  }
0x5b: {  	_ =	shalt  }
0x5c: {  	_ =	shalt  }
0x5d: {  	_ =	shalt  }
0x5e: {  	_ =	shalt  }
0x5f: {  	_ =	shalt  }
0x60: {  	_ =	shalt  }
0x61: {  	_ =	shalt  }
0x62: {  	_ =	shalt  }
0x63: {  	_ =	shalt  }
0x64: {  	_ =	shalt  }
0x65: {  	_ =	shalt  }
0x66: {  	_ =	shalt  }
0x67: {  	_ =	shalt  }
0x68: {  	_ =	shalt  }
0x69: {  	_ =	shalt  }
0x6a: {  	_ =	shalt  }
0x6b: {  	_ =	shalt  }
0x6c: {  	_ =	shalt  }
0x6d: {  	_ =	shalt  }
0x6e: {  	_ =	shalt  }
0x6f: {  	_ =	shalt  }
0x70: {  	_ =	shalt  }
0x71: {  	_ =	shalt  }
0x72: {  	_ =	shalt  }
0x73: {  	_ =	shalt  }
0x74: {  	_ =	shalt  }
0x75: {  	_ =	shalt  }
0x76: {  	_ =	shalt  }
0x77: {  	_ =	shalt  }
0x78: {  	_ =	shalt  }
0x79: {  	_ =	shalt  }
0x7a: {  	_ =	shalt  }
0x7b: {  	_ =	shalt  }
0x7c: {  	_ =	shalt  }
0x7d: {  	_ =	shalt  }
0x7e: {  	_ =	shalt  }
0x7f: {  	_ =	shalt  }
0x80: {  	_ =	shalt  }
0x81: {  	_ =	shalt  }
0x82: {  	_ =	shalt  }
0x83: {  	_ =	shalt  }
0x84: {  	_ =	shalt  }
0x85: {  	_ =	shalt  }
0x86: {  	_ =	shalt  }
0x87: {  	_ =	shalt  }
.Lfunc_end0:
.L_simem_size_0:
called_computation_lowered:
.L_overlay_start_0:
0x88: {  	s2 =	sld [smem:$0x3FD9]  }
0x89: {  	s3 =	sld [smem:$0x3FFE];
	_ =	sdelay $0x1  }
0x8a: {  	s1 =	srdreg.scid  }
0x8b: {  	s0 =	sand.u32 $0x1, s1  }
0x8c: {  	s17 =	sshll.u32 s0, $0xA;
	s2 =	sadd.s32 s3, s2  }
0x8d: {  	s2 =	sadd.s32 s2, s17  }
0x8e: {  	[smem:$0x3FC4] =	sst s2  }
0x8f: {  	_ = 	snop  }
0x90: {  	(tm) =	ssettm $0x1  }
0x91: {  	s18 =	sld [smem:$0x3FFB];
	_ =	sdelay $0x3  }
0x92: {  	_ =	strace s18  }
0x93: {  	s2 =	sld [smem:$0x3FFC];
	_ =	sdelay $0x3  }
0x94: {  	_ =	strace s2  }
0x95: {  	s2 =	sld [smem:$0x3FFD];
	_ =	sdelay $0x3  }
0x96: {  	_ =	strace s2  }
0x97: {  	_ =	strace $0x8FFFFFFF  }
0x98: {  	s19 =	sld [smem:$0x3FDB];
	_ =	sdelay $0x1  }
0x99: {  	s20 =	simm.s32 $_scs_section_size  }
0x9a: {  	s4 =	simm.s32 $_size__tile_overlayer_lowered;
	s5 =	simm.s32 $_tile_overlayer_lowered  }
0x9b: {  	s6 =	simm.s32 $0x1BFF;
	s21 =	sshll.u32 s5, $0x1;
	s3 =	sadd.s32 s20, s19  }
0x9c: {  	s22 =	simm.s32 $0x0;
	s4 =	sshll.u32 s4, $0x1;
	s5 =	sadd.s32 s21, s3  }
0x9d: {  	[timem:s22], [sflag:s6] =	dma.local [hbm:s5], s4  }
0x9e: {  	_ =	swait.ge [sflag:s6], s4  }
0x9f: {  	s4 =	ssub.s32 $0x0, s4;
	[sflag:s6] =	ssyncset.done $0x0  }
0xa0: {  	[sflag:s6] =	ssyncadd.s32 s4;
	_ =	sdelay $0x1  }
0xa1: {  	s23 =	simm.s32 $0x1B8B  }
0xa2: {  	_ =	swait.ge [sflag:s23], $0x1  }
0xa3: {  	[sflag:s23] =	ssyncset.done $0x0  }
0xa4: {  	[sflag:s23] =	ssyncadd.s32 $0xFFFFFFFF  }
0xa5: {  	s4 =	sld [smem:$0x0]  }
0xa6: {  	s5 =	sand.u32 $0xFFFFFFFE, s1  }
0xa7: {  	p0 =	sne.s32 s1, s5  }
0xa8: {  	s5 =	sshll.u32 @p0 s5, $0xE  }
0xa9: {  	s5 =	sadd.s32 @p0 $0x11B8D, s5;
	s6 =	sshll.u32 @p0 s4, $0x11  }
0xaa: {  	s5 =	sor.u32 @p0 s6, s5  }
0xab: {  	[sflag:s5] =	ssyncadd.remote.s32 @p0 $0x1;
	_ =	sdelay $0x1  }
0xac: {  	s5 =	simm.s32 @p0 $0x1B8D  }
0xad: {  	_ =	swait.eq @p0 [sflag:s5], $0x1  }
0xae: {  	[sflag:s5] =	ssyncadd.s32 @p0 $0xFFFFFFFF  }
0xaf: {  	s6 =	sshll.u32 @!p0 s1, $0xE  }
0xb0: {  	s6 =	sor.u32 @!p0 $0x4000, s6;
	s5 =	simm.s32 @!p0 $0x1B8D  }
0xb1: {  	s4 =	sshll.u32 @!p0 s4, $0x11;
	s6 =	sadd.s32 @!p0 $0x11B8D, s6;
	_ =	swait.eq @!p0 [sflag:s5], $0x1  }
0xb2: {  	s4 =	sor.u32 @!p0 s4, s6;
	[sflag:s5] =	ssyncadd.s32 @!p0 $0xFFFFFFFF  }
0xb3: {  	s25 =	simm.s32 $0x1B8E;
	s24 =	sld [smem:$0x3FFE];
	[sflag:s4] =	ssyncadd.remote.s32 @!p0 $0x1  }
0xb4: {  	s26 =	simm.s32 $execute0_lowered;
	[smem:$0x3FD2] =	sst s25  }
0xb5: {  	s5 =	sshll.u32 s26, $0x1;
	_ =	strace $0x80000049;
	[dreg:$0x1] =	wrdreg $0xFFFFFFFF  }
0xb6: {  	s28 =	simm.s32 $_size_execute0_lowered;
	s3 =	sadd.s32 s3, s5;
	[dreg:$0x0] =	wrdreg $0x0  }
0xb7: {  	s5 =	sshll.u32 s28, $0x1;
	[dreg:$0x2] =	wrdreg s3  }
0xb8: {  	[dreg:$0x3] =	wrdreg s5  }
0xb9: {  	[dreg:$0x4] =	wrdreg $0xC0  }
0xba: {  	_ =	task [dreg:s22], $0x5FFFF  }
0xbb: {  	[dreg:$0x1] =	wrdreg $0xFFFFFFFF  }
0xbc: {  	[dreg:$0x0] =	wrdreg $0x60  }
0xbd: {  	[dreg:$0x2] =	wrdreg s24  }
0xbe: {  	[dreg:$0x3] =	wrdreg $0x9  }
0xbf: {  	_ =	task.clear_ibuf [dreg:s22], $0x4FFFF;
	_ =	strace $0x90000049  }
0xc0: {  	s29 =	simm.s32 $0x9;
	_ =	strace $0x8000004B  }
0xc1: {  	_ =	swait.ge [sflag:s29], $0x1  }
0xc2: {  	[sflag:s29] =	ssyncadd.s32 $0xFFFFFFFF  }
0xc3: {  	_ =	strace $0x9000004B  }
0xc4: {  	_ =	sfence  }
0xc5: {  	s30 =	sld [smem:$0x0];
	_ =	sdelay $0x2  }
0xc6: {  	s31 =	sshll.u32 s1, $0xD;
	s1 =	sshrl.u32 s1, $0x2  }
0xc7: {  	s4 =	sand.u32 $0x4000, s31;
	s1 =	sadd.s32 s1, s30  }
0xc8: {  	s0 =	sor.u32 s4, s0;
	s1 =	sshll.u32 s1, $0x11  }
0xc9: {  	s0 =	sor.u32 s1, s0  }
0xca: {  	s0 =	sadd.s32 $0x8F2B, s0  }
0xcb: {  	[sflag:s0] =	ssyncadd.remote.s32 $0x1  }
0xcc: {  	_ =	sfence.sel $0xFFFF  }
0xcd: {  	[dreg:$0x0] =	wrdreg $0xFFFFFFFF;
	(pc) =	sbr.abs _section_cstart, $3  }
0xce: {  	[dreg:$0x1] =	wrdreg $0xFFFFFFFF  }
0xcf: {  	_ =	task.clear_ibuf [dreg:s22], $0x2FFFF;
	_ =	strace $0x9FFFFFFF  }
0xd0: {  	(tm) =	ssettm $0x7FFFFFFF  }
0xd1: {  	_ =	shalt  }
tec
execute0_lowered:
.L_overlay_start_1:
0x0: {  	(tag) =	ssettag $0x1  }
0x1: {  	s1 =	srdreg.scid  }
0x2: {  	s0 =	stileid.u32;
	s4 =	rddreg [dreg:$0x0];
	s2 =	simm.s32 $0x0  }
0x3: {  	s9 =	simm.s32 $0x1;
	s1 =	sand.u32 $0x1, s1;
	s3 =	sshll.u32 s0, $0x1  }
0x4: {  	s11 =	simm.s32 $0x2;
	s6 =	sor.u32 s1, s3;
	s1 =	ssub.s32 $0x2, s1  }
0x5: {  	[smem:$0x7FF] =	sst s2;
	s5 =	smul.u32 $0x280, s6;
	s7 =	sshrl.u32 s1, $0x1  }
0x6: {  	s12 =	simm.s32 $0x5400;
	_ =	strace $0x8000004A;
	s1 =	ssub.s32 s1, s7  }
0x7: {  	s3 =	sadd.s32 $0xD000, s4;
	s5 =	sadd.s32 s5, s4;
	s31 =	smax.u32 s1, $0x1  }
0x8: {  	s6 =	smul.u32 $0xA0000, s6;
	s30 =	sadd.s32 $0x1000, s5;
	[dreg:$0x3] =	wrdreg s31  }
0x9: {  	s4 =	sadd.s32 $0x11CF400, s4;
	s5 =	simm.s32 $0x0;
	[dreg:$0x2] =	wrdreg s30  }
.LBB2_1:
0xa: {  	[dreg:$0x4] =	wrdreg s5  }
0xb: {  	s0 =	rddreg [dreg:$0x2];
	s31 =	simm.s32 $0x5  }
0xc: {  	[tilespmem:s2], [sflag:$0x5] =	stream.linear.gather [hbm4b:s0+s2], $0x1400, $0x38;
	[tilespmem:$0x9400] =	vst v63  }
0xd: {  	_ =	swait.ge [sflag:s31], $0x1400  }
0xe: {  	s16 =	simm.s32 $0x80;
	[sflag:s31] =	ssyncset.done $0x0  }
0xf: {  	s17 =	simm.s32 $0x0;
	s18 =	simm.s32 $0x0;
	[sflag:s31] =	ssyncadd.s32 $0xFFFFEC00  }
.LBB2_2:
0x10: {  	p0 =	seq.s32 s18, $0x0  }
0x11: {  	s1 =	simm.s32 @!p0 $0x3  }
0x12: {  	_ =	swait.ge @!p0 [sflag:s1], $0x4000  }
0x13: {  	[sflag:s1] =	ssyncset.done @!p0 $0x0  }
0x14: {  	[sflag:s1] =	ssyncadd.s32 @!p0 $0xFFFFC000  }
0x15: {  	v0 =	vld [tilespmem:s17+$0x0];
	_ =	sdelay $0x4  }
0x16: {  	v0 =	vshll.u32 v0, $0x4  }
0x17: {  	(v2sf) =	vpush v0, $0x0  }
0x18: {  	(v2sf) =	vpush v0, $0x1  }
0x19: {  	(v2sf) =	vpush v0, $0x2;
	_ =	sdelay $0x1  }
0x1a: {  	(v2sf) =	vpush v0, $0x4;
	_ =	sdelay $0x1  }
0x1b: {  	(v2sf) =	vpush v0, $0x3  }
0x1c: {  	s19 =	sshll.u32 s18, $0x1;
	(v2sf) =	vpush v0, $0x5  }
0x1d: {  	s21 =	simm.s32 $0x2000;
	s20 =	simm.s32 $0x0;
	s22 =	smov.u32 s17;
	(v2sf) =	vpush v0, $0x6  }
.LBB2_3:
0x1e: {  	p1 =	sne.s32 s21, $0xE000  }
0x1f: {  	s0 =	sadd.s32 $0x1480, s20;
	s26 =	sadd.s32 $0x1980, s20;
	s23 =	smov.u32 s21  }
0x20: {  	s21 =	sadd.s32 $0x2000, s21;
	s30 =	sadd.s32 $0x1780, s20;
	s24 =	sadd.s32 $0x1A00, s20;
	(v2sf) =	vpush v0, $0x7  }
0x21: {  	s1 =	sadd.s32 $0x1680, s20;
	s29 =	sadd.s32 $0x1800, s20;
	s25 =	sadd.s32 $0x1A80, s20  }
0x22: {  	s5 =	sadd.s32 $0x1400, s20;
	s7 =	sadd.s32 $0x1600, s20;
	(v2sf) =	vpush v0, $0x8  }
0x23: {  	s8 =	sadd.s32 $0x1700, s20;
	s22 =	sadd.s32 $0x10, s22  }
0x24: {  	s13 =	sadd.s32 $0x1500, s20;
	s28 =	sadd.s32 $0x1900, s20;
	s31 =	spop (v2sf);
	(v2sf) =	vpush v0, $0x9  }
0x25: {  	s14 =	sand.u32 $0x1FFFFFF0, s31;
	s31 =	sadd.s32 $0x1880, s20;
	s15 =	spop (v2sf)  }
0x26: {  	s14 =	sadd.s32 s3, s14;
	s15 =	sand.u32 $0x1FFFFFF0, s15;
	s10 =	spop (v2sf);
	(v2sf) =	vpush v0, $0xA  }
0x27: {  	[tilespmem:s5], [sflag:$0x1] =	stream.linear.gather [hbm4b:s14+s2], $0x80, $0x38;
	[tilespmem:$0x9400] =	vst v63  }
0x28: {  	s5 =	sadd.s32 s3, s15;
	s14 =	sadd.s32 $0x1580, s20;
	s15 =	spop (v2sf);
	(v2sf) =	vpush v0, $0xB  }
0x29: {  	[tilespmem:s0], [sflag:$0x1] =	stream.linear.gather [hbm4b:s5+s2], $0x80, $0x38;
	[tilespmem:$0x9400] =	vst v63  }
0x2a: {  	s0 =	sand.u32 $0x1FFFFFF0, s10;
	s5 =	sand.u32 $0x1FFFFFF0, s15;
	s10 =	spop (v2sf);
	(v2sf) =	vpush v0, $0xC  }
0x2b: {  	s0 =	sadd.s32 s3, s0;
	s10 =	sand.u32 $0x1FFFFFF0, s10;
	s15 =	spop (v2sf)  }
0x2c: {  	[tilespmem:s13], [sflag:$0x1] =	stream.linear.gather [hbm4b:s0+s2], $0x80, $0x38;
	(v2sf) =	vpush v0, $0xD;
	[tilespmem:$0x9400] =	vst v63  }
0x2d: {  	s0 =	sadd.s32 s3, s10;
	s10 =	sand.u32 $0x1FFFFFF0, s15;
	s13 =	spop (v2sf)  }
0x2e: {  	[tilespmem:s14], [sflag:$0x1] =	stream.linear.gather [hbm4b:s0+s2], $0x80, $0x38;
	(v2sf) =	vpush v0, $0xE;
	[tilespmem:$0x9400] =	vst v63  }
0x2f: {  	s0 =	sadd.s32 s3, s5;
	s5 =	sand.u32 $0x1FFFFFF0, s13;
	s13 =	spop (v2sf)  }
0x30: {  	[tilespmem:s7], [sflag:$0x1] =	stream.linear.gather [hbm4b:s0+s2], $0x80, $0x38;
	(v2sf) =	vpush v0, $0xF;
	[tilespmem:$0x9400] =	vst v63  }
0x31: {  	s0 =	sadd.s32 s3, s10;
	s7 =	sand.u32 $0x1FFFFFF0, s13;
	s10 =	spop (v2sf)  }
0x32: {  	[tilespmem:s1], [sflag:$0x1] =	stream.linear.gather [hbm4b:s0+s2], $0x80, $0x38;
	[tilespmem:$0x9400] =	vst v63  }
0x33: {  	s0 =	sadd.s32 s3, s5;
	s1 =	sand.u32 $0x1FFFFFF0, s10;
	s5 =	spop (v2sf)  }
0x34: {  	[tilespmem:s8], [sflag:$0x1] =	stream.linear.gather [hbm4b:s0+s2], $0x80, $0x38;
	[tilespmem:$0x9400] =	vst v63  }
0x35: {  	s0 =	sadd.s32 s3, s7;
	s5 =	sand.u32 $0x1FFFFFF0, s5;
	s7 =	spop (v2sf)  }
0x36: {  	[tilespmem:s30], [sflag:$0x1] =	stream.linear.gather [hbm4b:s0+s2], $0x80, $0x38;
	[tilespmem:$0x9400] =	vst v63  }
0x37: {  	s0 =	sadd.s32 s3, s1;
	s1 =	sand.u32 $0x1FFFFFF0, s7;
	s7 =	spop (v2sf)  }
0x38: {  	[tilespmem:s29], [sflag:$0x1] =	stream.linear.gather [hbm4b:s0+s2], $0x80, $0x38;
	[tilespmem:$0x9400] =	vst v63  }
0x39: {  	s0 =	sadd.s32 s3, s5;
	s5 =	sand.u32 $0x1FFFFFF0, s7;
	s7 =	spop (v2sf)  }
0x3a: {  	[tilespmem:s31], [sflag:$0x1] =	stream.linear.gather [hbm4b:s0+s2], $0x80, $0x38;
	[tilespmem:$0x9400] =	vst v63  }
0x3b: {  	s0 =	sadd.s32 s3, s1;
	s1 =	sand.u32 $0x1FFFFFF0, s7;
	s7 =	spop (v2sf)  }
0x3c: {  	[tilespmem:s28], [sflag:$0x1] =	stream.linear.gather [hbm4b:s0+s2], $0x80, $0x38;
	[tilespmem:$0x9400] =	vst v63  }
0x3d: {  	s0 =	sadd.s32 s3, s5;
	s5 =	sand.u32 $0x1FFFFFF0, s7;
	s7 =	spop (v2sf)  }
0x3e: {  	[tilespmem:s26], [sflag:$0x1] =	stream.linear.gather [hbm4b:s0+s2], $0x80, $0x38;
	[tilespmem:$0x9400] =	vst v63  }
0x3f: {  	s0 =	sadd.s32 s3, s1;
	s1 =	sand.u32 $0x1FFFFFF0, s7;
	s7 =	spop (v2sf)  }
0x40: {  	[tilespmem:s24], [sflag:$0x1] =	stream.linear.gather [hbm4b:s0+s2], $0x80, $0x38;
	[tilespmem:$0x9400] =	vst v63  }
0x41: {  	s0 =	sadd.s32 s3, s5;
	s5 =	sand.u32 $0x1FFFFFF0, s7  }
0x42: {  	[tilespmem:s25], [sflag:$0x1] =	stream.linear.gather [hbm4b:s0+s2], $0x80, $0x38;
	[tilespmem:$0x9400] =	vst v63  }
0x43: {  	s1 =	sadd.s32 s3, s1;
	s0 =	sadd.s32 $0x1B00, s20  }
0x44: {  	[tilespmem:s0], [sflag:$0x1] =	stream.linear.gather [hbm4b:s1+s2], $0x80, $0x38;
	[tilespmem:$0x9400] =	vst v63  }
0x45: {  	s0 =	sadd.s32 $0x1B80, s20;
	s1 =	sadd.s32 s3, s5  }
0x46: {  	[tilespmem:s0], [sflag:$0x1] =	stream.linear.gather [hbm4b:s1+s2], $0x80, $0x38;
	[tilespmem:$0x9400] =	vst v63  }
0x47: {  	v0 =	vld [tilespmem:s22+$0x0];
	_ =	sdelay $0x4  }
0x48: {  	v0 =	vshll.u32 v0, $0x4  }
0x49: {  	(v2sf) =	vpush v0, $0x0  }
0x4a: {  	(v2sf) =	vpush v0, $0x1  }
0x4b: {  	(v2sf) =	vpush v0, $0x2;
	_ =	sdelay $0x1  }
0x4c: {  	(v2sf) =	vpush v0, $0x4  }
.Ltmp0:
0x4d: {  	(pc) =	sbr.rel @p1 .LBB2_3-.Ltmp0, $3  }
0x4e: {  	(v2sf) =	vpush v0, $0x3  }
0x4f: {  	(v2sf) =	vpush v0, $0x5;
	_ =	sdelay $0x1  }
0x50: {  	s20 =	sshra.s32 s23, $0x2;
	(v2sf) =	vpush v0, $0x6  }
0x51: {  	_ =	sdelay $0x1  }
0x52: {  	s0 =	sadd.s32 $0x1480, s20;
	s23 =	sadd.s32 $0x1980, s20  }
0x53: {  	s1 =	sadd.s32 $0x1780, s20;
	s21 =	sadd.s32 $0x1A00, s20;
	(v2sf) =	vpush v0, $0x7;
	s5 =	sadd.s32 $0x1680, s20  }
0x54: {  	s7 =	sadd.s32 $0x1800, s20;
	s22 =	sadd.s32 $0x1A80, s20;
	s8 =	sadd.s32 $0x1400, s20  }
0x55: {  	s10 =	sadd.s32 $0x1600, s20;
	s13 =	sadd.s32 $0x1700, s20;
	(v2sf) =	vpush v0, $0x8;
	s14 =	spop (v2sf)  }
0x56: {  	s15 =	sadd.s32 $0x1500, s20;
	s14 =	sand.u32 $0x1FFFFFF0, s14;
	s24 =	spop (v2sf)  }
0x57: {  	(v2sf) =	vpush v0, $0x9;
	s14 =	sadd.s32 s3, s14;
	s24 =	sand.u32 $0x1FFFFFF0, s24;
	s25 =	spop (v2sf)  }
0x58: {  	[tilespmem:s8], [sflag:$0x1] =	stream.linear.gather [hbm4b:s14+s2], $0x80, $0x38;
	[tilespmem:$0x9400] =	vst v63  }
0x59: {  	(v2sf) =	vpush v0, $0xA;
	s26 =	sadd.s32 s3, s24;
	s29 =	sand.u32 $0x1FFFFFF0, s25;
	s28 =	spop (v2sf)  }
0x5a: {  	[tilespmem:s0], [sflag:$0x1] =	stream.linear.gather [hbm4b:s26+s2], $0x80, $0x38;
	[tilespmem:$0x9400] =	vst v63  }
0x5b: {  	s8 =	sadd.s32 $0x1900, s20;
	(v2sf) =	vpush v0, $0xB;
	s14 =	sadd.s32 s3, s29;
	s30 =	spop (v2sf)  }
0x5c: {  	s0 =	sadd.s32 $0x1880, s20;
	s26 =	sadd.s32 $0x1580, s20;
	s25 =	sand.u32 $0x1FFFFFF0, s30  }
0x5d: {  	(v2sf) =	vpush v0, $0xC;
	[tilespmem:s15], [sflag:$0x1] =	stream.linear.gather [hbm4b:s14+s2], $0x80, $0x38;
	[tilespmem:$0x9400] =	vst v63  }
0x5e: {  	s31 =	sand.u32 $0x1FFFFFF0, s28;
	s28 =	spop (v2sf);
	s29 =	sadd.s32 s3, s25  }
0x5f: {  	(v2sf) =	vpush v0, $0xD;
	[tilespmem:s26], [sflag:$0x1] =	stream.linear.gather [hbm4b:s29+s2], $0x80, $0x38;
	[tilespmem:$0x9400] =	vst v63  }
0x60: {  	s14 =	sadd.s32 s3, s31;
	s15 =	sand.u32 $0x1FFFFFF0, s28;
	s30 =	spop (v2sf)  }
0x61: {  	(v2sf) =	vpush v0, $0xE;
	[tilespmem:s10], [sflag:$0x1] =	stream.linear.gather [hbm4b:s14+s2], $0x80, $0x38;
	[tilespmem:$0x9400] =	vst v63  }
0x62: {  	s15 =	sadd.s32 s3, s15;
	s31 =	sand.u32 $0x1FFFFFF0, s30;
	s24 =	spop (v2sf)  }
0x63: {  	(v2sf) =	vpush v0, $0xF;
	[tilespmem:s5], [sflag:$0x1] =	stream.linear.gather [hbm4b:s15+s2], $0x80, $0x38;
	[tilespmem:$0x9400] =	vst v63  }
0x64: {  	s25 =	sand.u32 $0x1FFFFFF0, s24;
	s26 =	spop (v2sf);
	s10 =	sadd.s32 s3, s31  }
0x65: {  	[tilespmem:s13], [sflag:$0x1] =	stream.linear.gather [hbm4b:s10+s2], $0x80, $0x38;
	[tilespmem:$0x9400] =	vst v63  }
0x66: {  	s28 =	sand.u32 $0x1FFFFFF0, s26;
	s5 =	sadd.s32 s3, s25;
	s29 =	spop (v2sf)  }
0x67: {  	[tilespmem:s1], [sflag:$0x1] =	stream.linear.gather [hbm4b:s5+s2], $0x80, $0x38;
	[tilespmem:$0x9400] =	vst v63  }
0x68: {  	s10 =	sadd.s32 s3, s28;
	s30 =	sand.u32 $0x1FFFFFF0, s29;
	s31 =	spop (v2sf)  }
0x69: {  	[tilespmem:s7], [sflag:$0x1] =	stream.linear.gather [hbm4b:s10+s2], $0x80, $0x38;
	[tilespmem:$0x9400] =	vst v63  }
0x6a: {  	s5 =	sand.u32 $0x1FFFFFF0, s31;
	s1 =	sadd.s32 s3, s30;
	s10 =	spop (v2sf)  }
0x6b: {  	[tilespmem:s0], [sflag:$0x1] =	stream.linear.gather [hbm4b:s1+s2], $0x80, $0x38;
	[tilespmem:$0x9400] =	vst v63  }
0x6c: {  	s5 =	sadd.s32 s3, s5;
	s13 =	sand.u32 $0x1FFFFFF0, s10;
	s14 =	spop (v2sf)  }
0x6d: {  	[tilespmem:s8], [sflag:$0x1] =	stream.linear.gather [hbm4b:s5+s2], $0x80, $0x38;
	[tilespmem:$0x9400] =	vst v63  }
0x6e: {  	s0 =	sadd.s32 s3, s13;
	s1 =	sand.u32 $0x1FFFFFF0, s14;
	s15 =	spop (v2sf)  }
0x6f: {  	[tilespmem:s23], [sflag:$0x1] =	stream.linear.gather [hbm4b:s0+s2], $0x80, $0x38;
	[tilespmem:$0x9400] =	vst v63  }
0x70: {  	s24 =	sand.u32 $0x1FFFFFF0, s15;
	s1 =	sadd.s32 s3, s1;
	s25 =	spop (v2sf)  }
0x71: {  	[tilespmem:s21], [sflag:$0x1] =	stream.linear.gather [hbm4b:s1+s2], $0x80, $0x38;
	[tilespmem:$0x9400] =	vst v63  }
0x72: {  	s26 =	sand.u32 $0x1FFFFFF0, s25;
	s28 =	spop (v2sf);
	s0 =	sadd.s32 s3, s24  }
0x73: {  	[tilespmem:s22], [sflag:$0x1] =	stream.linear.gather [hbm4b:s0+s2], $0x80, $0x38;
	[tilespmem:$0x9400] =	vst v63  }
0x74: {  	s30 =	sadd.s32 $0x1B00, s20;
	s29 =	sand.u32 $0x1FFFFFF0, s28;
	s1 =	sadd.s32 s3, s26  }
0x75: {  	[tilespmem:s30], [sflag:$0x1] =	stream.linear.gather [hbm4b:s1+s2], $0x80, $0x38;
	[tilespmem:$0x9400] =	vst v63  }
0x76: {  	s31 =	sadd.s32 $0x1B80, s20;
	s0 =	sadd.s32 s3, s29  }
0x77: {  	[tilespmem:s31], [sflag:$0x1] =	stream.linear.gather [hbm4b:s0+s2], $0x80, $0x38;
	[tilespmem:$0x9400] =	vst v63  }
0x78: {  	s0 =	simm.s32 @!p0 $0x4  }
0x79: {  	_ =	swait.ge @!p0 [sflag:s0], $0x4000  }
0x7a: {  	[sflag:s0] =	ssyncset.done @!p0 $0x0  }
0x7b: {  	[sflag:s0] =	ssyncadd.s32 @!p0 $0xFFFFC000  }
0x7c: {  	v0 =	vld [tilespmem:s16+$0x0];
	_ =	sdelay $0x4  }
0x7d: {  	v0 =	vshll.u32 v0, $0x4  }
0x7e: {  	(v2sf) =	vpush v0, $0x0  }
0x7f: {  	(v2sf) =	vpush v0, $0x1  }
0x80: {  	(v2sf) =	vpush v0, $0x2;
	_ =	sdelay $0x1  }
0x81: {  	(v2sf) =	vpush v0, $0x4;
	_ =	sdelay $0x1  }
0x82: {  	(v2sf) =	vpush v0, $0x3  }
0x83: {  	s19 =	sor.u32 $0x1, s19;
	(v2sf) =	vpush v0, $0x5  }
0x84: {  	s20 =	simm.s32 $0x0;
	s21 =	simm.s32 $0x2000;
	s22 =	smov.u32 s16;
	(v2sf) =	vpush v0, $0x6  }
.LBB2_5:
0x85: {  	p0 =	sne.s32 s21, $0xE000  }
0x86: {  	s0 =	sadd.s32 $0x5480, s20;
	s26 =	sadd.s32 $0x5980, s20;
	s23 =	smov.u32 s21  }
0x87: {  	s21 =	sadd.s32 $0x2000, s21;
	s30 =	sadd.s32 $0x5780, s20;
	s24 =	sadd.s32 $0x5A00, s20;
	(v2sf) =	vpush v0, $0x7  }
0x88: {  	s1 =	sadd.s32 $0x5680, s20;
	s29 =	sadd.s32 $0x5800, s20;
	s25 =	sadd.s32 $0x5A80, s20  }
0x89: {  	s5 =	sadd.s32 $0x5400, s20;
	s7 =	sadd.s32 $0x5600, s20;
	(v2sf) =	vpush v0, $0x8  }
0x8a: {  	s8 =	sadd.s32 $0x5700, s20;
	s22 =	sadd.s32 $0x10, s22  }
0x8b: {  	s10 =	sadd.s32 $0x5500, s20;
	s28 =	sadd.s32 $0x5900, s20;
	s13 =	spop (v2sf);
	(v2sf) =	vpush v0, $0x9  }
0x8c: {  	s31 =	sadd.s32 $0x5880, s20;
	s13 =	sand.u32 $0x1FFFFFF0, s13;
	s14 =	spop (v2sf)  }
0x8d: {  	s13 =	sadd.s32 s3, s13;
	s14 =	sand.u32 $0x1FFFFFF0, s14;
	s15 =	spop (v2sf);
	(v2sf) =	vpush v0, $0xA  }
0x8e: {  	[tilespmem:s5], [sflag:$0x2] =	stream.linear.gather [hbm4b:s13+s2], $0x80, $0x38;
	[tilespmem:$0x9400] =	vst v63  }
0x8f: {  	s5 =	sadd.s32 s3, s14;
	s13 =	sadd.s32 $0x5580, s20;
	s14 =	spop (v2sf);
	(v2sf) =	vpush v0, $0xB  }
0x90: {  	[tilespmem:s0], [sflag:$0x2] =	stream.linear.gather [hbm4b:s5+s2], $0x80, $0x38;
	[tilespmem:$0x9400] =	vst v63  }
0x91: {  	s0 =	sand.u32 $0x1FFFFFF0, s15;
	s5 =	sand.u32 $0x1FFFFFF0, s14;
	s14 =	spop (v2sf);
	(v2sf) =	vpush v0, $0xC  }
0x92: {  	s0 =	sadd.s32 s3, s0;
	s14 =	sand.u32 $0x1FFFFFF0, s14;
	s15 =	spop (v2sf)  }
0x93: {  	[tilespmem:s10], [sflag:$0x2] =	stream.linear.gather [hbm4b:s0+s2], $0x80, $0x38;
	(v2sf) =	vpush v0, $0xD;
	[tilespmem:$0x9400] =	vst v63  }
0x94: {  	s0 =	sadd.s32 s3, s14;
	s10 =	sand.u32 $0x1FFFFFF0, s15;
	s14 =	spop (v2sf)  }
0x95: {  	[tilespmem:s13], [sflag:$0x2] =	stream.linear.gather [hbm4b:s0+s2], $0x80, $0x38;
	(v2sf) =	vpush v0, $0xE;
	[tilespmem:$0x9400] =	vst v63  }
0x96: {  	s0 =	sadd.s32 s3, s5;
	s5 =	sand.u32 $0x1FFFFFF0, s14;
	s13 =	spop (v2sf)  }
0x97: {  	[tilespmem:s7], [sflag:$0x2] =	stream.linear.gather [hbm4b:s0+s2], $0x80, $0x38;
	(v2sf) =	vpush v0, $0xF;
	[tilespmem:$0x9400] =	vst v63  }
0x98: {  	s0 =	sadd.s32 s3, s10;
	s7 =	sand.u32 $0x1FFFFFF0, s13;
	s10 =	spop (v2sf)  }
0x99: {  	[tilespmem:s1], [sflag:$0x2] =	stream.linear.gather [hbm4b:s0+s2], $0x80, $0x38;
	[tilespmem:$0x9400] =	vst v63  }
0x9a: {  	s0 =	sadd.s32 s3, s5;
	s1 =	sand.u32 $0x1FFFFFF0, s10;
	s5 =	spop (v2sf)  }
0x9b: {  	[tilespmem:s8], [sflag:$0x2] =	stream.linear.gather [hbm4b:s0+s2], $0x80, $0x38;
	[tilespmem:$0x9400] =	vst v63  }
0x9c: {  	s0 =	sadd.s32 s3, s7;
	s5 =	sand.u32 $0x1FFFFFF0, s5;
	s7 =	spop (v2sf)  }
0x9d: {  	[tilespmem:s30], [sflag:$0x2] =	stream.linear.gather [hbm4b:s0+s2], $0x80, $0x38;
	[tilespmem:$0x9400] =	vst v63  }
0x9e: {  	s0 =	sadd.s32 s3, s1;
	s1 =	sand.u32 $0x1FFFFFF0, s7;
	s7 =	spop (v2sf)  }
0x9f: {  	[tilespmem:s29], [sflag:$0x2] =	stream.linear.gather [hbm4b:s0+s2], $0x80, $0x38;
	[tilespmem:$0x9400] =	vst v63  }
0xa0: {  	s0 =	sadd.s32 s3, s5;
	s5 =	sand.u32 $0x1FFFFFF0, s7;
	s7 =	spop (v2sf)  }
0xa1: {  	[tilespmem:s31], [sflag:$0x2] =	stream.linear.gather [hbm4b:s0+s2], $0x80, $0x38;
	[tilespmem:$0x9400] =	vst v63  }
0xa2: {  	s0 =	sadd.s32 s3, s1;
	s1 =	sand.u32 $0x1FFFFFF0, s7;
	s7 =	spop (v2sf)  }
0xa3: {  	[tilespmem:s28], [sflag:$0x2] =	stream.linear.gather [hbm4b:s0+s2], $0x80, $0x38;
	[tilespmem:$0x9400] =	vst v63  }
0xa4: {  	s0 =	sadd.s32 s3, s5;
	s5 =	sand.u32 $0x1FFFFFF0, s7;
	s7 =	spop (v2sf)  }
0xa5: {  	[tilespmem:s26], [sflag:$0x2] =	stream.linear.gather [hbm4b:s0+s2], $0x80, $0x38;
	[tilespmem:$0x9400] =	vst v63  }
0xa6: {  	s0 =	sadd.s32 s3, s1;
	s1 =	sand.u32 $0x1FFFFFF0, s7;
	s7 =	spop (v2sf)  }
0xa7: {  	[tilespmem:s24], [sflag:$0x2] =	stream.linear.gather [hbm4b:s0+s2], $0x80, $0x38;
	[tilespmem:$0x9400] =	vst v63  }
0xa8: {  	s0 =	sadd.s32 s3, s5;
	s5 =	sand.u32 $0x1FFFFFF0, s7  }
0xa9: {  	[tilespmem:s25], [sflag:$0x2] =	stream.linear.gather [hbm4b:s0+s2], $0x80, $0x38;
	[tilespmem:$0x9400] =	vst v63  }
0xaa: {  	s1 =	sadd.s32 s3, s1;
	s0 =	sadd.s32 $0x5B00, s20  }
0xab: {  	[tilespmem:s0], [sflag:$0x2] =	stream.linear.gather [hbm4b:s1+s2], $0x80, $0x38;
	[tilespmem:$0x9400] =	vst v63  }
0xac: {  	s0 =	sadd.s32 $0x5B80, s20;
	s1 =	sadd.s32 s3, s5  }
0xad: {  	[tilespmem:s0], [sflag:$0x2] =	stream.linear.gather [hbm4b:s1+s2], $0x80, $0x38;
	[tilespmem:$0x9400] =	vst v63  }
0xae: {  	v0 =	vld [tilespmem:s22+$0x0];
	_ =	sdelay $0x4  }
0xaf: {  	v0 =	vshll.u32 v0, $0x4  }
0xb0: {  	(v2sf) =	vpush v0, $0x0  }
0xb1: {  	(v2sf) =	vpush v0, $0x1  }
0xb2: {  	(v2sf) =	vpush v0, $0x2;
	_ =	sdelay $0x1  }
0xb3: {  	(v2sf) =	vpush v0, $0x4  }
.Ltmp1:
0xb4: {  	(pc) =	sbr.rel @p0 .LBB2_5-.Ltmp1, $3  }
0xb5: {  	(v2sf) =	vpush v0, $0x3  }
0xb6: {  	(v2sf) =	vpush v0, $0x5;
	_ =	sdelay $0x1  }
0xb7: {  	s20 =	sshra.s32 s23, $0x2;
	(v2sf) =	vpush v0, $0x6  }
0xb8: {  	_ =	sdelay $0x5  }
0xb9: {  	s0 =	spop (v2sf)  }
0xba: {  	s1 =	spop (v2sf)  }
0xbb: {  	s7 =	spop (v2sf)  }
0xbc: {  	s13 =	spop (v2sf);
	(v2sf) =	vpush v0, $0x7  }
0xbd: {  	s0 =	sand.u32 $0x1FFFFFF0, s0  }
0xbe: {  	s5 =	sadd.s32 $0x5400, s20;
	s0 =	sadd.s32 s3, s0  }
0xbf: {  	[tilespmem:s5], [sflag:$0x2] =	stream.linear.gather [hbm4b:s0+s2], $0x80, $0x38;
	[tilespmem:$0x9400] =	vst v63  }
0xc0: {  	s1 =	sand.u32 $0x1FFFFFF0, s1;
	s14 =	spop (v2sf);
	(v2sf) =	vpush v0, $0x8  }
0xc1: {  	s5 =	sadd.s32 $0x5480, s20;
	s1 =	sadd.s32 s3, s1  }
0xc2: {  	[tilespmem:s5], [sflag:$0x2] =	stream.linear.gather [hbm4b:s1+s2], $0x80, $0x38;
	[tilespmem:$0x9400] =	vst v63  }
0xc3: {  	s8 =	sand.u32 $0x1FFFFFF0, s7;
	s23 =	spop (v2sf);
	(v2sf) =	vpush v0, $0x9  }
0xc4: {  	s10 =	sadd.s32 $0x5500, s20;
	s0 =	sadd.s32 s3, s8  }
0xc5: {  	[tilespmem:s10], [sflag:$0x2] =	stream.linear.gather [hbm4b:s0+s2], $0x80, $0x38;
	[tilespmem:$0x9400] =	vst v63  }
0xc6: {  	s0 =	sand.u32 $0x1FFFFFF0, s14;
	s25 =	spop (v2sf);
	(v2sf) =	vpush v0, $0xA  }
0xc7: {  	s15 =	sadd.s32 $0x5580, s20;
	s21 =	sand.u32 $0x1FFFFFF0, s13;
	s0 =	sadd.s32 s3, s0  }
0xc8: {  	[tilespmem:s15], [sflag:$0x2] =	stream.linear.gather [hbm4b:s0+s2], $0x80, $0x38;
	[tilespmem:$0x9400] =	vst v63  }
0xc9: {  	s22 =	sadd.s32 $0x5600, s20;
	s0 =	sadd.s32 s3, s21  }
0xca: {  	[tilespmem:s22], [sflag:$0x2] =	stream.linear.gather [hbm4b:s0+s2], $0x80, $0x38;
	[tilespmem:$0x9400] =	vst v63  }
0xcb: {  	s0 =	sand.u32 $0x1FFFFFF0, s23;
	s28 =	spop (v2sf);
	(v2sf) =	vpush v0, $0xB  }
0xcc: {  	s24 =	sadd.s32 $0x5680, s20;
	s0 =	sadd.s32 s3, s0  }
0xcd: {  	[tilespmem:s24], [sflag:$0x2] =	stream.linear.gather [hbm4b:s0+s2], $0x80, $0x38;
	[tilespmem:$0x9400] =	vst v63  }
0xce: {  	s0 =	sand.u32 $0x1FFFFFF0, s25  }
0xcf: {  	s26 =	sadd.s32 $0x5700, s20;
	s0 =	sadd.s32 s3, s0;
	s30 =	spop (v2sf);
	(v2sf) =	vpush v0, $0xC  }
0xd0: {  	[tilespmem:s26], [sflag:$0x2] =	stream.linear.gather [hbm4b:s0+s2], $0x80, $0x38;
	[tilespmem:$0x9400] =	vst v63  }
0xd1: {  	s0 =	sand.u32 $0x1FFFFFF0, s28  }
0xd2: {  	s29 =	sadd.s32 $0x5780, s20;
	s0 =	sadd.s32 s3, s0;
	s5 =	spop (v2sf);
	(v2sf) =	vpush v0, $0xD  }
0xd3: {  	[tilespmem:s29], [sflag:$0x2] =	stream.linear.gather [hbm4b:s0+s2], $0x80, $0x38;
	[tilespmem:$0x9400] =	vst v63  }
0xd4: {  	s0 =	sand.u32 $0x1FFFFFF0, s30  }
0xd5: {  	s31 =	sadd.s32 $0x5800, s20;
	s0 =	sadd.s32 s3, s0;
	s8 =	spop (v2sf);
	(v2sf) =	vpush v0, $0xE  }
0xd6: {  	[tilespmem:s31], [sflag:$0x2] =	stream.linear.gather [hbm4b:s0+s2], $0x80, $0x38;
	[tilespmem:$0x9400] =	vst v63  }
0xd7: {  	s0 =	sand.u32 $0x1FFFFFF0, s5  }
0xd8: {  	s7 =	sadd.s32 $0x5880, s20;
	s0 =	sadd.s32 s3, s0  }
0xd9: {  	[tilespmem:s7], [sflag:$0x2] =	stream.linear.gather [hbm4b:s0+s2], $0x80, $0x38;
	[tilespmem:$0x9400] =	vst v63  }
0xda: {  	s0 =	sand.u32 $0x1FFFFFF0, s8;
	s13 =	spop (v2sf);
	(v2sf) =	vpush v0, $0xF  }
0xdb: {  	s10 =	sadd.s32 $0x5900, s20;
	s0 =	sadd.s32 s3, s0  }
0xdc: {  	[tilespmem:s10], [sflag:$0x2] =	stream.linear.gather [hbm4b:s0+s2], $0x80, $0x38;
	[tilespmem:$0x9400] =	vst v63  }
0xdd: {  	s0 =	sand.u32 $0x1FFFFFF0, s13  }
0xde: {  	s14 =	sadd.s32 $0x5980, s20;
	s0 =	sadd.s32 s3, s0;
	s15 =	spop (v2sf)  }
0xdf: {  	[tilespmem:s14], [sflag:$0x2] =	stream.linear.gather [hbm4b:s0+s2], $0x80, $0x38;
	[tilespmem:$0x9400] =	vst v63  }
0xe0: {  	s0 =	sand.u32 $0x1FFFFFF0, s15  }
0xe1: {  	s21 =	sadd.s32 $0x5A00, s20;
	s22 =	spop (v2sf);
	s0 =	sadd.s32 s3, s0  }
0xe2: {  	[tilespmem:s21], [sflag:$0x2] =	stream.linear.gather [hbm4b:s0+s2], $0x80, $0x38;
	[tilespmem:$0x9400] =	vst v63  }
0xe3: {  	s0 =	sand.u32 $0x1FFFFFF0, s22  }
0xe4: {  	s23 =	sadd.s32 $0x5A80, s20;
	s24 =	spop (v2sf);
	s0 =	sadd.s32 s3, s0  }
0xe5: {  	[tilespmem:s23], [sflag:$0x2] =	stream.linear.gather [hbm4b:s0+s2], $0x80, $0x38;
	[tilespmem:$0x9400] =	vst v63  }
0xe6: {  	s0 =	sand.u32 $0x1FFFFFF0, s24  }
0xe7: {  	s25 =	sadd.s32 $0x5B00, s20;
	s0 =	sadd.s32 s3, s0  }
0xe8: {  	[tilespmem:s25], [sflag:$0x2] =	stream.linear.gather [hbm4b:s0+s2], $0x80, $0x38;
	[tilespmem:$0x9400] =	vst v63  }
0xe9: {  	s26 =	spop (v2sf)  }
0xea: {  	s0 =	sand.u32 $0x1FFFFFF0, s26  }
0xeb: {  	s28 =	sadd.s32 $0x5B80, s20;
	s29 =	sshll.u32 s18, $0xF;
	s0 =	sadd.s32 s3, s0  }
0xec: {  	[tilespmem:s28], [sflag:$0x2] =	stream.linear.gather [hbm4b:s0+s2], $0x80, $0x38;
	[tilespmem:$0x9400] =	vst v63  }
0xed: {  	s30 =	simm.s32 $0x1400;
	s0 =	sadd.s32 s6, s29;
	_ =	swait.ge [sflag:s9], $0x4000  }
0xee: {  	s18 =	sadd.s32 $0x1, s18;
	s0 =	sshrl.u32 s0, $0x3;
	[sflag:s9] =	ssyncset.done $0x0  }
0xef: {  	p0 =	sne.s32 s18, $0x14;
	s0 =	sadd.s32 s4, s0;
	[sflag:s9] =	ssyncadd.s32 $0xFFFFC000  }
0xf0: {  	[hbm4b:s0+s2] =	stream.linear.scatter [tilespmem:s30], [sflag:$0x3], $0x4000, $0x38;
	[tilespmem:$0x9400] =	vst v63  }
.Ltmp2:
0xf1: {  	s31 =	sshll.u32 s19, $0xE;
	(pc) =	sbr.rel @p0 .LBB2_2-.Ltmp2, $4  }
0xf2: {  	s0 =	sadd.s32 s6, s31;
	_ =	swait.ge [sflag:s11], $0x4000  }
0xf3: {  	s17 =	sadd.s32 $0x100, s17;
	s0 =	sshrl.u32 s0, $0x3;
	[sflag:s11] =	ssyncset.done $0x0  }
0xf4: {  	s16 =	sadd.s32 $0x100, s16;
	s0 =	sadd.s32 s4, s0;
	[sflag:s11] =	ssyncadd.s32 $0xFFFFC000  }
0xf5: {  	[hbm4b:s0+s2] =	stream.linear.scatter [tilespmem:s12], [sflag:$0x4], $0x4000, $0x38;
	[tilespmem:$0x9400] =	vst v63  }
0xf6: {  	s0 =	simm.s32 $0x3  }
0xf7: {  	_ =	swait.ge [sflag:s0], $0x4000  }
0xf8: {  	[sflag:s0] =	ssyncset.done $0x0  }
0xf9: {  	s1 =	simm.s32 $0x4;
	[sflag:s0] =	ssyncadd.s32 $0xFFFFC000  }
0xfa: {  	_ =	swait.ge [sflag:s1], $0x4000  }
0xfb: {  	s5 =	rddreg [dreg:$0x4]  }
0xfc: {  	s31 =	rddreg [dreg:$0x3];
	s5 =	sadd.s32 $0x1, s5  }
0xfd: {  	p0 =	sne.s32 s5, s31  }
.Ltmp3:
0xfe: {  	_ = 	snop;
	(pc) =	sbr.rel @p0 .LBB2_1-.Ltmp3, $3  }
0xff: {  	_ =	sdelay $0x1  }
0x100: {  	[sflag:s1] =	ssyncset.done $0x0  }
0x101: {  	[sflag:s1] =	ssyncadd.s32 $0xFFFFC000  }
0x102: {  	_ =	sfence.sel $0x180000  }
0x103: {  	[bflag:$0x0] =	sbarrier.arrive $0xFFFF  }
0x104: {  	_ =	strace $0x9000004A  }
0x105: {  	s0 =	stileid.u32;
	[bflag:$0x2] =	sbarrier.arrive $0xFFFF  }
0x106: {  	p0 =	sne.s32 s0, $0x0;
	s0 =	rddreg [dreg:$0x1]  }
0x107: {  	s0 =	sadd.s32 @!p0 $0x100000, s0  }
0x108: {  	[sflag:s0] =	ssyncadd.tile.s32 @!p0 $0x1;
	_ =	shalt  }
.Lfunc_end2:
_tile_overlayer_lowered:
.L_overlay_start_2:
0x109: {  	(tag) =	ssettag $0x2  }
0x10a: {  	s0 =	rddreg [dreg:$0x0];
	s2 =	stileid.u32  }
0x10b: {  	s1 =	rddreg [dreg:$0x1];
	p0 =	sne.s32 s2, $0x0  }
0x10c: {  	s3 =	rddreg [dreg:$0x2];
	[bflag:$0x3] =	sbarrier.arrive $0xFFFF;
	s2 =	simm.s32 @!p0 $0x1C05  }
0x10d: {  	[timem:s3], [sflag:s2] =	dma.local @!p0 [hbm:s0], s1  }
0x10e: {  	s0 =	simm.s32 @!p0 $0x5  }
0x10f: {  	_ =	swait.ge @!p0 [sflag:s0], s1  }
0x110: {  	s1 =	ssub.s32 @!p0 $0x0, s1;
	[sflag:s0] =	ssyncset.done @!p0 $0x0  }
0x111: {  	[sflag:s0] =	ssyncadd.s32 @!p0 s1  }
0x112: {  	[bflag:$0x3] =	sbarrier.arrive $0xFFFF  }
0x113: {  	_ =	shalt  }

// kernel: kernel.9.cloned.1.call-start
scs
__scs_entry_jumppad:
0x0: {  	(pc) =	sbr.rel $0x88, $3  }
0x1: {  	(tag) =	ssettag $0x0;
	lr =	simm.s32 $0x1  }
0x2: {  	[smem:$0x3F9D] =	sst lr;
	_ =	strace $0xD0000000  }
0x3: {  	_ = 	snop  }
0x4: {  	_ = 	snop  }
0x5: {  	_ = 	snop  }
0x6: {  	_ = 	snop  }
0x7: {  	_ = 	snop  }
__scs_overlays_trampoline_lowered:
0x8: {  	[smem:$0x3FAC] =	sst s0  }
0x9: {  	[smem:$0x3FAD] =	sst s1  }
0xa: {  	[smem:$0x3FAE] =	sst s2  }
0xb: {  	[smem:$0x3FAF] =	sst s3  }
0xc: {  	[smem:$0x3FB0] =	sst s4  }
0xd: {  	[smem:$0x3FB1] =	sst s5  }
0xe: {  	[smem:$0x3FB2] =	sst s6  }
0xf: {  	[smem:$0x3FB3] =	sst s7  }
0x10: {  	[smem:$0x3FB4] =	sst s8  }
0x11: {  	[smem:$0x3FB5] =	sst s9;
	s0 =	simm.s32 @!p0 $0x0  }
0x12: {  	s1 =	sld [smem:$0x3F9B];
	s0 =	simm.s32 @p0 $0x1  }
0x13: {  	[smem:$0x3FB6] =	sst s0;
	s0 =	simm.s32 @!p1 $0x0  }
0x14: {  	s2 =	sld [smem:$0x3F9A];
	s0 =	simm.s32 @p1 $0x1  }
0x15: {  	[smem:$0x3FB7] =	sst s0;
	s0 =	simm.s32 @!p2 $0x0  }
0x16: {  	s3 =	sld [smem:$0x3FDB];
	s0 =	simm.s32 @p2 $0x1  }
0x17: {  	s4 =	simm.s32 $0x1BF5;
	[smem:$0x3FB9] =	sst s0  }
0x18: {  	s0 =	sld [smem:$0x3F9C];
	_ =	swait.ge [sflag:s4], $0x0  }
0x19: {  	s7 =	sld [smem:$0x3F9D]  }
0x1a: {  	s8 =	sadd.s32 $0xFFFFE003, lr  }
0x1b: {  	s9 =	sadd.s32 $0xFFFFFEF7, lr;
	s5 =	simm.s32 $0xFFFFFFFF;
	p2 =	slt.u32 s8, $0xFFFFF086  }
0x1c: {  	p1 =	slt.u32 s9, $0xF7A;
	s5 =	simm.s32 @!p2 $0x0  }
0x1d: {  	s5 =	simm.s32 @p1 $0x1;
	p0 =	seq.s32 s7, s2  }
0x1e: {  	s7 =	smul.u32 @!p0 $0xF7A, s2;
	p2 =	seq.s32 @!p0 s5, $0x0  }
0x1f: {  	s9 =	smul.u32 $0xF7A, s1;
	s8 =	simm.s32 @!p0 $0x1BF5;
	p2 =	por !p2, p0  }
0x20: {  	[sflag:s8] =	ssyncset.s32 @!p0 $0xFFFFF086;
	s6 =	sadd.s32 @!p0 s3, s7;
	s7 =	simm.s32 @!p0 $0x108  }
0x21: {  	s3 =	sadd.s32 s3, s9;
	s6 =	sadd.s32 @!p0 $0x88, s6;
	s7 =	simm.s32 @p2 $0x1082  }
0x22: {  	[simem:s7], [sflag:s8] =	dma.local @!p0 [hbm:s6], $0xF7A  }
0x23: {  	s9 =	sor.u32 $0xD0000000, s2;
	s6 =	simm.s32 $0x108;
	_ =	swait.ge @!p0 [sflag:s8], $0x0  }
0x24: {  	s3 =	sadd.s32 $0x88, s3;
	s6 =	simm.s32 @!p1 $0x1082;
	[sflag:s4] =	ssyncset.s32 $0xFFFFF086  }
0x25: {  	[simem:s6], [sflag:s4] =	dma.local [hbm:s3], $0xF7A  }
0x26: {  	[smem:$0x3F9D] =	sst s1;
	(tag) =	ssettag s2;
	_ =	strace s9  }
0x27: {  	s1 =	sld [smem:$0x3FAD]  }
0x28: {  	s2 =	sld [smem:$0x3FAE]  }
0x29: {  	s4 =	sld [smem:$0x3FB0]  }
0x2a: {  	p0 =	seq.s32 s5, $0x0;
	s5 =	sld [smem:$0x3FB1]  }
0x2b: {  	s6 =	sld [smem:$0x3FB2]  }
0x2c: {  	s7 =	sld [smem:$0x3FB3]  }
0x2d: {  	s3 =	simm.s32 $0x108;
	s8 =	sld [smem:$0x3FB4]  }
0x2e: {  	s3 =	simm.s32 @!p0 $0x1082;
	s9 =	sld [smem:$0x3FB5]  }
0x2f: {  	lr =	sadd.s32 s0, s3;
	s0 =	sld [smem:$0x3FAC]  }
0x30: {  	s3 =	sld [smem:$0x3FAF]  }
0x31: {  	[smem:$0x3FB8] =	sst s10  }
0x32: {  	s10 =	sld [smem:$0x3FB6];
	_ =	sdelay $0x3  }
0x33: {  	p0 =	seq.s32 s10, $0x1;
	s10 =	sld [smem:$0x3FB8];
	_ =	sdelay $0x3  }
0x34: {  	[smem:$0x3FB8] =	sst s10  }
0x35: {  	s10 =	sld [smem:$0x3FB7];
	_ =	sdelay $0x3  }
0x36: {  	p1 =	seq.s32 s10, $0x1;
	s10 =	sld [smem:$0x3FB8];
	_ =	sdelay $0x3  }
0x37: {  	[smem:$0x3FB8] =	sst s10  }
0x38: {  	s10 =	sld [smem:$0x3FB9]  }
0x39: {  	_ = 	snop;
	(pc) =	sbr.ind lr, $3  }
0x3a: {  	_ = 	snop  }
0x3b: {  	_ = 	snop  }
0x3c: {  	p2 =	seq.s32 s10, $0x1;
	s10 =	sld [smem:$0x3FB8]  }
0x3d: {  	_ =	shalt  }
0x3e: {  	_ =	shalt  }
0x3f: {  	_ =	shalt  }
0x40: {  	_ =	shalt  }
0x41: {  	_ =	shalt  }
0x42: {  	_ =	shalt  }
0x43: {  	_ =	shalt  }
0x44: {  	_ =	shalt  }
0x45: {  	_ =	shalt  }
0x46: {  	_ =	shalt  }
0x47: {  	_ =	shalt  }
0x48: {  	_ =	shalt  }
0x49: {  	_ =	shalt  }
0x4a: {  	_ =	shalt  }
0x4b: {  	_ =	shalt  }
0x4c: {  	_ =	shalt  }
0x4d: {  	_ =	shalt  }
0x4e: {  	_ =	shalt  }
0x4f: {  	_ =	shalt  }
0x50: {  	_ =	shalt  }
0x51: {  	_ =	shalt  }
0x52: {  	_ =	shalt  }
0x53: {  	_ =	shalt  }
0x54: {  	_ =	shalt  }
0x55: {  	_ =	shalt  }
0x56: {  	_ =	shalt  }
0x57: {  	_ =	shalt  }
0x58: {  	_ =	shalt  }
0x59: {  	_ =	shalt  }
0x5a: {  	_ =	shalt  }
0x5b: {  	_ =	shalt  }
0x5c: {  	_ =	shalt  }
0x5d: {  	_ =	shalt  }
0x5e: {  	_ =	shalt  }
0x5f: {  	_ =	shalt  }
0x60: {  	_ =	shalt  }
0x61: {  	_ =	shalt  }
0x62: {  	_ =	shalt  }
0x63: {  	_ =	shalt  }
0x64: {  	_ =	shalt  }
0x65: {  	_ =	shalt  }
0x66: {  	_ =	shalt  }
0x67: {  	_ =	shalt  }
0x68: {  	_ =	shalt  }
0x69: {  	_ =	shalt  }
0x6a: {  	_ =	shalt  }
0x6b: {  	_ =	shalt  }
0x6c: {  	_ =	shalt  }
0x6d: {  	_ =	shalt  }
0x6e: {  	_ =	shalt  }
0x6f: {  	_ =	shalt  }
0x70: {  	_ =	shalt  }
0x71: {  	_ =	shalt  }
0x72: {  	_ =	shalt  }
0x73: {  	_ =	shalt  }
0x74: {  	_ =	shalt  }
0x75: {  	_ =	shalt  }
0x76: {  	_ =	shalt  }
0x77: {  	_ =	shalt  }
0x78: {  	_ =	shalt  }
0x79: {  	_ =	shalt  }
0x7a: {  	_ =	shalt  }
0x7b: {  	_ =	shalt  }
0x7c: {  	_ =	shalt  }
0x7d: {  	_ =	shalt  }
0x7e: {  	_ =	shalt  }
0x7f: {  	_ =	shalt  }
0x80: {  	_ =	shalt  }
0x81: {  	_ =	shalt  }
0x82: {  	_ =	shalt  }
0x83: {  	_ =	shalt  }
0x84: {  	_ =	shalt  }
0x85: {  	_ =	shalt  }
0x86: {  	_ =	shalt  }
0x87: {  	_ =	shalt  }
.Lfunc_end0:
.L_simem_size_0:
called_computation.1_lowered:
.L_overlay_start_0:
0x88: {  	s2 =	sld [smem:$0x3FD9]  }
0x89: {  	s3 =	sld [smem:$0x3FFE];
	_ =	sdelay $0x1  }
0x8a: {  	s1 =	srdreg.scid  }
0x8b: {  	s0 =	sand.u32 $0x1, s1  }
0x8c: {  	s17 =	sshll.u32 s0, $0xA;
	s2 =	sadd.s32 s3, s2  }
0x8d: {  	s2 =	sadd.s32 s2, s17  }
0x8e: {  	[smem:$0x3FC4] =	sst s2  }
0x8f: {  	_ = 	snop  }
0x90: {  	s2 =	sld [smem:$0x3FD0];
	(tm) =	ssettm $0x1  }
0x91: {  	s18 =	sld [smem:$0x3FFB];
	_ =	sdelay $0x3  }
0x92: {  	_ =	strace s18  }
0x93: {  	s3 =	sld [smem:$0x3FFC];
	_ =	sdelay $0x3  }
0x94: {  	_ =	strace s3  }
0x95: {  	s3 =	sld [smem:$0x3FFD];
	_ =	sdelay $0x3  }
0x96: {  	_ =	strace s3  }
0x97: {  	_ =	strace $0x8FFFFFFF  }
0x98: {  	s19 =	sld [smem:$0x3FDB];
	_ =	sdelay $0x1  }
0x99: {  	s4 =	simm.s32 $_scs_section_size  }
0x9a: {  	s5 =	simm.s32 $_size__tile_overlayer_lowered;
	s6 =	simm.s32 $_tile_overlayer_lowered  }
0x9b: {  	s22 =	simm.s32 $0x1BFF;
	s21 =	sshll.u32 s6, $0x1;
	s3 =	sadd.s32 s4, s19  }
0x9c: {  	s7 =	simm.s32 $0x0;
	s20 =	sshll.u32 s5, $0x1;
	s5 =	sadd.s32 s21, s3  }
0x9d: {  	[timem:s7], [sflag:s22] =	dma.local [hbm:s5], s20  }
0x9e: {  	_ =	swait.ge [sflag:s22], s20  }
0x9f: {  	s4 =	ssub.s32 $0x0, s20;
	[sflag:s22] =	ssyncset.done $0x0  }
0xa0: {  	[sflag:s22] =	ssyncadd.s32 s4;
	_ =	sdelay $0x1  }
0xa1: {  	s23 =	simm.s32 $0x1B8B  }
0xa2: {  	_ =	swait.ge [sflag:s23], $0x1  }
0xa3: {  	[sflag:s23] =	ssyncset.done $0x0  }
0xa4: {  	s25 =	simm.s32 $0x1B8E;
	s24 =	sld [smem:$0x3FFE];
	[sflag:s23] =	ssyncadd.s32 $0xFFFFFFFF  }
0xa5: {  	s26 =	simm.s32 $execute0_lowered;
	[smem:$0x3FD2] =	sst s25  }
0xa6: {  	s5 =	sshll.u32 s26, $0x1;
	_ =	strace $0x80000046;
	[dreg:$0x1] =	wrdreg $0xFFFFFFFF  }
0xa7: {  	s28 =	simm.s32 $_size_execute0_lowered;
	s3 =	sadd.s32 s3, s5;
	[dreg:$0x0] =	wrdreg $0x0  }
0xa8: {  	s5 =	sshll.u32 s28, $0x1;
	[dreg:$0x2] =	wrdreg s3  }
0xa9: {  	[dreg:$0x3] =	wrdreg s5  }
0xaa: {  	[dreg:$0x4] =	wrdreg $0xC0  }
0xab: {  	_ =	task [dreg:s7], $0x5FFFF  }
0xac: {  	[dreg:$0x1] =	wrdreg $0xFFFFFFFF  }
0xad: {  	[dreg:$0x0] =	wrdreg $0x60  }
0xae: {  	[dreg:$0x2] =	wrdreg s24  }
0xaf: {  	[dreg:$0x3] =	wrdreg s2  }
0xb0: {  	[dreg:$0x4] =	wrdreg $0xA  }
0xb1: {  	_ =	task.clear_ibuf [dreg:s7], $0x5FFFF;
	_ =	strace $0x90000046  }
0xb2: {  	s29 =	simm.s32 $0xA;
	_ =	strace $0x80000048  }
0xb3: {  	_ =	swait.ge [sflag:s29], $0x1  }
0xb4: {  	[sflag:s29] =	ssyncadd.s32 $0xFFFFFFFF  }
0xb5: {  	_ =	strace $0x90000048  }
0xb6: {  	_ =	sfence  }
0xb7: {  	s30 =	sld [smem:$0x0];
	_ =	sdelay $0x2  }
0xb8: {  	s31 =	sshll.u32 s1, $0xD;
	s1 =	sshrl.u32 s1, $0x2  }
0xb9: {  	s3 =	sand.u32 $0x4000, s31;
	s1 =	sadd.s32 s1, s30  }
0xba: {  	s0 =	sor.u32 s3, s0;
	s1 =	sshll.u32 s1, $0x11  }
0xbb: {  	s0 =	sor.u32 s1, s0  }
0xbc: {  	s0 =	sadd.s32 $0x8F2B, s0  }
0xbd: {  	[sflag:s0] =	ssyncadd.remote.s32 $0x1  }
0xbe: {  	_ =	sfence.sel $0xFFFF  }
0xbf: {  	[dreg:$0x0] =	wrdreg $0xFFFFFFFF;
	(pc) =	sbr.abs _section_cstart, $3  }
0xc0: {  	[dreg:$0x1] =	wrdreg $0xFFFFFFFF  }
0xc1: {  	_ =	task.clear_ibuf [dreg:s7], $0x2FFFF;
	_ =	strace $0x9FFFFFFF  }
0xc2: {  	(tm) =	ssettm $0x7FFFFFFF  }
0xc3: {  	_ =	shalt  }
tec
execute0_lowered:
.L_overlay_start_1:
0x0: {  	(tag) =	ssettag $0x1  }
0x1: {  	s0 =	rddreg [dreg:$0x0]  }
0x2: {  	s5 =	rddreg [dreg:$0x1]  }
0x3: {  	s3 =	srdreg.scid;
	s1 =	stileid.u32  }
0x4: {  	s2 =	simm.s32 $0x0;
	s3 =	sand.u32 $0x1, s3;
	s4 =	sshll.u32 s1, $0x1  }
0x5: {  	s9 =	simm.s32 $0x1;
	s11 =	simm.s32 $0x2;
	s6 =	sor.u32 s3, s4  }
0x6: {  	s12 =	simm.s32 $0x5400;
	s7 =	ssub.s32 $0x2, s3;
	s8 =	smul.u32 $0x280, s6  }
0x7: {  	[smem:$0x7FF] =	sst s2;
	s3 =	sadd.s32 $0xD000, s0;
	s30 =	sshrl.u32 s7, $0x1  }
0x8: {  	s4 =	sadd.s32 $0xF4F400, s0;
	s0 =	ssub.s32 s7, s30;
	s31 =	sadd.s32 s5, s8  }
0x9: {  	_ =	strace $0x80000047;
	s0 =	smax.u32 s0, $0x1;
	[dreg:$0x3] =	wrdreg s31  }
0xa: {  	s6 =	smul.u32 $0xA0000, s6;
	s5 =	simm.s32 $0x0;
	[dreg:$0x4] =	wrdreg s0  }
.LBB2_1:
0xb: {  	[dreg:$0x5] =	wrdreg s5  }
0xc: {  	s0 =	rddreg [dreg:$0x3];
	s31 =	simm.s32 $0x5  }
0xd: {  	[tilespmem:s2], [sflag:$0x5] =	stream.linear.gather [hbm4b:s0+s2], $0x1400, $0x38;
	[tilespmem:$0x9400] =	vst v63  }
0xe: {  	_ =	swait.ge [sflag:s31], $0x1400  }
0xf: {  	s16 =	simm.s32 $0x80;
	[sflag:s31] =	ssyncset.done $0x0  }
0x10: {  	s17 =	simm.s32 $0x0;
	s18 =	simm.s32 $0x0;
	[sflag:s31] =	ssyncadd.s32 $0xFFFFEC00  }
.LBB2_2:
0x11: {  	p0 =	seq.s32 s18, $0x0  }
0x12: {  	s0 =	simm.s32 @!p0 $0x3  }
0x13: {  	_ =	swait.ge @!p0 [sflag:s0], $0x4000  }
0x14: {  	[sflag:s0] =	ssyncset.done @!p0 $0x0  }
0x15: {  	[sflag:s0] =	ssyncadd.s32 @!p0 $0xFFFFC000  }
0x16: {  	v0 =	vld [tilespmem:s17+$0x0];
	_ =	sdelay $0x4  }
0x17: {  	v0 =	vshll.u32 v0, $0x4  }
0x18: {  	(v2sf) =	vpush v0, $0x0  }
0x19: {  	(v2sf) =	vpush v0, $0x1  }
0x1a: {  	(v2sf) =	vpush v0, $0x2;
	_ =	sdelay $0x1  }
0x1b: {  	(v2sf) =	vpush v0, $0x4;
	_ =	sdelay $0x1  }
0x1c: {  	(v2sf) =	vpush v0, $0x3  }
0x1d: {  	s19 =	sshll.u32 s18, $0x1;
	(v2sf) =	vpush v0, $0x5  }
0x1e: {  	s21 =	simm.s32 $0x2000;
	s20 =	simm.s32 $0x0;
	s22 =	smov.u32 s17;
	(v2sf) =	vpush v0, $0x6  }
.LBB2_3:
0x1f: {  	p1 =	sne.s32 s21, $0xE000  }
0x20: {  	s1 =	sadd.s32 $0x1480, s20;
	s26 =	sadd.s32 $0x1980, s20;
	s23 =	smov.u32 s21  }
0x21: {  	s21 =	sadd.s32 $0x2000, s21;
	s30 =	sadd.s32 $0x1780, s20;
	s24 =	sadd.s32 $0x1A00, s20;
	(v2sf) =	vpush v0, $0x7  }
0x22: {  	s0 =	sadd.s32 $0x1680, s20;
	s29 =	sadd.s32 $0x1800, s20;
	s25 =	sadd.s32 $0x1A80, s20  }
0x23: {  	s5 =	sadd.s32 $0x1400, s20;
	s7 =	sadd.s32 $0x1600, s20;
	(v2sf) =	vpush v0, $0x8  }
0x24: {  	s8 =	sadd.s32 $0x1700, s20;
	s22 =	sadd.s32 $0x10, s22  }
0x25: {  	s13 =	sadd.s32 $0x1500, s20;
	s28 =	sadd.s32 $0x1900, s20;
	s31 =	spop (v2sf);
	(v2sf) =	vpush v0, $0x9  }
0x26: {  	s14 =	sand.u32 $0x1FFFFFF0, s31;
	s31 =	sadd.s32 $0x1880, s20;
	s15 =	spop (v2sf)  }
0x27: {  	s14 =	sadd.s32 s3, s14;
	s15 =	sand.u32 $0x1FFFFFF0, s15;
	s10 =	spop (v2sf);
	(v2sf) =	vpush v0, $0xA  }
0x28: {  	[tilespmem:s5], [sflag:$0x1] =	stream.linear.gather [hbm4b:s14+s2], $0x80, $0x38;
	[tilespmem:$0x9400] =	vst v63  }
0x29: {  	s5 =	sadd.s32 s3, s15;
	s14 =	sadd.s32 $0x1580, s20;
	s15 =	spop (v2sf);
	(v2sf) =	vpush v0, $0xB  }
0x2a: {  	[tilespmem:s1], [sflag:$0x1] =	stream.linear.gather [hbm4b:s5+s2], $0x80, $0x38;
	[tilespmem:$0x9400] =	vst v63  }
0x2b: {  	s1 =	sand.u32 $0x1FFFFFF0, s10;
	s5 =	sand.u32 $0x1FFFFFF0, s15;
	s10 =	spop (v2sf);
	(v2sf) =	vpush v0, $0xC  }
0x2c: {  	s1 =	sadd.s32 s3, s1;
	s10 =	sand.u32 $0x1FFFFFF0, s10;
	s15 =	spop (v2sf)  }
0x2d: {  	[tilespmem:s13], [sflag:$0x1] =	stream.linear.gather [hbm4b:s1+s2], $0x80, $0x38;
	(v2sf) =	vpush v0, $0xD;
	[tilespmem:$0x9400] =	vst v63  }
0x2e: {  	s1 =	sadd.s32 s3, s10;
	s10 =	sand.u32 $0x1FFFFFF0, s15;
	s13 =	spop (v2sf)  }
0x2f: {  	[tilespmem:s14], [sflag:$0x1] =	stream.linear.gather [hbm4b:s1+s2], $0x80, $0x38;
	(v2sf) =	vpush v0, $0xE;
	[tilespmem:$0x9400] =	vst v63  }
0x30: {  	s1 =	sadd.s32 s3, s5;
	s5 =	sand.u32 $0x1FFFFFF0, s13;
	s13 =	spop (v2sf)  }
0x31: {  	[tilespmem:s7], [sflag:$0x1] =	stream.linear.gather [hbm4b:s1+s2], $0x80, $0x38;
	(v2sf) =	vpush v0, $0xF;
	[tilespmem:$0x9400] =	vst v63  }
0x32: {  	s1 =	sadd.s32 s3, s10;
	s7 =	sand.u32 $0x1FFFFFF0, s13;
	s10 =	spop (v2sf)  }
0x33: {  	[tilespmem:s0], [sflag:$0x1] =	stream.linear.gather [hbm4b:s1+s2], $0x80, $0x38;
	[tilespmem:$0x9400] =	vst v63  }
0x34: {  	s0 =	sadd.s32 s3, s5;
	s1 =	sand.u32 $0x1FFFFFF0, s10;
	s5 =	spop (v2sf)  }
0x35: {  	[tilespmem:s8], [sflag:$0x1] =	stream.linear.gather [hbm4b:s0+s2], $0x80, $0x38;
	[tilespmem:$0x9400] =	vst v63  }
0x36: {  	s0 =	sadd.s32 s3, s7;
	s5 =	sand.u32 $0x1FFFFFF0, s5;
	s7 =	spop (v2sf)  }
0x37: {  	[tilespmem:s30], [sflag:$0x1] =	stream.linear.gather [hbm4b:s0+s2], $0x80, $0x38;
	[tilespmem:$0x9400] =	vst v63  }
0x38: {  	s0 =	sadd.s32 s3, s1;
	s1 =	sand.u32 $0x1FFFFFF0, s7;
	s7 =	spop (v2sf)  }
0x39: {  	[tilespmem:s29], [sflag:$0x1] =	stream.linear.gather [hbm4b:s0+s2], $0x80, $0x38;
	[tilespmem:$0x9400] =	vst v63  }
0x3a: {  	s0 =	sadd.s32 s3, s5;
	s5 =	sand.u32 $0x1FFFFFF0, s7;
	s7 =	spop (v2sf)  }
0x3b: {  	[tilespmem:s31], [sflag:$0x1] =	stream.linear.gather [hbm4b:s0+s2], $0x80, $0x38;
	[tilespmem:$0x9400] =	vst v63  }
0x3c: {  	s0 =	sadd.s32 s3, s1;
	s1 =	sand.u32 $0x1FFFFFF0, s7;
	s7 =	spop (v2sf)  }
0x3d: {  	[tilespmem:s28], [sflag:$0x1] =	stream.linear.gather [hbm4b:s0+s2], $0x80, $0x38;
	[tilespmem:$0x9400] =	vst v63  }
0x3e: {  	s0 =	sadd.s32 s3, s5;
	s5 =	sand.u32 $0x1FFFFFF0, s7;
	s7 =	spop (v2sf)  }
0x3f: {  	[tilespmem:s26], [sflag:$0x1] =	stream.linear.gather [hbm4b:s0+s2], $0x80, $0x38;
	[tilespmem:$0x9400] =	vst v63  }
0x40: {  	s0 =	sadd.s32 s3, s1;
	s1 =	sand.u32 $0x1FFFFFF0, s7;
	s7 =	spop (v2sf)  }
0x41: {  	[tilespmem:s24], [sflag:$0x1] =	stream.linear.gather [hbm4b:s0+s2], $0x80, $0x38;
	[tilespmem:$0x9400] =	vst v63  }
0x42: {  	s0 =	sadd.s32 s3, s5;
	s5 =	sand.u32 $0x1FFFFFF0, s7  }
0x43: {  	[tilespmem:s25], [sflag:$0x1] =	stream.linear.gather [hbm4b:s0+s2], $0x80, $0x38;
	[tilespmem:$0x9400] =	vst v63  }
0x44: {  	s1 =	sadd.s32 s3, s1;
	s0 =	sadd.s32 $0x1B00, s20  }
0x45: {  	[tilespmem:s0], [sflag:$0x1] =	stream.linear.gather [hbm4b:s1+s2], $0x80, $0x38;
	[tilespmem:$0x9400] =	vst v63  }
0x46: {  	s0 =	sadd.s32 $0x1B80, s20;
	s1 =	sadd.s32 s3, s5  }
0x47: {  	[tilespmem:s0], [sflag:$0x1] =	stream.linear.gather [hbm4b:s1+s2], $0x80, $0x38;
	[tilespmem:$0x9400] =	vst v63  }
0x48: {  	v0 =	vld [tilespmem:s22+$0x0];
	_ =	sdelay $0x4  }
0x49: {  	v0 =	vshll.u32 v0, $0x4  }
0x4a: {  	(v2sf) =	vpush v0, $0x0  }
0x4b: {  	(v2sf) =	vpush v0, $0x1  }
0x4c: {  	(v2sf) =	vpush v0, $0x2;
	_ =	sdelay $0x1  }
0x4d: {  	(v2sf) =	vpush v0, $0x4  }
.Ltmp0:
0x4e: {  	(pc) =	sbr.rel @p1 .LBB2_3-.Ltmp0, $3  }
0x4f: {  	(v2sf) =	vpush v0, $0x3  }
0x50: {  	(v2sf) =	vpush v0, $0x5;
	_ =	sdelay $0x1  }
0x51: {  	s20 =	sshra.s32 s23, $0x2;
	(v2sf) =	vpush v0, $0x6  }
0x52: {  	_ =	sdelay $0x1  }
0x53: {  	s0 =	sadd.s32 $0x1480, s20;
	s23 =	sadd.s32 $0x1980, s20  }
0x54: {  	s1 =	sadd.s32 $0x1780, s20;
	s21 =	sadd.s32 $0x1A00, s20;
	(v2sf) =	vpush v0, $0x7;
	s5 =	sadd.s32 $0x1680, s20  }
0x55: {  	s7 =	sadd.s32 $0x1800, s20;
	s22 =	sadd.s32 $0x1A80, s20;
	s8 =	sadd.s32 $0x1400, s20  }
0x56: {  	s10 =	sadd.s32 $0x1600, s20;
	s13 =	sadd.s32 $0x1700, s20;
	(v2sf) =	vpush v0, $0x8;
	s14 =	spop (v2sf)  }
0x57: {  	s15 =	sadd.s32 $0x1500, s20;
	s14 =	sand.u32 $0x1FFFFFF0, s14;
	s24 =	spop (v2sf)  }
0x58: {  	(v2sf) =	vpush v0, $0x9;
	s14 =	sadd.s32 s3, s14;
	s24 =	sand.u32 $0x1FFFFFF0, s24;
	s25 =	spop (v2sf)  }
0x59: {  	[tilespmem:s8], [sflag:$0x1] =	stream.linear.gather [hbm4b:s14+s2], $0x80, $0x38;
	[tilespmem:$0x9400] =	vst v63  }
0x5a: {  	(v2sf) =	vpush v0, $0xA;
	s26 =	sadd.s32 s3, s24;
	s29 =	sand.u32 $0x1FFFFFF0, s25;
	s28 =	spop (v2sf)  }
0x5b: {  	[tilespmem:s0], [sflag:$0x1] =	stream.linear.gather [hbm4b:s26+s2], $0x80, $0x38;
	[tilespmem:$0x9400] =	vst v63  }
0x5c: {  	s8 =	sadd.s32 $0x1900, s20;
	(v2sf) =	vpush v0, $0xB;
	s14 =	sadd.s32 s3, s29;
	s30 =	spop (v2sf)  }
0x5d: {  	s0 =	sadd.s32 $0x1880, s20;
	s26 =	sadd.s32 $0x1580, s20;
	s25 =	sand.u32 $0x1FFFFFF0, s30  }
0x5e: {  	(v2sf) =	vpush v0, $0xC;
	[tilespmem:s15], [sflag:$0x1] =	stream.linear.gather [hbm4b:s14+s2], $0x80, $0x38;
	[tilespmem:$0x9400] =	vst v63  }
0x5f: {  	s31 =	sand.u32 $0x1FFFFFF0, s28;
	s28 =	spop (v2sf);
	s29 =	sadd.s32 s3, s25  }
0x60: {  	(v2sf) =	vpush v0, $0xD;
	[tilespmem:s26], [sflag:$0x1] =	stream.linear.gather [hbm4b:s29+s2], $0x80, $0x38;
	[tilespmem:$0x9400] =	vst v63  }
0x61: {  	s14 =	sadd.s32 s3, s31;
	s15 =	sand.u32 $0x1FFFFFF0, s28;
	s30 =	spop (v2sf)  }
0x62: {  	(v2sf) =	vpush v0, $0xE;
	[tilespmem:s10], [sflag:$0x1] =	stream.linear.gather [hbm4b:s14+s2], $0x80, $0x38;
	[tilespmem:$0x9400] =	vst v63  }
0x63: {  	s15 =	sadd.s32 s3, s15;
	s31 =	sand.u32 $0x1FFFFFF0, s30;
	s24 =	spop (v2sf)  }
0x64: {  	(v2sf) =	vpush v0, $0xF;
	[tilespmem:s5], [sflag:$0x1] =	stream.linear.gather [hbm4b:s15+s2], $0x80, $0x38;
	[tilespmem:$0x9400] =	vst v63  }
0x65: {  	s25 =	sand.u32 $0x1FFFFFF0, s24;
	s26 =	spop (v2sf);
	s10 =	sadd.s32 s3, s31  }
0x66: {  	[tilespmem:s13], [sflag:$0x1] =	stream.linear.gather [hbm4b:s10+s2], $0x80, $0x38;
	[tilespmem:$0x9400] =	vst v63  }
0x67: {  	s28 =	sand.u32 $0x1FFFFFF0, s26;
	s5 =	sadd.s32 s3, s25;
	s29 =	spop (v2sf)  }
0x68: {  	[tilespmem:s1], [sflag:$0x1] =	stream.linear.gather [hbm4b:s5+s2], $0x80, $0x38;
	[tilespmem:$0x9400] =	vst v63  }
0x69: {  	s10 =	sadd.s32 s3, s28;
	s30 =	sand.u32 $0x1FFFFFF0, s29;
	s31 =	spop (v2sf)  }
0x6a: {  	[tilespmem:s7], [sflag:$0x1] =	stream.linear.gather [hbm4b:s10+s2], $0x80, $0x38;
	[tilespmem:$0x9400] =	vst v63  }
0x6b: {  	s5 =	sand.u32 $0x1FFFFFF0, s31;
	s1 =	sadd.s32 s3, s30;
	s10 =	spop (v2sf)  }
0x6c: {  	[tilespmem:s0], [sflag:$0x1] =	stream.linear.gather [hbm4b:s1+s2], $0x80, $0x38;
	[tilespmem:$0x9400] =	vst v63  }
0x6d: {  	s5 =	sadd.s32 s3, s5;
	s13 =	sand.u32 $0x1FFFFFF0, s10;
	s14 =	spop (v2sf)  }
0x6e: {  	[tilespmem:s8], [sflag:$0x1] =	stream.linear.gather [hbm4b:s5+s2], $0x80, $0x38;
	[tilespmem:$0x9400] =	vst v63  }
0x6f: {  	s0 =	sadd.s32 s3, s13;
	s1 =	sand.u32 $0x1FFFFFF0, s14;
	s15 =	spop (v2sf)  }
0x70: {  	[tilespmem:s23], [sflag:$0x1] =	stream.linear.gather [hbm4b:s0+s2], $0x80, $0x38;
	[tilespmem:$0x9400] =	vst v63  }
0x71: {  	s24 =	sand.u32 $0x1FFFFFF0, s15;
	s1 =	sadd.s32 s3, s1;
	s25 =	spop (v2sf)  }
0x72: {  	[tilespmem:s21], [sflag:$0x1] =	stream.linear.gather [hbm4b:s1+s2], $0x80, $0x38;
	[tilespmem:$0x9400] =	vst v63  }
0x73: {  	s26 =	sand.u32 $0x1FFFFFF0, s25;
	s28 =	spop (v2sf);
	s0 =	sadd.s32 s3, s24  }
0x74: {  	[tilespmem:s22], [sflag:$0x1] =	stream.linear.gather [hbm4b:s0+s2], $0x80, $0x38;
	[tilespmem:$0x9400] =	vst v63  }
0x75: {  	s30 =	sadd.s32 $0x1B00, s20;
	s29 =	sand.u32 $0x1FFFFFF0, s28;
	s1 =	sadd.s32 s3, s26  }
0x76: {  	[tilespmem:s30], [sflag:$0x1] =	stream.linear.gather [hbm4b:s1+s2], $0x80, $0x38;
	[tilespmem:$0x9400] =	vst v63  }
0x77: {  	s31 =	sadd.s32 $0x1B80, s20;
	s0 =	sadd.s32 s3, s29  }
0x78: {  	[tilespmem:s31], [sflag:$0x1] =	stream.linear.gather [hbm4b:s0+s2], $0x80, $0x38;
	[tilespmem:$0x9400] =	vst v63  }
0x79: {  	s0 =	simm.s32 @!p0 $0x4  }
0x7a: {  	_ =	swait.ge @!p0 [sflag:s0], $0x4000  }
0x7b: {  	[sflag:s0] =	ssyncset.done @!p0 $0x0  }
0x7c: {  	[sflag:s0] =	ssyncadd.s32 @!p0 $0xFFFFC000  }
0x7d: {  	v0 =	vld [tilespmem:s16+$0x0];
	_ =	sdelay $0x4  }
0x7e: {  	v0 =	vshll.u32 v0, $0x4  }
0x7f: {  	(v2sf) =	vpush v0, $0x0  }
0x80: {  	(v2sf) =	vpush v0, $0x1  }
0x81: {  	(v2sf) =	vpush v0, $0x2;
	_ =	sdelay $0x1  }
0x82: {  	(v2sf) =	vpush v0, $0x4;
	_ =	sdelay $0x1  }
0x83: {  	(v2sf) =	vpush v0, $0x3  }
0x84: {  	s19 =	sor.u32 $0x1, s19;
	(v2sf) =	vpush v0, $0x5  }
0x85: {  	s20 =	simm.s32 $0x0;
	s21 =	simm.s32 $0x2000;
	s22 =	smov.u32 s16;
	(v2sf) =	vpush v0, $0x6  }
.LBB2_5:
0x86: {  	p0 =	sne.s32 s21, $0xE000  }
0x87: {  	s1 =	sadd.s32 $0x5480, s20;
	s26 =	sadd.s32 $0x5980, s20;
	s23 =	smov.u32 s21  }
0x88: {  	s21 =	sadd.s32 $0x2000, s21;
	s30 =	sadd.s32 $0x5780, s20;
	s24 =	sadd.s32 $0x5A00, s20;
	(v2sf) =	vpush v0, $0x7  }
0x89: {  	s0 =	sadd.s32 $0x5680, s20;
	s29 =	sadd.s32 $0x5800, s20;
	s25 =	sadd.s32 $0x5A80, s20  }
0x8a: {  	s5 =	sadd.s32 $0x5400, s20;
	s7 =	sadd.s32 $0x5600, s20;
	(v2sf) =	vpush v0, $0x8  }
0x8b: {  	s8 =	sadd.s32 $0x5700, s20;
	s22 =	sadd.s32 $0x10, s22  }
0x8c: {  	s10 =	sadd.s32 $0x5500, s20;
	s28 =	sadd.s32 $0x5900, s20;
	s13 =	spop (v2sf);
	(v2sf) =	vpush v0, $0x9  }
0x8d: {  	s31 =	sadd.s32 $0x5880, s20;
	s13 =	sand.u32 $0x1FFFFFF0, s13;
	s14 =	spop (v2sf)  }
0x8e: {  	s13 =	sadd.s32 s3, s13;
	s14 =	sand.u32 $0x1FFFFFF0, s14;
	s15 =	spop (v2sf);
	(v2sf) =	vpush v0, $0xA  }
0x8f: {  	[tilespmem:s5], [sflag:$0x2] =	stream.linear.gather [hbm4b:s13+s2], $0x80, $0x38;
	[tilespmem:$0x9400] =	vst v63  }
0x90: {  	s5 =	sadd.s32 s3, s14;
	s13 =	sadd.s32 $0x5580, s20;
	s14 =	spop (v2sf);
	(v2sf) =	vpush v0, $0xB  }
0x91: {  	[tilespmem:s1], [sflag:$0x2] =	stream.linear.gather [hbm4b:s5+s2], $0x80, $0x38;
	[tilespmem:$0x9400] =	vst v63  }
0x92: {  	s1 =	sand.u32 $0x1FFFFFF0, s15;
	s5 =	sand.u32 $0x1FFFFFF0, s14;
	s14 =	spop (v2sf);
	(v2sf) =	vpush v0, $0xC  }
0x93: {  	s1 =	sadd.s32 s3, s1;
	s14 =	sand.u32 $0x1FFFFFF0, s14;
	s15 =	spop (v2sf)  }
0x94: {  	[tilespmem:s10], [sflag:$0x2] =	stream.linear.gather [hbm4b:s1+s2], $0x80, $0x38;
	(v2sf) =	vpush v0, $0xD;
	[tilespmem:$0x9400] =	vst v63  }
0x95: {  	s1 =	sadd.s32 s3, s14;
	s10 =	sand.u32 $0x1FFFFFF0, s15;
	s14 =	spop (v2sf)  }
0x96: {  	[tilespmem:s13], [sflag:$0x2] =	stream.linear.gather [hbm4b:s1+s2], $0x80, $0x38;
	(v2sf) =	vpush v0, $0xE;
	[tilespmem:$0x9400] =	vst v63  }
0x97: {  	s1 =	sadd.s32 s3, s5;
	s5 =	sand.u32 $0x1FFFFFF0, s14;
	s13 =	spop (v2sf)  }
0x98: {  	[tilespmem:s7], [sflag:$0x2] =	stream.linear.gather [hbm4b:s1+s2], $0x80, $0x38;
	(v2sf) =	vpush v0, $0xF;
	[tilespmem:$0x9400] =	vst v63  }
0x99: {  	s1 =	sadd.s32 s3, s10;
	s7 =	sand.u32 $0x1FFFFFF0, s13;
	s10 =	spop (v2sf)  }
0x9a: {  	[tilespmem:s0], [sflag:$0x2] =	stream.linear.gather [hbm4b:s1+s2], $0x80, $0x38;
	[tilespmem:$0x9400] =	vst v63  }
0x9b: {  	s0 =	sadd.s32 s3, s5;
	s1 =	sand.u32 $0x1FFFFFF0, s10;
	s5 =	spop (v2sf)  }
0x9c: {  	[tilespmem:s8], [sflag:$0x2] =	stream.linear.gather [hbm4b:s0+s2], $0x80, $0x38;
	[tilespmem:$0x9400] =	vst v63  }
0x9d: {  	s0 =	sadd.s32 s3, s7;
	s5 =	sand.u32 $0x1FFFFFF0, s5;
	s7 =	spop (v2sf)  }
0x9e: {  	[tilespmem:s30], [sflag:$0x2] =	stream.linear.gather [hbm4b:s0+s2], $0x80, $0x38;
	[tilespmem:$0x9400] =	vst v63  }
0x9f: {  	s0 =	sadd.s32 s3, s1;
	s1 =	sand.u32 $0x1FFFFFF0, s7;
	s7 =	spop (v2sf)  }
0xa0: {  	[tilespmem:s29], [sflag:$0x2] =	stream.linear.gather [hbm4b:s0+s2], $0x80, $0x38;
	[tilespmem:$0x9400] =	vst v63  }
0xa1: {  	s0 =	sadd.s32 s3, s5;
	s5 =	sand.u32 $0x1FFFFFF0, s7;
	s7 =	spop (v2sf)  }
0xa2: {  	[tilespmem:s31], [sflag:$0x2] =	stream.linear.gather [hbm4b:s0+s2], $0x80, $0x38;
	[tilespmem:$0x9400] =	vst v63  }
0xa3: {  	s0 =	sadd.s32 s3, s1;
	s1 =	sand.u32 $0x1FFFFFF0, s7;
	s7 =	spop (v2sf)  }
0xa4: {  	[tilespmem:s28], [sflag:$0x2] =	stream.linear.gather [hbm4b:s0+s2], $0x80, $0x38;
	[tilespmem:$0x9400] =	vst v63  }
0xa5: {  	s0 =	sadd.s32 s3, s5;
	s5 =	sand.u32 $0x1FFFFFF0, s7;
	s7 =	spop (v2sf)  }
0xa6: {  	[tilespmem:s26], [sflag:$0x2] =	stream.linear.gather [hbm4b:s0+s2], $0x80, $0x38;
	[tilespmem:$0x9400] =	vst v63  }
0xa7: {  	s0 =	sadd.s32 s3, s1;
	s1 =	sand.u32 $0x1FFFFFF0, s7;
	s7 =	spop (v2sf)  }
0xa8: {  	[tilespmem:s24], [sflag:$0x2] =	stream.linear.gather [hbm4b:s0+s2], $0x80, $0x38;
	[tilespmem:$0x9400] =	vst v63  }
0xa9: {  	s0 =	sadd.s32 s3, s5;
	s5 =	sand.u32 $0x1FFFFFF0, s7  }
0xaa: {  	[tilespmem:s25], [sflag:$0x2] =	stream.linear.gather [hbm4b:s0+s2], $0x80, $0x38;
	[tilespmem:$0x9400] =	vst v63  }
0xab: {  	s1 =	sadd.s32 s3, s1;
	s0 =	sadd.s32 $0x5B00, s20  }
0xac: {  	[tilespmem:s0], [sflag:$0x2] =	stream.linear.gather [hbm4b:s1+s2], $0x80, $0x38;
	[tilespmem:$0x9400] =	vst v63  }
0xad: {  	s0 =	sadd.s32 $0x5B80, s20;
	s1 =	sadd.s32 s3, s5  }
0xae: {  	[tilespmem:s0], [sflag:$0x2] =	stream.linear.gather [hbm4b:s1+s2], $0x80, $0x38;
	[tilespmem:$0x9400] =	vst v63  }
0xaf: {  	v0 =	vld [tilespmem:s22+$0x0];
	_ =	sdelay $0x4  }
0xb0: {  	v0 =	vshll.u32 v0, $0x4  }
0xb1: {  	(v2sf) =	vpush v0, $0x0  }
0xb2: {  	(v2sf) =	vpush v0, $0x1  }
0xb3: {  	(v2sf) =	vpush v0, $0x2;
	_ =	sdelay $0x1  }
0xb4: {  	(v2sf) =	vpush v0, $0x4  }
.Ltmp1:
0xb5: {  	(pc) =	sbr.rel @p0 .LBB2_5-.Ltmp1, $3  }
0xb6: {  	(v2sf) =	vpush v0, $0x3  }
0xb7: {  	(v2sf) =	vpush v0, $0x5;
	_ =	sdelay $0x1  }
0xb8: {  	s20 =	sshra.s32 s23, $0x2;
	(v2sf) =	vpush v0, $0x6  }
0xb9: {  	_ =	sdelay $0x5  }
0xba: {  	s0 =	spop (v2sf)  }
0xbb: {  	s1 =	spop (v2sf)  }
0xbc: {  	s7 =	spop (v2sf)  }
0xbd: {  	s13 =	spop (v2sf);
	(v2sf) =	vpush v0, $0x7  }
0xbe: {  	s0 =	sand.u32 $0x1FFFFFF0, s0  }
0xbf: {  	s5 =	sadd.s32 $0x5400, s20;
	s0 =	sadd.s32 s3, s0  }
0xc0: {  	[tilespmem:s5], [sflag:$0x2] =	stream.linear.gather [hbm4b:s0+s2], $0x80, $0x38;
	[tilespmem:$0x9400] =	vst v63  }
0xc1: {  	s1 =	sand.u32 $0x1FFFFFF0, s1;
	s14 =	spop (v2sf);
	(v2sf) =	vpush v0, $0x8  }
0xc2: {  	s5 =	sadd.s32 $0x5480, s20;
	s1 =	sadd.s32 s3, s1  }
0xc3: {  	[tilespmem:s5], [sflag:$0x2] =	stream.linear.gather [hbm4b:s1+s2], $0x80, $0x38;
	[tilespmem:$0x9400] =	vst v63  }
0xc4: {  	s8 =	sand.u32 $0x1FFFFFF0, s7;
	s23 =	spop (v2sf);
	(v2sf) =	vpush v0, $0x9  }
0xc5: {  	s10 =	sadd.s32 $0x5500, s20;
	s0 =	sadd.s32 s3, s8  }
0xc6: {  	[tilespmem:s10], [sflag:$0x2] =	stream.linear.gather [hbm4b:s0+s2], $0x80, $0x38;
	[tilespmem:$0x9400] =	vst v63  }
0xc7: {  	s0 =	sand.u32 $0x1FFFFFF0, s14;
	s25 =	spop (v2sf);
	(v2sf) =	vpush v0, $0xA  }
0xc8: {  	s15 =	sadd.s32 $0x5580, s20;
	s21 =	sand.u32 $0x1FFFFFF0, s13;
	s0 =	sadd.s32 s3, s0  }
0xc9: {  	[tilespmem:s15], [sflag:$0x2] =	stream.linear.gather [hbm4b:s0+s2], $0x80, $0x38;
	[tilespmem:$0x9400] =	vst v63  }
0xca: {  	s22 =	sadd.s32 $0x5600, s20;
	s0 =	sadd.s32 s3, s21  }
0xcb: {  	[tilespmem:s22], [sflag:$0x2] =	stream.linear.gather [hbm4b:s0+s2], $0x80, $0x38;
	[tilespmem:$0x9400] =	vst v63  }
0xcc: {  	s0 =	sand.u32 $0x1FFFFFF0, s23;
	s28 =	spop (v2sf);
	(v2sf) =	vpush v0, $0xB  }
0xcd: {  	s24 =	sadd.s32 $0x5680, s20;
	s0 =	sadd.s32 s3, s0  }
0xce: {  	[tilespmem:s24], [sflag:$0x2] =	stream.linear.gather [hbm4b:s0+s2], $0x80, $0x38;
	[tilespmem:$0x9400] =	vst v63  }
0xcf: {  	s0 =	sand.u32 $0x1FFFFFF0, s25  }
0xd0: {  	s26 =	sadd.s32 $0x5700, s20;
	s0 =	sadd.s32 s3, s0;
	s30 =	spop (v2sf);
	(v2sf) =	vpush v0, $0xC  }
0xd1: {  	[tilespmem:s26], [sflag:$0x2] =	stream.linear.gather [hbm4b:s0+s2], $0x80, $0x38;
	[tilespmem:$0x9400] =	vst v63  }
0xd2: {  	s0 =	sand.u32 $0x1FFFFFF0, s28  }
0xd3: {  	s29 =	sadd.s32 $0x5780, s20;
	s0 =	sadd.s32 s3, s0;
	s5 =	spop (v2sf);
	(v2sf) =	vpush v0, $0xD  }
0xd4: {  	[tilespmem:s29], [sflag:$0x2] =	stream.linear.gather [hbm4b:s0+s2], $0x80, $0x38;
	[tilespmem:$0x9400] =	vst v63  }
0xd5: {  	s0 =	sand.u32 $0x1FFFFFF0, s30  }
0xd6: {  	s31 =	sadd.s32 $0x5800, s20;
	s0 =	sadd.s32 s3, s0;
	s8 =	spop (v2sf);
	(v2sf) =	vpush v0, $0xE  }
0xd7: {  	[tilespmem:s31], [sflag:$0x2] =	stream.linear.gather [hbm4b:s0+s2], $0x80, $0x38;
	[tilespmem:$0x9400] =	vst v63  }
0xd8: {  	s0 =	sand.u32 $0x1FFFFFF0, s5  }
0xd9: {  	s7 =	sadd.s32 $0x5880, s20;
	s0 =	sadd.s32 s3, s0  }
0xda: {  	[tilespmem:s7], [sflag:$0x2] =	stream.linear.gather [hbm4b:s0+s2], $0x80, $0x38;
	[tilespmem:$0x9400] =	vst v63  }
0xdb: {  	s0 =	sand.u32 $0x1FFFFFF0, s8;
	s13 =	spop (v2sf);
	(v2sf) =	vpush v0, $0xF  }
0xdc: {  	s10 =	sadd.s32 $0x5900, s20;
	s0 =	sadd.s32 s3, s0  }
0xdd: {  	[tilespmem:s10], [sflag:$0x2] =	stream.linear.gather [hbm4b:s0+s2], $0x80, $0x38;
	[tilespmem:$0x9400] =	vst v63  }
0xde: {  	s0 =	sand.u32 $0x1FFFFFF0, s13  }
0xdf: {  	s14 =	sadd.s32 $0x5980, s20;
	s0 =	sadd.s32 s3, s0;
	s15 =	spop (v2sf)  }
0xe0: {  	[tilespmem:s14], [sflag:$0x2] =	stream.linear.gather [hbm4b:s0+s2], $0x80, $0x38;
	[tilespmem:$0x9400] =	vst v63  }
0xe1: {  	s0 =	sand.u32 $0x1FFFFFF0, s15  }
0xe2: {  	s21 =	sadd.s32 $0x5A00, s20;
	s22 =	spop (v2sf);
	s0 =	sadd.s32 s3, s0  }
0xe3: {  	[tilespmem:s21], [sflag:$0x2] =	stream.linear.gather [hbm4b:s0+s2], $0x80, $0x38;
	[tilespmem:$0x9400] =	vst v63  }
0xe4: {  	s0 =	sand.u32 $0x1FFFFFF0, s22  }
0xe5: {  	s23 =	sadd.s32 $0x5A80, s20;
	s24 =	spop (v2sf);
	s0 =	sadd.s32 s3, s0  }
0xe6: {  	[tilespmem:s23], [sflag:$0x2] =	stream.linear.gather [hbm4b:s0+s2], $0x80, $0x38;
	[tilespmem:$0x9400] =	vst v63  }
0xe7: {  	s0 =	sand.u32 $0x1FFFFFF0, s24  }
0xe8: {  	s25 =	sadd.s32 $0x5B00, s20;
	s0 =	sadd.s32 s3, s0  }
0xe9: {  	[tilespmem:s25], [sflag:$0x2] =	stream.linear.gather [hbm4b:s0+s2], $0x80, $0x38;
	[tilespmem:$0x9400] =	vst v63  }
0xea: {  	s26 =	spop (v2sf)  }
0xeb: {  	s0 =	sand.u32 $0x1FFFFFF0, s26  }
0xec: {  	s28 =	sadd.s32 $0x5B80, s20;
	s29 =	sshll.u32 s18, $0xF;
	s0 =	sadd.s32 s3, s0  }
0xed: {  	[tilespmem:s28], [sflag:$0x2] =	stream.linear.gather [hbm4b:s0+s2], $0x80, $0x38;
	[tilespmem:$0x9400] =	vst v63  }
0xee: {  	s30 =	simm.s32 $0x1400;
	s0 =	sadd.s32 s6, s29;
	_ =	swait.ge [sflag:s9], $0x4000  }
0xef: {  	s18 =	sadd.s32 $0x1, s18;
	s0 =	sshrl.u32 s0, $0x3;
	[sflag:s9] =	ssyncset.done $0x0  }
0xf0: {  	p0 =	sne.s32 s18, $0x14;
	s0 =	sadd.s32 s4, s0;
	[sflag:s9] =	ssyncadd.s32 $0xFFFFC000  }
0xf1: {  	[hbm4b:s0+s2] =	stream.linear.scatter [tilespmem:s30], [sflag:$0x3], $0x4000, $0x38;
	[tilespmem:$0x9400] =	vst v63  }
.Ltmp2:
0xf2: {  	s31 =	sshll.u32 s19, $0xE;
	(pc) =	sbr.rel @p0 .LBB2_2-.Ltmp2, $4  }
0xf3: {  	s0 =	sadd.s32 s6, s31;
	_ =	swait.ge [sflag:s11], $0x4000  }
0xf4: {  	s17 =	sadd.s32 $0x100, s17;
	s0 =	sshrl.u32 s0, $0x3;
	[sflag:s11] =	ssyncset.done $0x0  }
0xf5: {  	s16 =	sadd.s32 $0x100, s16;
	s0 =	sadd.s32 s4, s0;
	[sflag:s11] =	ssyncadd.s32 $0xFFFFC000  }
0xf6: {  	[hbm4b:s0+s2] =	stream.linear.scatter [tilespmem:s12], [sflag:$0x4], $0x4000, $0x38;
	[tilespmem:$0x9400] =	vst v63  }
0xf7: {  	s0 =	simm.s32 $0x3  }
0xf8: {  	_ =	swait.ge [sflag:s0], $0x4000  }
0xf9: {  	[sflag:s0] =	ssyncset.done $0x0  }
0xfa: {  	s1 =	simm.s32 $0x4;
	[sflag:s0] =	ssyncadd.s32 $0xFFFFC000  }
0xfb: {  	_ =	swait.ge [sflag:s1], $0x4000  }
0xfc: {  	s5 =	rddreg [dreg:$0x5]  }
0xfd: {  	s31 =	rddreg [dreg:$0x4];
	s5 =	sadd.s32 $0x1, s5  }
0xfe: {  	p0 =	sne.s32 s5, s31  }
.Ltmp3:
0xff: {  	_ = 	snop;
	(pc) =	sbr.rel @p0 .LBB2_1-.Ltmp3, $3  }
0x100: {  	_ =	sdelay $0x1  }
0x101: {  	[sflag:s1] =	ssyncset.done $0x0  }
0x102: {  	[sflag:s1] =	ssyncadd.s32 $0xFFFFC000  }
0x103: {  	_ =	sfence.sel $0x180000  }
0x104: {  	[bflag:$0x0] =	sbarrier.arrive $0xFFFF  }
0x105: {  	_ =	strace $0x90000047  }
0x106: {  	s0 =	stileid.u32;
	[bflag:$0x2] =	sbarrier.arrive $0xFFFF  }
0x107: {  	p0 =	sne.s32 s0, $0x0;
	s0 =	rddreg [dreg:$0x2]  }
0x108: {  	s0 =	sadd.s32 @!p0 $0x100000, s0  }
0x109: {  	[sflag:s0] =	ssyncadd.tile.s32 @!p0 $0x1;
	_ =	shalt  }
.Lfunc_end2:
_tile_overlayer_lowered:
.L_overlay_start_2:
0x10a: {  	(tag) =	ssettag $0x2  }
0x10b: {  	s0 =	rddreg [dreg:$0x0];
	s2 =	stileid.u32  }
0x10c: {  	s1 =	rddreg [dreg:$0x1];
	p0 =	sne.s32 s2, $0x0  }
0x10d: {  	s3 =	rddreg [dreg:$0x2];
	[bflag:$0x3] =	sbarrier.arrive $0xFFFF;
	s2 =	simm.s32 @!p0 $0x1C05  }
0x10e: {  	[timem:s3], [sflag:s2] =	dma.local @!p0 [hbm:s0], s1  }
0x10f: {  	s0 =	simm.s32 @!p0 $0x5  }
0x110: {  	_ =	swait.ge @!p0 [sflag:s0], s1  }
0x111: {  	s1 =	ssub.s32 @!p0 $0x0, s1;
	[sflag:s0] =	ssyncset.done @!p0 $0x0  }
0x112: {  	[sflag:s0] =	ssyncadd.s32 @!p0 s1  }
0x113: {  	[bflag:$0x3] =	sbarrier.arrive $0xFFFF  }
0x114: {  	_ =	shalt  }

</sc_bundles>
